<compile_context>
chip_gen: v7x
topology: tpu7x:2x2x1
jax: 0.10.2.dev20260603
libtpu: 0.0.44.dev20260713+nightly
codegen_flags: <defaults>
</compile_context>

<pallas_src>
import dataclasses
import jax
import jax.numpy as jnp
from jax import lax
from jax.experimental import pallas as pl
from jax.experimental.pallas import tpu as pltpu
from jax.experimental.pallas import tpu_sc as plsc

_N = 10000
_E = 320000
_D = 128
_R = 200
_SLOPE = (1.0 / 8.0 + 1.0 / 3.0) / 2.0
_NC = 2
_NS = 16
_NW = _NC * _NS
_EPT = _E // _NW
_CHUNK = 80
_EPT2 = _EPT
_NCHUNK = _EPT2 // _CHUNK
_NA = _N
_RPT = 624
_CHUNK_DEG = 400
_NT = _N + _R

def _sc_compiler_params():
    cp = pltpu.CompilerParams()
    if "needs_layout_passes" in pltpu.CompilerParams.__dataclass_fields__:
        cp = dataclasses.replace(cp, needs_layout_passes=False)
    return cp



def _mm_block(x_ref, w1_ref, w2_ref, o1_ref, o2_ref):
    x = x_ref[...]
    o1_ref[...] = jnp.dot(x, w1_ref[...], preferred_element_type=jnp.float32)
    o2_ref[...] = jnp.dot(x, w2_ref[...], preferred_element_type=jnp.float32)


def _mm2(x, w1, w2):
    rows = x.shape[0]
    bm = 1024
    grid = pl.cdiv(rows, bm)
    return pl.pallas_call(
        _mm_block,
        grid=(grid,),
        in_specs=[
            pl.BlockSpec((bm, _D), lambda i: (i, 0)),
            pl.BlockSpec((_D, w1.shape[1]), lambda i: (0, 0)),
            pl.BlockSpec((_D, w2.shape[1]), lambda i: (0, 0)),
        ],
        out_specs=[
            pl.BlockSpec((bm, w1.shape[1]), lambda i: (i, 0)),
            pl.BlockSpec((bm, w2.shape[1]), lambda i: (i, 0)),
        ],
        out_shape=[
            jax.ShapeDtypeStruct((rows, w1.shape[1]), jnp.float32),
            jax.ShapeDtypeStruct((rows, w2.shape[1]), jnp.float32),
        ],
    )(x, w1, w2)



def _apply_block(p_ref, deg_ref, norm_ref, si_ref, o_ref):
    agg = p_ref[0] + p_ref[1]
    deg = jnp.sum(deg_ref[...], axis=0)[:, None]
    iso = deg == 0.0
    si = si_ref[...]
    sm = jnp.where(iso, si[:, _D:], si[:, :_D])
    pre = agg * norm_ref[...] + sm
    o_ref[...] = jnp.where(pre >= 0.0, pre, jnp.float32(_SLOPE) * pre)


def _apply(parts, deg, norm, si):
    bm = 1024
    grid = pl.cdiv(_N, bm)
    return pl.pallas_call(
        _apply_block,
        grid=(grid,),
        in_specs=[
            pl.BlockSpec((2, bm, _D), lambda i: (0, i, 0)),
            pl.BlockSpec((_NW, bm), lambda i: (0, i)),
            pl.BlockSpec((bm, 1), lambda i: (i, 0)),
            pl.BlockSpec((bm, 2 * _D), lambda i: (i, 0)),
        ],
        out_specs=pl.BlockSpec((bm, _D), lambda i: (i, 0)),
        out_shape=jax.ShapeDtypeStruct((_N, _D), jnp.float32),
    )(parts, deg, norm, si)



def _make_deg():
    mesh = plsc.VectorSubcoreMesh(core_axis_name="c", subcore_axis_name="s")
    outs = [jax.ShapeDtypeStruct((_NW * _N,), jnp.float32)]
    scratch = [
        pltpu.VMEM((_CHUNK_DEG,), jnp.int32),
        pltpu.VMEM((_N,), jnp.float32),
    ]

    def body(dst_hbm, z1_hbm, deg_hbm, dst_v, deg_t):
        c = lax.axis_index("c")
        s = lax.axis_index("s")
        wid = s * _NC + c
        pltpu.sync_copy(z1_hbm, deg_t)

        @pl.loop(0, _EPT // _CHUNK_DEG)
        def _(i):
            ebase = wid * _EPT + i * _CHUNK_DEG
            pltpu.sync_copy(dst_hbm.at[pl.ds(ebase, _CHUNK_DEG)], dst_v)
            for j in range(_CHUNK_DEG // 16):
                idx16 = dst_v[pl.ds(j * 16, 16)]
                plsc.addupdate_scatter(deg_t, [idx16],
                                       jnp.full((16,), 1.0, jnp.float32))

        pltpu.sync_copy(deg_t, deg_hbm.at[pl.ds(wid * _N, _N)])

    return pl.kernel(body, out_type=outs, mesh=mesh, scratch_types=scratch,
                     compiler_params=_sc_compiler_params())


def _make_sc():
    outs = [jax.ShapeDtypeStruct((_NC * _NA, _D), jnp.float32)]
    scratch = []
    for _slot in range(2):
        scratch += [
            pltpu.VMEM((2, _CHUNK), jnp.int32),
            pltpu.VMEM((_CHUNK,), jnp.int32),
            pltpu.VMEM((_CHUNK, _D), jnp.float32),
            pltpu.VMEM((_CHUNK, _D), jnp.float32),
            pltpu.SemaphoreType.DMA,
            pltpu.SemaphoreType.DMA,
            pltpu.SemaphoreType.DMA,
            pltpu.SemaphoreType.DMA,
        ]
    scratch.append(pltpu.VMEM_SHARED((_NA, _D), jnp.float32))
    scratch.append(pltpu.VMEM_SHARED((_R, _D), jnp.float32))
    mesh = plsc.VectorSubcoreMesh(core_axis_name="c", subcore_axis_name="s")

    def body(t_hbm, srel_hbm, dst_hbm, z128_hbm, agg_hbm,
             isr0, dst0, bufa0, bufb0, sa0, sb0, ss0, si0,
             isr1, dst1, bufa1, bufb1, sa1, sb1, ss1, si1,
             acc_sh, rw_sh):
        c = lax.axis_index("c")
        s = lax.axis_index("s")
        wid = s * _NC + c
        rbase = s * _RPT
        tail = _NA - _NS * _RPT
        slots = ((isr0, dst0, bufa0, bufb0, sa0, sb0, ss0, si0),
                 (isr1, dst1, bufa1, bufb1, sa1, sb1, ss1, si1))

        pltpu.sync_copy(z128_hbm.at[pl.ds(rbase, _RPT)],
                        acc_sh.at[pl.ds(rbase, _RPT)])

        @pl.when(s == _NS - 1)
        def _():
            pltpu.sync_copy(z128_hbm.at[pl.ds(_NS * _RPT, tail)],
                            acc_sh.at[pl.ds(_NS * _RPT, tail)])

        @pl.when(s == 0)
        def _():
            pltpu.sync_copy(t_hbm.at[pl.ds(_N, _R)], rw_sh)

        plsc.subcore_barrier()

        def start_isr(k, i):
            isr_v, sem_i = slots[k][0], slots[k][7]
            pltpu.async_copy(srel_hbm.at[wid * _NCHUNK + i], isr_v, sem_i)

        def wait_isr(k, i):
            isr_v, sem_i = slots[k][0], slots[k][7]
            pltpu.make_async_copy(srel_hbm.at[wid * _NCHUNK + i], isr_v,
                                  sem_i).wait()

        def load_dst(k, i):
            dst_v = slots[k][1]
            pltpu.sync_copy(dst_hbm.at[pl.ds(wid * _EPT2 + i * _CHUNK,
                                             _CHUNK)], dst_v)

        def start_gathers(k):
            isr_v, _, buf_a, buf_b, sem_a, sem_b = slots[k][:6]
            pltpu.async_copy(t_hbm.at[isr_v.at[0]], buf_a, sem_a)
            pltpu.async_copy(rw_sh.at[isr_v.at[1]], buf_b, sem_b)

        def wait_gathers(k):
            isr_v, _, buf_a, buf_b, sem_a, sem_b = slots[k][:6]
            pltpu.make_async_copy(t_hbm.at[isr_v.at[0]], buf_a, sem_a).wait()
            pltpu.make_async_copy(rw_sh.at[isr_v.at[1]], buf_b, sem_b).wait()

        def start_scatters(k):
            dst_v, buf_a, buf_b, sem_s = slots[k][1], slots[k][2], slots[k][3], slots[k][6]
            pltpu.async_copy(buf_a, acc_sh.at[dst_v], sem_s, add=True)
            pltpu.async_copy(buf_b, acc_sh.at[dst_v], sem_s, add=True)

        def wait_scatters(k):
            dst_v, buf_a, buf_b, sem_s = slots[k][1], slots[k][2], slots[k][3], slots[k][6]
            pltpu.make_async_copy(buf_a, acc_sh.at[dst_v], sem_s).wait()
            pltpu.make_async_copy(buf_b, acc_sh.at[dst_v], sem_s).wait()

        start_isr(0, 0)
        wait_isr(0, 0)
        load_dst(0, 0)
        start_gathers(0)
        start_isr(1, 1)
        wait_isr(1, 1)
        load_dst(1, 1)
        start_gathers(1)

        @pl.loop(0, _NCHUNK + 1, step=2)
        def _(i):
            wait_gathers(0)
            start_scatters(0)

            @pl.when(i + 2 < _NCHUNK)
            def _():
                start_isr(0, i + 2)

            @pl.when(i + 1 < _NCHUNK)
            def _():
                wait_gathers(1)
                start_scatters(1)

            @pl.when(i + 3 < _NCHUNK)
            def _():
                start_isr(1, i + 3)

            @pl.when(i + 2 < _NCHUNK)
            def _():
                wait_scatters(0)
                wait_isr(0, i + 2)
                load_dst(0, i + 2)
                start_gathers(0)

            @pl.when(i + 3 < _NCHUNK)
            def _():
                wait_scatters(1)
                wait_isr(1, i + 3)
                load_dst(1, i + 3)
                start_gathers(1)

        wait_scatters(1)
        wait_scatters(0)

        plsc.subcore_barrier()
        pltpu.sync_copy(acc_sh.at[pl.ds(rbase, _RPT)],
                        agg_hbm.at[pl.ds(c * _NA + rbase, _RPT)])

        @pl.when(s == _NS - 1)
        def _():
            pltpu.sync_copy(acc_sh.at[pl.ds(_NS * _RPT, tail)],
                            agg_hbm.at[pl.ds(c * _NA + _NS * _RPT, tail)])

    return pl.kernel(body, out_type=outs, mesh=mesh, scratch_types=scratch)


_SC_CACHE = {}


def _sc(kind):
    if kind not in _SC_CACHE:
        _SC_CACHE[kind] = _make_deg() if kind == "deg" else _make_sc()
    return _SC_CACHE[kind]


@jax.jit
def kernel(ent_embed, rel_embed, norm, edge_index, rel_id,
           W_r0, W_sl0, W_el0, W_r1, W_sl1, W_el1):
    pad = _EPT2 - _EPT
    dst = edge_index[1]
    src2 = jnp.concatenate(
        [edge_index[0].reshape(_NW, _EPT),
         jnp.zeros((_NW, pad), jnp.int32)], axis=1)
    rel2 = jnp.concatenate(
        [rel_id.astype(jnp.int32).reshape(_NW, _EPT),
         jnp.zeros((_NW, pad), jnp.int32)], axis=1)
    dst2 = jnp.concatenate(
        [dst.reshape(_NW, _EPT),
         jnp.full((_NW, pad), _N, jnp.int32)], axis=1).reshape(-1)
    srel = jnp.stack([src2.reshape(_NW * _NCHUNK, _CHUNK),
                      rel2.reshape(_NW * _NCHUNK, _CHUNK)], axis=1)
    z128 = jnp.zeros((_NA, _D), jnp.float32)
    z1 = jnp.zeros((_N,), jnp.float32)
    w1_0 = jnp.concatenate([W_sl0.T, W_el0.T], axis=1)
    w1_1 = jnp.concatenate([W_sl1.T, W_el1.T], axis=1)

    (deg,) = _sc("deg")(dst, z1)
    deg = deg.reshape(_NW, _N)

    x0 = jnp.concatenate([ent_embed, rel_embed], axis=0)
    si0, t0 = _mm2(x0, w1_0, W_r0.T)
    (agg0,) = _sc("main")(t0, srel, dst2, z128)
    agg0 = agg0.reshape(_NC, _NA, _D)
    h1 = _apply(agg0, deg, norm, si0)

    x1 = jnp.concatenate([h1, rel_embed], axis=0)
    si1, t1 = _mm2(x1, w1_1, W_r1.T)
    (agg1,) = _sc("main")(t1, srel, dst2, z128)
    agg1 = agg1.reshape(_NC, _NA, _D)
    h2 = _apply(agg1, deg, norm, si1)
    return h2

# --- scband reference (transcript-rebuilt; emitter-appended) ---
"""Pipeline reference for scband-rgcn-29257317220879 (READ-ONLY COPY).

The authoritative reference and input builder live on the scoring server;
editing this copy changes nothing except your own understanding.
"""

import jax, jax.numpy as jnp
import numpy as np

N = 10000
E = 320000
D = 128
R = 200
NUM_LAYERS = 2
# RReLU in eval mode acts as LeakyReLU with slope = (lower+upper)/2, defaults lower=1/8, upper=1/3
SLOPE = (1.0 / 8.0 + 1.0 / 3.0) / 2.0


def setup_inputs(seed: int = 0) -> dict:
    key = jax.random.key(seed)
    ks = jax.random.split(key, 12)
    scale = 1.0 / np.sqrt(D)
    inp = {}
    inp["ent_embed"] = jax.random.normal(ks[0], (N, D), dtype=jnp.float32)
    inp["rel_embed"] = jax.random.normal(ks[1], (R, D), dtype=jnp.float32)
    inp["norm"] = jax.random.uniform(ks[2], (N, 1), dtype=jnp.float32)
    inp["edge_index"] = jax.random.randint(ks[3], (2, E), 0, N, dtype=jnp.int32)
    inp["rel_id"] = jax.random.randint(ks[4], (E,), 0, R, dtype=jnp.int32)
    # Layer 0 weights (nn.Linear(in, out, bias=False) stores weight as [out, in])
    inp["W_r0"] = jax.random.normal(ks[5], (D, D), dtype=jnp.float32) * scale
    inp["W_sl0"] = jax.random.normal(ks[6], (D, D), dtype=jnp.float32) * scale
    inp["W_el0"] = jax.random.normal(ks[7], (D, D), dtype=jnp.float32) * scale
    # Layer 1 weights
    inp["W_r1"] = jax.random.normal(ks[8], (D, D), dtype=jnp.float32) * scale
    inp["W_sl1"] = jax.random.normal(ks[9], (D, D), dtype=jnp.float32) * scale
    inp["W_el1"] = jax.random.normal(ks[10], (D, D), dtype=jnp.float32) * scale
    return inp


def reference(ent_embed, rel_embed, norm, edge_index, rel_id,
              W_r0, W_sl0, W_el0, W_r1, W_sl1, W_el1):
    src = edge_index[0]
    dst = edge_index[1]
    # graph.edata['h'] = rel_embed[graph.edata['rel_id']]  (set once, reused by all layers)
    e_h = jnp.take(rel_embed, rel_id, axis=0)
    # isolated nodes: in_degree == 0
    in_deg = jnp.bincount(dst, length=N)
    iso = (in_deg == 0)[:, None]
    h = ent_embed
    for (Wr, Wsl, Wel) in ((W_r0, W_sl0, W_el0), (W_r1, W_sl1, W_el1)):
        self_msg = h @ Wsl.T
        iso_msg = h @ Wel.T
        self_msg = jnp.where(iso, iso_msg, self_msg)
        # message_fn: msg = r_linear(rel + src_ent)
        msg = (e_h + jnp.take(h, src, axis=0)) @ Wr.T
        # sum aggregation over destination nodes
        agg = jax.ops.segment_sum(msg, dst, num_segments=N)
        # apply_fn: h = rrelu(agg * norm + self_msg)
        pre = agg * norm + self_msg
        h = jnp.where(pre >= 0, pre, SLOPE * pre)
    return h

if __name__ == "__main__":
    import jax
    _d = setup_inputs()
    print(jax.jit(kernel)(*tuple(_d.values())))

</pallas_src>

<mosaic_0001>
#map = affine_map<(d0, d1) -> (0, 0)>
#map1 = affine_map<(d0, d1) -> (0, 0, 0)>
#map2 = affine_map<(d0, d1) -> (0)>
module attributes {stable_mosaic.version = 14 : i64} {
  func.func @body(%arg0: i32, %arg1: i32, %arg2: memref<10200x128xf32, #tpu.memory_space<hbm>>, %arg3: memref<4000x2x80xi32, #tpu.memory_space<hbm>>, %arg4: memref<320000xi32, #tpu.memory_space<hbm>>, %arg5: memref<10000x128xf32, #tpu.memory_space<hbm>>, %arg6: memref<20000x128xf32, #tpu.memory_space<hbm>>, %arg7: memref<2x80xi32, #tpu.memory_space<vmem>>, %arg8: memref<80xi32, #tpu.memory_space<vmem>>, %arg9: memref<80x128xf32, #tpu.memory_space<vmem>>, %arg10: memref<80x128xf32, #tpu.memory_space<vmem>>, %arg11: memref<!tpu.dma_semaphore, #tpu.memory_space<semaphore_mem>>, %arg12: memref<!tpu.dma_semaphore, #tpu.memory_space<semaphore_mem>>, %arg13: memref<!tpu.dma_semaphore, #tpu.memory_space<semaphore_mem>>, %arg14: memref<!tpu.dma_semaphore, #tpu.memory_space<semaphore_mem>>, %arg15: memref<2x80xi32, #tpu.memory_space<vmem>>, %arg16: memref<80xi32, #tpu.memory_space<vmem>>, %arg17: memref<80x128xf32, #tpu.memory_space<vmem>>, %arg18: memref<80x128xf32, #tpu.memory_space<vmem>>, %arg19: memref<!tpu.dma_semaphore, #tpu.memory_space<semaphore_mem>>, %arg20: memref<!tpu.dma_semaphore, #tpu.memory_space<semaphore_mem>>, %arg21: memref<!tpu.dma_semaphore, #tpu.memory_space<semaphore_mem>>, %arg22: memref<!tpu.dma_semaphore, #tpu.memory_space<semaphore_mem>>, %arg23: memref<10000x128xf32, #tpu.memory_space<vmem_shared>>, %arg24: memref<200x128xf32, #tpu.memory_space<vmem_shared>>) attributes {dimension_semantics = [#tpu.dimension_semantics<core_parallel>, #tpu.dimension_semantics<subcore_parallel>], iteration_bounds = array<i64: 2, 16>, scalar_prefetch = 0 : i64, scratch_operands = 18 : i64, tpu.core_type = #tpu.core_type<sc_vector_subcore>, window_params = [{transform_indices = #map}, {transform_indices = #map1}, {transform_indices = #map2}, {transform_indices = #map}, {transform_indices = #map}]} {
    %mul3A = arith.constant 2 : i32
    %mul3A_0 = arith.muli %arg1, %mul3A : i32
    %add3A = arith.addi %mul3A_0, %arg0 : i32
    %mul3A_1 = arith.constant 624 : i32
    %mul3A_2 = arith.muli %arg1, %mul3A_1 : i32
    "tpu.region"() ({
      %run_scoped3A = tpu.sem_alloc : memref<!tpu.dma_semaphore, #tpu.memory_space<semaphore_mem>>
      %dma_start3A_117 = arith.constant 0 : i32
      %dma_start3A_118 = tpu.memref_slice %arg23[%mul3A_2, %dma_start3A_117] : memref<10000x128xf32, #tpu.memory_space<vmem_shared>> -> memref<624x128xf32, #tpu.memory_space<vmem_shared>>
      %dma_start3A_119 = arith.constant 0 : i32
      %dma_start3A_120 = tpu.memref_slice %arg5[%mul3A_2, %dma_start3A_119] : memref<10000x128xf32, #tpu.memory_space<hbm>> -> memref<624x128xf32, #tpu.memory_space<hbm>>
      tpu.enqueue_dma source(%dma_start3A_120 : memref<624x128xf32, #tpu.memory_space<hbm>>) target(%dma_start3A_118 : memref<624x128xf32, #tpu.memory_space<vmem_shared>>) target_semaphore(%run_scoped3A : memref<!tpu.dma_semaphore, #tpu.memory_space<semaphore_mem>>)
      %dma_wait3A_121 = arith.constant 0 : i32
      %dma_wait3A_122 = tpu.memref_slice %arg23[%mul3A_2, %dma_wait3A_121] : memref<10000x128xf32, #tpu.memory_space<vmem_shared>> -> memref<624x128xf32, #tpu.memory_space<vmem_shared>>
      %dma_wait3A_123 = arith.constant 0 : i32
      %dma_wait3A_124 = tpu.memref_slice %arg5[%mul3A_2, %dma_wait3A_123] : memref<10000x128xf32, #tpu.memory_space<hbm>> -> memref<624x128xf32, #tpu.memory_space<hbm>>
      tpu.wait_dma2 semaphore(%run_scoped3A : memref<!tpu.dma_semaphore, #tpu.memory_space<semaphore_mem>>) src(%dma_wait3A_124 : memref<624x128xf32, #tpu.memory_space<hbm>>) dst(%dma_wait3A_122 : memref<624x128xf32, #tpu.memory_space<vmem_shared>>)
      tpu.yield
    }) : () -> ()
    %eq3A = arith.constant 15 : i32
    %eq3A_3 = arith.cmpi eq, %arg1, %eq3A : i32
    %convert_element_type3A = arith.extui %eq3A_3 : i1 to i32
    %cond3A = arith.constant 0 : i32
    %cond3A_4 = arith.cmpi ne, %convert_element_type3A, %cond3A : i32
    scf.if %cond3A_4 {
      "tpu.region"() ({
        %run_scoped3A = tpu.sem_alloc : memref<!tpu.dma_semaphore, #tpu.memory_space<semaphore_mem>>
        %dma_start3A_117 = arith.constant 9984 : i32
        %dma_start3A_118 = arith.constant 0 : i32
        %dma_start3A_119 = tpu.memref_slice %arg23[%dma_start3A_117, %dma_start3A_118] : memref<10000x128xf32, #tpu.memory_space<vmem_shared>> -> memref<16x128xf32, #tpu.memory_space<vmem_shared>>
        %dma_start3A_120 = arith.constant 9984 : i32
        %dma_start3A_121 = arith.constant 0 : i32
        %dma_start3A_122 = tpu.memref_slice %arg5[%dma_start3A_120, %dma_start3A_121] : memref<10000x128xf32, #tpu.memory_space<hbm>> -> memref<16x128xf32, #tpu.memory_space<hbm>>
        tpu.enqueue_dma source(%dma_start3A_122 : memref<16x128xf32, #tpu.memory_space<hbm>>) target(%dma_start3A_119 : memref<16x128xf32, #tpu.memory_space<vmem_shared>>) target_semaphore(%run_scoped3A : memref<!tpu.dma_semaphore, #tpu.memory_space<semaphore_mem>>)
        %dma_wait3A_123 = arith.constant 9984 : i32
        %dma_wait3A_124 = arith.constant 0 : i32
        %dma_wait3A_125 = tpu.memref_slice %arg23[%dma_wait3A_123, %dma_wait3A_124] : memref<10000x128xf32, #tpu.memory_space<vmem_shared>> -> memref<16x128xf32, #tpu.memory_space<vmem_shared>>
        %dma_wait3A_126 = arith.constant 9984 : i32
        %dma_wait3A_127 = arith.constant 0 : i32
        %dma_wait3A_128 = tpu.memref_slice %arg5[%dma_wait3A_126, %dma_wait3A_127] : memref<10000x128xf32, #tpu.memory_space<hbm>> -> memref<16x128xf32, #tpu.memory_space<hbm>>
        tpu.wait_dma2 semaphore(%run_scoped3A : memref<!tpu.dma_semaphore, #tpu.memory_space<semaphore_mem>>) src(%dma_wait3A_128 : memref<16x128xf32, #tpu.memory_space<hbm>>) dst(%dma_wait3A_125 : memref<16x128xf32, #tpu.memory_space<vmem_shared>>)
        tpu.yield
      }) : () -> ()
    } else {
    }
    %eq3A_5 = arith.constant 0 : i32
    %eq3A_6 = arith.cmpi eq, %arg1, %eq3A_5 : i32
    %convert_element_type3A_7 = arith.extui %eq3A_6 : i1 to i32
    %cond3A_8 = arith.constant 0 : i32
    %cond3A_9 = arith.cmpi ne, %convert_element_type3A_7, %cond3A_8 : i32
    scf.if %cond3A_9 {
      "tpu.region"() ({
        %run_scoped3A = tpu.sem_alloc : memref<!tpu.dma_semaphore, #tpu.memory_space<semaphore_mem>>
        %dma_start3A_117 = arith.constant 10000 : i32
        %dma_start3A_118 = arith.constant 0 : i32
        %dma_start3A_119 = tpu.memref_slice %arg2[%dma_start3A_117, %dma_start3A_118] : memref<10200x128xf32, #tpu.memory_space<hbm>> -> memref<200x128xf32, #tpu.memory_space<hbm>>
        tpu.enqueue_dma source(%dma_start3A_119 : memref<200x128xf32, #tpu.memory_space<hbm>>) target(%arg24 : memref<200x128xf32, #tpu.memory_space<vmem_shared>>) target_semaphore(%run_scoped3A : memref<!tpu.dma_semaphore, #tpu.memory_space<semaphore_mem>>)
        %dma_wait3A_120 = arith.constant 10000 : i32
        %dma_wait3A_121 = arith.constant 0 : i32
        %dma_wait3A_122 = tpu.memref_slice %arg2[%dma_wait3A_120, %dma_wait3A_121] : memref<10200x128xf32, #tpu.memory_space<hbm>> -> memref<200x128xf32, #tpu.memory_space<hbm>>
        tpu.wait_dma2 semaphore(%run_scoped3A : memref<!tpu.dma_semaphore, #tpu.memory_space<semaphore_mem>>) src(%dma_wait3A_122 : memref<200x128xf32, #tpu.memory_space<hbm>>) dst(%arg24 : memref<200x128xf32, #tpu.memory_space<vmem_shared>>)
        tpu.yield
      }) : () -> ()
    } else {
    }
    %barrier3A = arith.constant 0 : index
    tpu.barrier barrier_id(%barrier3A)
    %mul3A_10 = arith.constant 125 : i32
    %mul3A_11 = arith.muli %add3A, %mul3A_10 : i32
    %add3A_12 = arith.constant 0 : i32
    %add3A_13 = arith.addi %mul3A_11, %add3A_12 : i32
    %dma_start3A = arith.constant 0 : i32
    %dma_start3A_14 = arith.constant 0 : i32
    %dma_start3A_15 = tpu.memref_slice %arg3[%add3A_13, %dma_start3A, %dma_start3A_14] : memref<4000x2x80xi32, #tpu.memory_space<hbm>> -> memref<1x2x80xi32, #tpu.memory_space<hbm>>
    %dma_start3A_16 = tpu.memref_squeeze %dma_start3A_15 : memref<1x2x80xi32, #tpu.memory_space<hbm>> -> memref<2x80xi32, #tpu.memory_space<hbm>>
    %dma_start3A_17 = arith.constant 0 : i32
    %dma_start3A_18 = arith.constant 0 : i32
    %dma_start3A_19 = tpu.memref_slice %arg3[%add3A_13, %dma_start3A_17, %dma_start3A_18] : memref<4000x2x80xi32, #tpu.memory_space<hbm>> -> memref<1x2x80xi32, #tpu.memory_space<hbm>>
    %dma_start3A_20 = tpu.memref_squeeze %dma_start3A_19 : memref<1x2x80xi32, #tpu.memory_space<hbm>> -> memref<2x80xi32, #tpu.memory_space<hbm>>
    tpu.enqueue_dma source(%dma_start3A_20 : memref<2x80xi32, #tpu.memory_space<hbm>>) target(%arg7 : memref<2x80xi32, #tpu.memory_space<vmem>>) target_semaphore(%arg14 : memref<!tpu.dma_semaphore, #tpu.memory_space<semaphore_mem>>)
    %mul3A_21 = arith.constant 125 : i32
    %mul3A_22 = arith.muli %add3A, %mul3A_21 : i32
    %add3A_23 = arith.constant 0 : i32
    %add3A_24 = arith.addi %mul3A_22, %add3A_23 : i32
    %dma_wait3A = arith.constant 0 : i32
    %dma_wait3A_25 = arith.constant 0 : i32
    %dma_wait3A_26 = tpu.memref_slice %arg3[%add3A_24, %dma_wait3A, %dma_wait3A_25] : memref<4000x2x80xi32, #tpu.memory_space<hbm>> -> memref<1x2x80xi32, #tpu.memory_space<hbm>>
    %dma_wait3A_27 = tpu.memref_squeeze %dma_wait3A_26 : memref<1x2x80xi32, #tpu.memory_space<hbm>> -> memref<2x80xi32, #tpu.memory_space<hbm>>
    %dma_wait3A_28 = arith.constant 0 : i32
    %dma_wait3A_29 = arith.constant 0 : i32
    %dma_wait3A_30 = tpu.memref_slice %arg3[%add3A_24, %dma_wait3A_28, %dma_wait3A_29] : memref<4000x2x80xi32, #tpu.memory_space<hbm>> -> memref<1x2x80xi32, #tpu.memory_space<hbm>>
    %dma_wait3A_31 = tpu.memref_squeeze %dma_wait3A_30 : memref<1x2x80xi32, #tpu.memory_space<hbm>> -> memref<2x80xi32, #tpu.memory_space<hbm>>
    tpu.wait_dma2 semaphore(%arg14 : memref<!tpu.dma_semaphore, #tpu.memory_space<semaphore_mem>>) src(%dma_wait3A_31 : memref<2x80xi32, #tpu.memory_space<hbm>>) dst(%arg7 : memref<2x80xi32, #tpu.memory_space<vmem>>)
    %mul3A_32 = arith.constant 10000 : i32
    %mul3A_33 = arith.muli %add3A, %mul3A_32 : i32
    %add3A_34 = arith.constant 0 : i32
    %add3A_35 = arith.addi %mul3A_33, %add3A_34 : i32
    "tpu.region"() ({
      %run_scoped3A = tpu.sem_alloc : memref<!tpu.dma_semaphore, #tpu.memory_space<semaphore_mem>>
      %dma_start3A_117 = tpu.memref_slice %arg4[%add3A_35] : memref<320000xi32, #tpu.memory_space<hbm>> -> memref<80xi32, #tpu.memory_space<hbm>>
      %dma_start3A_118 = tpu.memref_slice %arg4[%add3A_35] : memref<320000xi32, #tpu.memory_space<hbm>> -> memref<80xi32, #tpu.memory_space<hbm>>
      tpu.enqueue_dma source(%dma_start3A_118 : memref<80xi32, #tpu.memory_space<hbm>>) target(%arg8 : memref<80xi32, #tpu.memory_space<vmem>>) target_semaphore(%run_scoped3A : memref<!tpu.dma_semaphore, #tpu.memory_space<semaphore_mem>>)
      %dma_wait3A_119 = tpu.memref_slice %arg4[%add3A_35] : memref<320000xi32, #tpu.memory_space<hbm>> -> memref<80xi32, #tpu.memory_space<hbm>>
      %dma_wait3A_120 = tpu.memref_slice %arg4[%add3A_35] : memref<320000xi32, #tpu.memory_space<hbm>> -> memref<80xi32, #tpu.memory_space<hbm>>
      tpu.wait_dma2 semaphore(%run_scoped3A : memref<!tpu.dma_semaphore, #tpu.memory_space<semaphore_mem>>) src(%dma_wait3A_120 : memref<80xi32, #tpu.memory_space<hbm>>) dst(%arg8 : memref<80xi32, #tpu.memory_space<vmem>>)
      tpu.yield
    }) : () -> ()
    %dma_start3A_36 = arith.constant 0 : i32
    %dma_start3A_37 = arith.constant 0 : i32
    %dma_start3A_38 = tpu.memref_slice %arg7[%dma_start3A_36, %dma_start3A_37] : memref<2x80xi32, #tpu.memory_space<vmem>> -> memref<1x80xi32, #tpu.memory_space<vmem>>
    %dma_start3A_39 = tpu.memref_squeeze %dma_start3A_38 : memref<1x80xi32, #tpu.memory_space<vmem>> -> memref<80xi32, #tpu.memory_space<vmem>>
    %dma_start3A_40 = arith.constant 0 : i32
    %dma_start3A_41 = arith.constant 0 : i32
    %dma_start3A_42 = tpu.memref_slice %arg2[%dma_start3A_40, %dma_start3A_41] : memref<10200x128xf32, #tpu.memory_space<hbm>> -> memref<10200x128xf32, #tpu.memory_space<hbm>>
    tpu.enqueue_indirect_dma source(%dma_start3A_42 : memref<10200x128xf32, #tpu.memory_space<hbm>>) target(%arg9 : memref<80x128xf32, #tpu.memory_space<vmem>>) offsets(%dma_start3A_39 : memref<80xi32, #tpu.memory_space<vmem>>) semaphore(%arg11 : memref<!tpu.dma_semaphore, #tpu.memory_space<semaphore_mem>>)
    %dma_start3A_43 = arith.constant 1 : i32
    %dma_start3A_44 = arith.constant 0 : i32
    %dma_start3A_45 = tpu.memref_slice %arg7[%dma_start3A_43, %dma_start3A_44] : memref<2x80xi32, #tpu.memory_space<vmem>> -> memref<1x80xi32, #tpu.memory_space<vmem>>
    %dma_start3A_46 = tpu.memref_squeeze %dma_start3A_45 : memref<1x80xi32, #tpu.memory_space<vmem>> -> memref<80xi32, #tpu.memory_space<vmem>>
    %dma_start3A_47 = arith.constant 0 : i32
    %dma_start3A_48 = arith.constant 0 : i32
    %dma_start3A_49 = tpu.memref_slice %arg24[%dma_start3A_47, %dma_start3A_48] : memref<200x128xf32, #tpu.memory_space<vmem_shared>> -> memref<200x128xf32, #tpu.memory_space<vmem_shared>>
    tpu.enqueue_indirect_dma source(%dma_start3A_49 : memref<200x128xf32, #tpu.memory_space<vmem_shared>>) target(%arg10 : memref<80x128xf32, #tpu.memory_space<vmem>>) offsets(%dma_start3A_46 : memref<80xi32, #tpu.memory_space<vmem>>) semaphore(%arg12 : memref<!tpu.dma_semaphore, #tpu.memory_space<semaphore_mem>>)
    %mul3A_50 = arith.constant 125 : i32
    %mul3A_51 = arith.muli %add3A, %mul3A_50 : i32
    %add3A_52 = arith.constant 1 : i32
    %add3A_53 = arith.addi %mul3A_51, %add3A_52 : i32
    %dma_start3A_54 = arith.constant 0 : i32
    %dma_start3A_55 = arith.constant 0 : i32
    %dma_start3A_56 = tpu.memref_slice %arg3[%add3A_53, %dma_start3A_54, %dma_start3A_55] : memref<4000x2x80xi32, #tpu.memory_space<hbm>> -> memref<1x2x80xi32, #tpu.memory_space<hbm>>
    %dma_start3A_57 = tpu.memref_squeeze %dma_start3A_56 : memref<1x2x80xi32, #tpu.memory_space<hbm>> -> memref<2x80xi32, #tpu.memory_space<hbm>>
    %dma_start3A_58 = arith.constant 0 : i32
    %dma_start3A_59 = arith.constant 0 : i32
    %dma_start3A_60 = tpu.memref_slice %arg3[%add3A_53, %dma_start3A_58, %dma_start3A_59] : memref<4000x2x80xi32, #tpu.memory_space<hbm>> -> memref<1x2x80xi32, #tpu.memory_space<hbm>>
    %dma_start3A_61 = tpu.memref_squeeze %dma_start3A_60 : memref<1x2x80xi32, #tpu.memory_space<hbm>> -> memref<2x80xi32, #tpu.memory_space<hbm>>
    tpu.enqueue_dma source(%dma_start3A_61 : memref<2x80xi32, #tpu.memory_space<hbm>>) target(%arg15 : memref<2x80xi32, #tpu.memory_space<vmem>>) target_semaphore(%arg22 : memref<!tpu.dma_semaphore, #tpu.memory_space<semaphore_mem>>)
    %mul3A_62 = arith.constant 125 : i32
    %mul3A_63 = arith.muli %add3A, %mul3A_62 : i32
    %add3A_64 = arith.constant 1 : i32
    %add3A_65 = arith.addi %mul3A_63, %add3A_64 : i32
    %dma_wait3A_66 = arith.constant 0 : i32
    %dma_wait3A_67 = arith.constant 0 : i32
    %dma_wait3A_68 = tpu.memref_slice %arg3[%add3A_65, %dma_wait3A_66, %dma_wait3A_67] : memref<4000x2x80xi32, #tpu.memory_space<hbm>> -> memref<1x2x80xi32, #tpu.memory_space<hbm>>
    %dma_wait3A_69 = tpu.memref_squeeze %dma_wait3A_68 : memref<1x2x80xi32, #tpu.memory_space<hbm>> -> memref<2x80xi32, #tpu.memory_space<hbm>>
    %dma_wait3A_70 = arith.constant 0 : i32
    %dma_wait3A_71 = arith.constant 0 : i32
    %dma_wait3A_72 = tpu.memref_slice %arg3[%add3A_65, %dma_wait3A_70, %dma_wait3A_71] : memref<4000x2x80xi32, #tpu.memory_space<hbm>> -> memref<1x2x80xi32, #tpu.memory_space<hbm>>
    %dma_wait3A_73 = tpu.memref_squeeze %dma_wait3A_72 : memref<1x2x80xi32, #tpu.memory_space<hbm>> -> memref<2x80xi32, #tpu.memory_space<hbm>>
    tpu.wait_dma2 semaphore(%arg22 : memref<!tpu.dma_semaphore, #tpu.memory_space<semaphore_mem>>) src(%dma_wait3A_73 : memref<2x80xi32, #tpu.memory_space<hbm>>) dst(%arg15 : memref<2x80xi32, #tpu.memory_space<vmem>>)
    %mul3A_74 = arith.constant 10000 : i32
    %mul3A_75 = arith.muli %add3A, %mul3A_74 : i32
    %add3A_76 = arith.constant 80 : i32
    %add3A_77 = arith.addi %mul3A_75, %add3A_76 : i32
    "tpu.region"() ({
      %run_scoped3A = tpu.sem_alloc : memref<!tpu.dma_semaphore, #tpu.memory_space<semaphore_mem>>
      %dma_start3A_117 = tpu.memref_slice %arg4[%add3A_77] : memref<320000xi32, #tpu.memory_space<hbm>> -> memref<80xi32, #tpu.memory_space<hbm>>
      %dma_start3A_118 = tpu.memref_slice %arg4[%add3A_77] : memref<320000xi32, #tpu.memory_space<hbm>> -> memref<80xi32, #tpu.memory_space<hbm>>
      tpu.enqueue_dma source(%dma_start3A_118 : memref<80xi32, #tpu.memory_space<hbm>>) target(%arg16 : memref<80xi32, #tpu.memory_space<vmem>>) target_semaphore(%run_scoped3A : memref<!tpu.dma_semaphore, #tpu.memory_space<semaphore_mem>>)
      %dma_wait3A_119 = tpu.memref_slice %arg4[%add3A_77] : memref<320000xi32, #tpu.memory_space<hbm>> -> memref<80xi32, #tpu.memory_space<hbm>>
      %dma_wait3A_120 = tpu.memref_slice %arg4[%add3A_77] : memref<320000xi32, #tpu.memory_space<hbm>> -> memref<80xi32, #tpu.memory_space<hbm>>
      tpu.wait_dma2 semaphore(%run_scoped3A : memref<!tpu.dma_semaphore, #tpu.memory_space<semaphore_mem>>) src(%dma_wait3A_120 : memref<80xi32, #tpu.memory_space<hbm>>) dst(%arg16 : memref<80xi32, #tpu.memory_space<vmem>>)
      tpu.yield
    }) : () -> ()
    %dma_start3A_78 = arith.constant 0 : i32
    %dma_start3A_79 = arith.constant 0 : i32
    %dma_start3A_80 = tpu.memref_slice %arg15[%dma_start3A_78, %dma_start3A_79] : memref<2x80xi32, #tpu.memory_space<vmem>> -> memref<1x80xi32, #tpu.memory_space<vmem>>
    %dma_start3A_81 = tpu.memref_squeeze %dma_start3A_80 : memref<1x80xi32, #tpu.memory_space<vmem>> -> memref<80xi32, #tpu.memory_space<vmem>>
    %dma_start3A_82 = arith.constant 0 : i32
    %dma_start3A_83 = arith.constant 0 : i32
    %dma_start3A_84 = tpu.memref_slice %arg2[%dma_start3A_82, %dma_start3A_83] : memref<10200x128xf32, #tpu.memory_space<hbm>> -> memref<10200x128xf32, #tpu.memory_space<hbm>>
    tpu.enqueue_indirect_dma source(%dma_start3A_84 : memref<10200x128xf32, #tpu.memory_space<hbm>>) target(%arg17 : memref<80x128xf32, #tpu.memory_space<vmem>>) offsets(%dma_start3A_81 : memref<80xi32, #tpu.memory_space<vmem>>) semaphore(%arg19 : memref<!tpu.dma_semaphore, #tpu.memory_space<semaphore_mem>>)
    %dma_start3A_85 = arith.constant 1 : i32
    %dma_start3A_86 = arith.constant 0 : i32
    %dma_start3A_87 = tpu.memref_slice %arg15[%dma_start3A_85, %dma_start3A_86] : memref<2x80xi32, #tpu.memory_space<vmem>> -> memref<1x80xi32, #tpu.memory_space<vmem>>
    %dma_start3A_88 = tpu.memref_squeeze %dma_start3A_87 : memref<1x80xi32, #tpu.memory_space<vmem>> -> memref<80xi32, #tpu.memory_space<vmem>>
    %dma_start3A_89 = arith.constant 0 : i32
    %dma_start3A_90 = arith.constant 0 : i32
    %dma_start3A_91 = tpu.memref_slice %arg24[%dma_start3A_89, %dma_start3A_90] : memref<200x128xf32, #tpu.memory_space<vmem_shared>> -> memref<200x128xf32, #tpu.memory_space<vmem_shared>>
    tpu.enqueue_indirect_dma source(%dma_start3A_91 : memref<200x128xf32, #tpu.memory_space<vmem_shared>>) target(%arg18 : memref<80x128xf32, #tpu.memory_space<vmem>>) offsets(%dma_start3A_88 : memref<80xi32, #tpu.memory_space<vmem>>) semaphore(%arg20 : memref<!tpu.dma_semaphore, #tpu.memory_space<semaphore_mem>>)
    %scan3A = arith.constant 0 : i32
    %scan3A_92 = arith.constant 63 : i32
    %scan3A_93 = arith.addi %scan3A, %scan3A_92 : i32
    %scan3A_94 = arith.constant 1 : i32
    scf.for %scan3A_117 = %scan3A to %scan3A_93 step %scan3A_94  : i32 {
      %mul3A_118 = arith.constant 2 : i32
      %mul3A_119 = arith.muli %scan3A_117, %mul3A_118 : i32
      %add3A_120 = arith.constant 0 : i32
      %add3A_121 = arith.addi %add3A_120, %mul3A_119 : i32
      %dma_wait3A_122 = arith.constant 0 : i32
      %dma_wait3A_123 = arith.constant 0 : i32
      %dma_wait3A_124 = tpu.memref_slice %arg7[%dma_wait3A_122, %dma_wait3A_123] : memref<2x80xi32, #tpu.memory_space<vmem>> -> memref<1x80xi32, #tpu.memory_space<vmem>>
      %dma_wait3A_125 = tpu.memref_squeeze %dma_wait3A_124 : memref<1x80xi32, #tpu.memory_space<vmem>> -> memref<80xi32, #tpu.memory_space<vmem>>
      %dma_wait3A_126 = arith.constant 0 : i32
      %dma_wait3A_127 = arith.constant 0 : i32
      %dma_wait3A_128 = tpu.memref_slice %arg2[%dma_wait3A_126, %dma_wait3A_127] : memref<10200x128xf32, #tpu.memory_space<hbm>> -> memref<10200x128xf32, #tpu.memory_space<hbm>>
      tpu.wait_indirect_dma semaphore(%arg11 : memref<!tpu.dma_semaphore, #tpu.memory_space<semaphore_mem>>) src(%dma_wait3A_128 : memref<10200x128xf32, #tpu.memory_space<hbm>>) dst(%arg9 : memref<80x128xf32, #tpu.memory_space<vmem>>)
      %dma_wait3A_129 = arith.constant 1 : i32
      %dma_wait3A_130 = arith.constant 0 : i32
      %dma_wait3A_131 = tpu.memref_slice %arg7[%dma_wait3A_129, %dma_wait3A_130] : memref<2x80xi32, #tpu.memory_space<vmem>> -> memref<1x80xi32, #tpu.memory_space<vmem>>
      %dma_wait3A_132 = tpu.memref_squeeze %dma_wait3A_131 : memref<1x80xi32, #tpu.memory_space<vmem>> -> memref<80xi32, #tpu.memory_space<vmem>>
      %dma_wait3A_133 = arith.constant 0 : i32
      %dma_wait3A_134 = arith.constant 0 : i32
      %dma_wait3A_135 = tpu.memref_slice %arg24[%dma_wait3A_133, %dma_wait3A_134] : memref<200x128xf32, #tpu.memory_space<vmem_shared>> -> memref<200x128xf32, #tpu.memory_space<vmem_shared>>
      tpu.wait_indirect_dma semaphore(%arg12 : memref<!tpu.dma_semaphore, #tpu.memory_space<semaphore_mem>>) src(%dma_wait3A_135 : memref<200x128xf32, #tpu.memory_space<vmem_shared>>) dst(%arg10 : memref<80x128xf32, #tpu.memory_space<vmem>>)
      %dma_start3A_136 = arith.constant 0 : i32
      %dma_start3A_137 = arith.constant 0 : i32
      %dma_start3A_138 = tpu.memref_slice %arg23[%dma_start3A_136, %dma_start3A_137] : memref<10000x128xf32, #tpu.memory_space<vmem_shared>> -> memref<10000x128xf32, #tpu.memory_space<vmem_shared>>
      tpu.enqueue_indirect_dma source(%arg9 : memref<80x128xf32, #tpu.memory_space<vmem>>) target(%dma_start3A_138 : memref<10000x128xf32, #tpu.memory_space<vmem_shared>>) offsets(%arg8 : memref<80xi32, #tpu.memory_space<vmem>>) semaphore(%arg13 : memref<!tpu.dma_semaphore, #tpu.memory_space<semaphore_mem>>) {add = true}
      %dma_start3A_139 = arith.constant 0 : i32
      %dma_start3A_140 = arith.constant 0 : i32
      %dma_start3A_141 = tpu.memref_slice %arg23[%dma_start3A_139, %dma_start3A_140] : memref<10000x128xf32, #tpu.memory_space<vmem_shared>> -> memref<10000x128xf32, #tpu.memory_space<vmem_shared>>
      tpu.enqueue_indirect_dma source(%arg10 : memref<80x128xf32, #tpu.memory_space<vmem>>) target(%dma_start3A_141 : memref<10000x128xf32, #tpu.memory_space<vmem_shared>>) offsets(%arg8 : memref<80xi32, #tpu.memory_space<vmem>>) semaphore(%arg13 : memref<!tpu.dma_semaphore, #tpu.memory_space<semaphore_mem>>) {add = true}
      %add3A_142 = arith.constant 2 : i32
      %add3A_143 = arith.addi %add3A_121, %add3A_142 : i32
      %lt3A = arith.constant 125 : i32
      %lt3A_144 = arith.cmpi slt, %add3A_143, %lt3A : i32
      %convert_element_type3A_145 = arith.extui %lt3A_144 : i1 to i32
      %cond3A_146 = arith.constant 0 : i32
      %cond3A_147 = arith.cmpi ne, %convert_element_type3A_145, %cond3A_146 : i32
      scf.if %cond3A_147 {
        %add3A_176 = arith.constant 2 : i32
        %add3A_177 = arith.addi %add3A_121, %add3A_176 : i32
        %mul3A_178 = arith.constant 125 : i32
        %mul3A_179 = arith.muli %add3A, %mul3A_178 : i32
        %add3A_180 = arith.addi %mul3A_179, %add3A_177 : i32
        %dma_start3A_181 = arith.constant 0 : i32
        %dma_start3A_182 = arith.constant 0 : i32
        %dma_start3A_183 = tpu.memref_slice %arg3[%add3A_180, %dma_start3A_181, %dma_start3A_182] : memref<4000x2x80xi32, #tpu.memory_space<hbm>> -> memref<1x2x80xi32, #tpu.memory_space<hbm>>
        %dma_start3A_184 = tpu.memref_squeeze %dma_start3A_183 : memref<1x2x80xi32, #tpu.memory_space<hbm>> -> memref<2x80xi32, #tpu.memory_space<hbm>>
        %dma_start3A_185 = arith.constant 0 : i32
        %dma_start3A_186 = arith.constant 0 : i32
        %dma_start3A_187 = tpu.memref_slice %arg3[%add3A_180, %dma_start3A_185, %dma_start3A_186] : memref<4000x2x80xi32, #tpu.memory_space<hbm>> -> memref<1x2x80xi32, #tpu.memory_space<hbm>>
        %dma_start3A_188 = tpu.memref_squeeze %dma_start3A_187 : memref<1x2x80xi32, #tpu.memory_space<hbm>> -> memref<2x80xi32, #tpu.memory_space<hbm>>
        tpu.enqueue_dma source(%dma_start3A_188 : memref<2x80xi32, #tpu.memory_space<hbm>>) target(%arg7 : memref<2x80xi32, #tpu.memory_space<vmem>>) target_semaphore(%arg14 : memref<!tpu.dma_semaphore, #tpu.memory_space<semaphore_mem>>)
      } else {
      }
      %add3A_148 = arith.constant 1 : i32
      %add3A_149 = arith.addi %add3A_121, %add3A_148 : i32
      %lt3A_150 = arith.constant 125 : i32
      %lt3A_151 = arith.cmpi slt, %add3A_149, %lt3A_150 : i32
      %convert_element_type3A_152 = arith.extui %lt3A_151 : i1 to i32
      %cond3A_153 = arith.constant 0 : i32
      %cond3A_154 = arith.cmpi ne, %convert_element_type3A_152, %cond3A_153 : i32
      scf.if %cond3A_154 {
        %dma_wait3A_176 = arith.constant 0 : i32
        %dma_wait3A_177 = arith.constant 0 : i32
        %dma_wait3A_178 = tpu.memref_slice %arg15[%dma_wait3A_176, %dma_wait3A_177] : memref<2x80xi32, #tpu.memory_space<vmem>> -> memref<1x80xi32, #tpu.memory_space<vmem>>
        %dma_wait3A_179 = tpu.memref_squeeze %dma_wait3A_178 : memref<1x80xi32, #tpu.memory_space<vmem>> -> memref<80xi32, #tpu.memory_space<vmem>>
        %dma_wait3A_180 = arith.constant 0 : i32
        %dma_wait3A_181 = arith.constant 0 : i32
        %dma_wait3A_182 = tpu.memref_slice %arg2[%dma_wait3A_180, %dma_wait3A_181] : memref<10200x128xf32, #tpu.memory_space<hbm>> -> memref<10200x128xf32, #tpu.memory_space<hbm>>
        tpu.wait_indirect_dma semaphore(%arg19 : memref<!tpu.dma_semaphore, #tpu.memory_space<semaphore_mem>>) src(%dma_wait3A_182 : memref<10200x128xf32, #tpu.memory_space<hbm>>) dst(%arg17 : memref<80x128xf32, #tpu.memory_space<vmem>>)
        %dma_wait3A_183 = arith.constant 1 : i32
        %dma_wait3A_184 = arith.constant 0 : i32
        %dma_wait3A_185 = tpu.memref_slice %arg15[%dma_wait3A_183, %dma_wait3A_184] : memref<2x80xi32, #tpu.memory_space<vmem>> -> memref<1x80xi32, #tpu.memory_space<vmem>>
        %dma_wait3A_186 = tpu.memref_squeeze %dma_wait3A_185 : memref<1x80xi32, #tpu.memory_space<vmem>> -> memref<80xi32, #tpu.memory_space<vmem>>
        %dma_wait3A_187 = arith.constant 0 : i32
        %dma_wait3A_188 = arith.constant 0 : i32
        %dma_wait3A_189 = tpu.memref_slice %arg24[%dma_wait3A_187, %dma_wait3A_188] : memref<200x128xf32, #tpu.memory_space<vmem_shared>> -> memref<200x128xf32, #tpu.memory_space<vmem_shared>>
        tpu.wait_indirect_dma semaphore(%arg20 : memref<!tpu.dma_semaphore, #tpu.memory_space<semaphore_mem>>) src(%dma_wait3A_189 : memref<200x128xf32, #tpu.memory_space<vmem_shared>>) dst(%arg18 : memref<80x128xf32, #tpu.memory_space<vmem>>)
        %dma_start3A_190 = arith.constant 0 : i32
        %dma_start3A_191 = arith.constant 0 : i32
        %dma_start3A_192 = tpu.memref_slice %arg23[%dma_start3A_190, %dma_start3A_191] : memref<10000x128xf32, #tpu.memory_space<vmem_shared>> -> memref<10000x128xf32, #tpu.memory_space<vmem_shared>>
        tpu.enqueue_indirect_dma source(%arg17 : memref<80x128xf32, #tpu.memory_space<vmem>>) target(%dma_start3A_192 : memref<10000x128xf32, #tpu.memory_space<vmem_shared>>) offsets(%arg16 : memref<80xi32, #tpu.memory_space<vmem>>) semaphore(%arg21 : memref<!tpu.dma_semaphore, #tpu.memory_space<semaphore_mem>>) {add = true}
        %dma_start3A_193 = arith.constant 0 : i32
        %dma_start3A_194 = arith.constant 0 : i32
        %dma_start3A_195 = tpu.memref_slice %arg23[%dma_start3A_193, %dma_start3A_194] : memref<10000x128xf32, #tpu.memory_space<vmem_shared>> -> memref<10000x128xf32, #tpu.memory_space<vmem_shared>>
        tpu.enqueue_indirect_dma source(%arg18 : memref<80x128xf32, #tpu.memory_space<vmem>>) target(%dma_start3A_195 : memref<10000x128xf32, #tpu.memory_space<vmem_shared>>) offsets(%arg16 : memref<80xi32, #tpu.memory_space<vmem>>) semaphore(%arg21 : memref<!tpu.dma_semaphore, #tpu.memory_space<semaphore_mem>>) {add = true}
      } else {
      }
      %add3A_155 = arith.constant 3 : i32
      %add3A_156 = arith.addi %add3A_121, %add3A_155 : i32
      %lt3A_157 = arith.constant 125 : i32
      %lt3A_158 = arith.cmpi slt, %add3A_156, %lt3A_157 : i32
      %convert_element_type3A_159 = arith.extui %lt3A_158 : i1 to i32
      %cond3A_160 = arith.constant 0 : i32
      %cond3A_161 = arith.cmpi ne, %convert_element_type3A_159, %cond3A_160 : i32
      scf.if %cond3A_161 {
        %add3A_176 = arith.constant 3 : i32
        %add3A_177 = arith.addi %add3A_121, %add3A_176 : i32
        %mul3A_178 = arith.constant 125 : i32
        %mul3A_179 = arith.muli %add3A, %mul3A_178 : i32
        %add3A_180 = arith.addi %mul3A_179, %add3A_177 : i32
        %dma_start3A_181 = arith.constant 0 : i32
        %dma_start3A_182 = arith.constant 0 : i32
        %dma_start3A_183 = tpu.memref_slice %arg3[%add3A_180, %dma_start3A_181, %dma_start3A_182] : memref<4000x2x80xi32, #tpu.memory_space<hbm>> -> memref<1x2x80xi32, #tpu.memory_space<hbm>>
        %dma_start3A_184 = tpu.memref_squeeze %dma_start3A_183 : memref<1x2x80xi32, #tpu.memory_space<hbm>> -> memref<2x80xi32, #tpu.memory_space<hbm>>
        %dma_start3A_185 = arith.constant 0 : i32
        %dma_start3A_186 = arith.constant 0 : i32
        %dma_start3A_187 = tpu.memref_slice %arg3[%add3A_180, %dma_start3A_185, %dma_start3A_186] : memref<4000x2x80xi32, #tpu.memory_space<hbm>> -> memref<1x2x80xi32, #tpu.memory_space<hbm>>
        %dma_start3A_188 = tpu.memref_squeeze %dma_start3A_187 : memref<1x2x80xi32, #tpu.memory_space<hbm>> -> memref<2x80xi32, #tpu.memory_space<hbm>>
        tpu.enqueue_dma source(%dma_start3A_188 : memref<2x80xi32, #tpu.memory_space<hbm>>) target(%arg15 : memref<2x80xi32, #tpu.memory_space<vmem>>) target_semaphore(%arg22 : memref<!tpu.dma_semaphore, #tpu.memory_space<semaphore_mem>>)
      } else {
      }
      %add3A_162 = arith.constant 2 : i32
      %add3A_163 = arith.addi %add3A_121, %add3A_162 : i32
      %lt3A_164 = arith.constant 125 : i32
      %lt3A_165 = arith.cmpi slt, %add3A_163, %lt3A_164 : i32
      %convert_element_type3A_166 = arith.extui %lt3A_165 : i1 to i32
      %cond3A_167 = arith.constant 0 : i32
      %cond3A_168 = arith.cmpi ne, %convert_element_type3A_166, %cond3A_167 : i32
      scf.if %cond3A_168 {
        %dma_wait3A_176 = arith.constant 0 : i32
        %dma_wait3A_177 = arith.constant 0 : i32
        %dma_wait3A_178 = tpu.memref_slice %arg23[%dma_wait3A_176, %dma_wait3A_177] : memref<10000x128xf32, #tpu.memory_space<vmem_shared>> -> memref<10000x128xf32, #tpu.memory_space<vmem_shared>>
        tpu.wait_indirect_dma semaphore(%arg13 : memref<!tpu.dma_semaphore, #tpu.memory_space<semaphore_mem>>) src(%arg9 : memref<80x128xf32, #tpu.memory_space<vmem>>) dst(%dma_wait3A_178 : memref<10000x128xf32, #tpu.memory_space<vmem_shared>>)
        %dma_wait3A_179 = arith.constant 0 : i32
        %dma_wait3A_180 = arith.constant 0 : i32
        %dma_wait3A_181 = tpu.memref_slice %arg23[%dma_wait3A_179, %dma_wait3A_180] : memref<10000x128xf32, #tpu.memory_space<vmem_shared>> -> memref<10000x128xf32, #tpu.memory_space<vmem_shared>>
        tpu.wait_indirect_dma semaphore(%arg13 : memref<!tpu.dma_semaphore, #tpu.memory_space<semaphore_mem>>) src(%arg10 : memref<80x128xf32, #tpu.memory_space<vmem>>) dst(%dma_wait3A_181 : memref<10000x128xf32, #tpu.memory_space<vmem_shared>>)
        %add3A_182 = arith.constant 2 : i32
        %add3A_183 = arith.addi %add3A_121, %add3A_182 : i32
        %mul3A_184 = arith.constant 125 : i32
        %mul3A_185 = arith.muli %add3A, %mul3A_184 : i32
        %add3A_186 = arith.addi %mul3A_185, %add3A_183 : i32
        %dma_wait3A_187 = arith.constant 0 : i32
        %dma_wait3A_188 = arith.constant 0 : i32
        %dma_wait3A_189 = tpu.memref_slice %arg3[%add3A_186, %dma_wait3A_187, %dma_wait3A_188] : memref<4000x2x80xi32, #tpu.memory_space<hbm>> -> memref<1x2x80xi32, #tpu.memory_space<hbm>>
        %dma_wait3A_190 = tpu.memref_squeeze %dma_wait3A_189 : memref<1x2x80xi32, #tpu.memory_space<hbm>> -> memref<2x80xi32, #tpu.memory_space<hbm>>
        %dma_wait3A_191 = arith.constant 0 : i32
        %dma_wait3A_192 = arith.constant 0 : i32
        %dma_wait3A_193 = tpu.memref_slice %arg3[%add3A_186, %dma_wait3A_191, %dma_wait3A_192] : memref<4000x2x80xi32, #tpu.memory_space<hbm>> -> memref<1x2x80xi32, #tpu.memory_space<hbm>>
        %dma_wait3A_194 = tpu.memref_squeeze %dma_wait3A_193 : memref<1x2x80xi32, #tpu.memory_space<hbm>> -> memref<2x80xi32, #tpu.memory_space<hbm>>
        tpu.wait_dma2 semaphore(%arg14 : memref<!tpu.dma_semaphore, #tpu.memory_space<semaphore_mem>>) src(%dma_wait3A_194 : memref<2x80xi32, #tpu.memory_space<hbm>>) dst(%arg7 : memref<2x80xi32, #tpu.memory_space<vmem>>)
        %add3A_195 = arith.constant 2 : i32
        %add3A_196 = arith.addi %add3A_121, %add3A_195 : i32
        %mul3A_197 = arith.constant 10000 : i32
        %mul3A_198 = arith.muli %add3A, %mul3A_197 : i32
        %mul3A_199 = arith.constant 80 : i32
        %mul3A_200 = arith.muli %add3A_196, %mul3A_199 : i32
        %add3A_201 = arith.addi %mul3A_198, %mul3A_200 : i32
        "tpu.region"() ({
          %run_scoped3A = tpu.sem_alloc : memref<!tpu.dma_semaphore, #tpu.memory_space<semaphore_mem>>
          %dma_start3A_216 = tpu.memref_slice %arg4[%add3A_201] : memref<320000xi32, #tpu.memory_space<hbm>> -> memref<80xi32, #tpu.memory_space<hbm>>
          %dma_start3A_217 = tpu.memref_slice %arg4[%add3A_201] : memref<320000xi32, #tpu.memory_space<hbm>> -> memref<80xi32, #tpu.memory_space<hbm>>
          tpu.enqueue_dma source(%dma_start3A_217 : memref<80xi32, #tpu.memory_space<hbm>>) target(%arg8 : memref<80xi32, #tpu.memory_space<vmem>>) target_semaphore(%run_scoped3A : memref<!tpu.dma_semaphore, #tpu.memory_space<semaphore_mem>>)
          %dma_wait3A_218 = tpu.memref_slice %arg4[%add3A_201] : memref<320000xi32, #tpu.memory_space<hbm>> -> memref<80xi32, #tpu.memory_space<hbm>>
          %dma_wait3A_219 = tpu.memref_slice %arg4[%add3A_201] : memref<320000xi32, #tpu.memory_space<hbm>> -> memref<80xi32, #tpu.memory_space<hbm>>
          tpu.wait_dma2 semaphore(%run_scoped3A : memref<!tpu.dma_semaphore, #tpu.memory_space<semaphore_mem>>) src(%dma_wait3A_219 : memref<80xi32, #tpu.memory_space<hbm>>) dst(%arg8 : memref<80xi32, #tpu.memory_space<vmem>>)
          tpu.yield
        }) : () -> ()
        %dma_start3A_202 = arith.constant 0 : i32
        %dma_start3A_203 = arith.constant 0 : i32
        %dma_start3A_204 = tpu.memref_slice %arg7[%dma_start3A_202, %dma_start3A_203] : memref<2x80xi32, #tpu.memory_space<vmem>> -> memref<1x80xi32, #tpu.memory_space<vmem>>
        %dma_start3A_205 = tpu.memref_squeeze %dma_start3A_204 : memref<1x80xi32, #tpu.memory_space<vmem>> -> memref<80xi32, #tpu.memory_space<vmem>>
        %dma_start3A_206 = arith.constant 0 : i32
        %dma_start3A_207 = arith.constant 0 : i32
        %dma_start3A_208 = tpu.memref_slice %arg2[%dma_start3A_206, %dma_start3A_207] : memref<10200x128xf32, #tpu.memory_space<hbm>> -> memref<10200x128xf32, #tpu.memory_space<hbm>>
        tpu.enqueue_indirect_dma source(%dma_start3A_208 : memref<10200x128xf32, #tpu.memory_space<hbm>>) target(%arg9 : memref<80x128xf32, #tpu.memory_space<vmem>>) offsets(%dma_start3A_205 : memref<80xi32, #tpu.memory_space<vmem>>) semaphore(%arg11 : memref<!tpu.dma_semaphore, #tpu.memory_space<semaphore_mem>>)
        %dma_start3A_209 = arith.constant 1 : i32
        %dma_start3A_210 = arith.constant 0 : i32
        %dma_start3A_211 = tpu.memref_slice %arg7[%dma_start3A_209, %dma_start3A_210] : memref<2x80xi32, #tpu.memory_space<vmem>> -> memref<1x80xi32, #tpu.memory_space<vmem>>
        %dma_start3A_212 = tpu.memref_squeeze %dma_start3A_211 : memref<1x80xi32, #tpu.memory_space<vmem>> -> memref<80xi32, #tpu.memory_space<vmem>>
        %dma_start3A_213 = arith.constant 0 : i32
        %dma_start3A_214 = arith.constant 0 : i32
        %dma_start3A_215 = tpu.memref_slice %arg24[%dma_start3A_213, %dma_start3A_214] : memref<200x128xf32, #tpu.memory_space<vmem_shared>> -> memref<200x128xf32, #tpu.memory_space<vmem_shared>>
        tpu.enqueue_indirect_dma source(%dma_start3A_215 : memref<200x128xf32, #tpu.memory_space<vmem_shared>>) target(%arg10 : memref<80x128xf32, #tpu.memory_space<vmem>>) offsets(%dma_start3A_212 : memref<80xi32, #tpu.memory_space<vmem>>) semaphore(%arg12 : memref<!tpu.dma_semaphore, #tpu.memory_space<semaphore_mem>>)
      } else {
      }
      %add3A_169 = arith.constant 3 : i32
      %add3A_170 = arith.addi %add3A_121, %add3A_169 : i32
      %lt3A_171 = arith.constant 125 : i32
      %lt3A_172 = arith.cmpi slt, %add3A_170, %lt3A_171 : i32
      %convert_element_type3A_173 = arith.extui %lt3A_172 : i1 to i32
      %cond3A_174 = arith.constant 0 : i32
      %cond3A_175 = arith.cmpi ne, %convert_element_type3A_173, %cond3A_174 : i32
      scf.if %cond3A_175 {
        %dma_wait3A_176 = arith.constant 0 : i32
        %dma_wait3A_177 = arith.constant 0 : i32
        %dma_wait3A_178 = tpu.memref_slice %arg23[%dma_wait3A_176, %dma_wait3A_177] : memref<10000x128xf32, #tpu.memory_space<vmem_shared>> -> memref<10000x128xf32, #tpu.memory_space<vmem_shared>>
        tpu.wait_indirect_dma semaphore(%arg21 : memref<!tpu.dma_semaphore, #tpu.memory_space<semaphore_mem>>) src(%arg17 : memref<80x128xf32, #tpu.memory_space<vmem>>) dst(%dma_wait3A_178 : memref<10000x128xf32, #tpu.memory_space<vmem_shared>>)
        %dma_wait3A_179 = arith.constant 0 : i32
        %dma_wait3A_180 = arith.constant 0 : i32
        %dma_wait3A_181 = tpu.memref_slice %arg23[%dma_wait3A_179, %dma_wait3A_180] : memref<10000x128xf32, #tpu.memory_space<vmem_shared>> -> memref<10000x128xf32, #tpu.memory_space<vmem_shared>>
        tpu.wait_indirect_dma semaphore(%arg21 : memref<!tpu.dma_semaphore, #tpu.memory_space<semaphore_mem>>) src(%arg18 : memref<80x128xf32, #tpu.memory_space<vmem>>) dst(%dma_wait3A_181 : memref<10000x128xf32, #tpu.memory_space<vmem_shared>>)
        %add3A_182 = arith.constant 3 : i32
        %add3A_183 = arith.addi %add3A_121, %add3A_182 : i32
        %mul3A_184 = arith.constant 125 : i32
        %mul3A_185 = arith.muli %add3A, %mul3A_184 : i32
        %add3A_186 = arith.addi %mul3A_185, %add3A_183 : i32
        %dma_wait3A_187 = arith.constant 0 : i32
        %dma_wait3A_188 = arith.constant 0 : i32
        %dma_wait3A_189 = tpu.memref_slice %arg3[%add3A_186, %dma_wait3A_187, %dma_wait3A_188] : memref<4000x2x80xi32, #tpu.memory_space<hbm>> -> memref<1x2x80xi32, #tpu.memory_space<hbm>>
        %dma_wait3A_190 = tpu.memref_squeeze %dma_wait3A_189 : memref<1x2x80xi32, #tpu.memory_space<hbm>> -> memref<2x80xi32, #tpu.memory_space<hbm>>
        %dma_wait3A_191 = arith.constant 0 : i32
        %dma_wait3A_192 = arith.constant 0 : i32
        %dma_wait3A_193 = tpu.memref_slice %arg3[%add3A_186, %dma_wait3A_191, %dma_wait3A_192] : memref<4000x2x80xi32, #tpu.memory_space<hbm>> -> memref<1x2x80xi32, #tpu.memory_space<hbm>>
        %dma_wait3A_194 = tpu.memref_squeeze %dma_wait3A_193 : memref<1x2x80xi32, #tpu.memory_space<hbm>> -> memref<2x80xi32, #tpu.memory_space<hbm>>
        tpu.wait_dma2 semaphore(%arg22 : memref<!tpu.dma_semaphore, #tpu.memory_space<semaphore_mem>>) src(%dma_wait3A_194 : memref<2x80xi32, #tpu.memory_space<hbm>>) dst(%arg15 : memref<2x80xi32, #tpu.memory_space<vmem>>)
        %add3A_195 = arith.constant 3 : i32
        %add3A_196 = arith.addi %add3A_121, %add3A_195 : i32
        %mul3A_197 = arith.constant 10000 : i32
        %mul3A_198 = arith.muli %add3A, %mul3A_197 : i32
        %mul3A_199 = arith.constant 80 : i32
        %mul3A_200 = arith.muli %add3A_196, %mul3A_199 : i32
        %add3A_201 = arith.addi %mul3A_198, %mul3A_200 : i32
        "tpu.region"() ({
          %run_scoped3A = tpu.sem_alloc : memref<!tpu.dma_semaphore, #tpu.memory_space<semaphore_mem>>
          %dma_start3A_216 = tpu.memref_slice %arg4[%add3A_201] : memref<320000xi32, #tpu.memory_space<hbm>> -> memref<80xi32, #tpu.memory_space<hbm>>
          %dma_start3A_217 = tpu.memref_slice %arg4[%add3A_201] : memref<320000xi32, #tpu.memory_space<hbm>> -> memref<80xi32, #tpu.memory_space<hbm>>
          tpu.enqueue_dma source(%dma_start3A_217 : memref<80xi32, #tpu.memory_space<hbm>>) target(%arg16 : memref<80xi32, #tpu.memory_space<vmem>>) target_semaphore(%run_scoped3A : memref<!tpu.dma_semaphore, #tpu.memory_space<semaphore_mem>>)
          %dma_wait3A_218 = tpu.memref_slice %arg4[%add3A_201] : memref<320000xi32, #tpu.memory_space<hbm>> -> memref<80xi32, #tpu.memory_space<hbm>>
          %dma_wait3A_219 = tpu.memref_slice %arg4[%add3A_201] : memref<320000xi32, #tpu.memory_space<hbm>> -> memref<80xi32, #tpu.memory_space<hbm>>
          tpu.wait_dma2 semaphore(%run_scoped3A : memref<!tpu.dma_semaphore, #tpu.memory_space<semaphore_mem>>) src(%dma_wait3A_219 : memref<80xi32, #tpu.memory_space<hbm>>) dst(%arg16 : memref<80xi32, #tpu.memory_space<vmem>>)
          tpu.yield
        }) : () -> ()
        %dma_start3A_202 = arith.constant 0 : i32
        %dma_start3A_203 = arith.constant 0 : i32
        %dma_start3A_204 = tpu.memref_slice %arg15[%dma_start3A_202, %dma_start3A_203] : memref<2x80xi32, #tpu.memory_space<vmem>> -> memref<1x80xi32, #tpu.memory_space<vmem>>
        %dma_start3A_205 = tpu.memref_squeeze %dma_start3A_204 : memref<1x80xi32, #tpu.memory_space<vmem>> -> memref<80xi32, #tpu.memory_space<vmem>>
        %dma_start3A_206 = arith.constant 0 : i32
        %dma_start3A_207 = arith.constant 0 : i32
        %dma_start3A_208 = tpu.memref_slice %arg2[%dma_start3A_206, %dma_start3A_207] : memref<10200x128xf32, #tpu.memory_space<hbm>> -> memref<10200x128xf32, #tpu.memory_space<hbm>>
        tpu.enqueue_indirect_dma source(%dma_start3A_208 : memref<10200x128xf32, #tpu.memory_space<hbm>>) target(%arg17 : memref<80x128xf32, #tpu.memory_space<vmem>>) offsets(%dma_start3A_205 : memref<80xi32, #tpu.memory_space<vmem>>) semaphore(%arg19 : memref<!tpu.dma_semaphore, #tpu.memory_space<semaphore_mem>>)
        %dma_start3A_209 = arith.constant 1 : i32
        %dma_start3A_210 = arith.constant 0 : i32
        %dma_start3A_211 = tpu.memref_slice %arg15[%dma_start3A_209, %dma_start3A_210] : memref<2x80xi32, #tpu.memory_space<vmem>> -> memref<1x80xi32, #tpu.memory_space<vmem>>
        %dma_start3A_212 = tpu.memref_squeeze %dma_start3A_211 : memref<1x80xi32, #tpu.memory_space<vmem>> -> memref<80xi32, #tpu.memory_space<vmem>>
        %dma_start3A_213 = arith.constant 0 : i32
        %dma_start3A_214 = arith.constant 0 : i32
        %dma_start3A_215 = tpu.memref_slice %arg24[%dma_start3A_213, %dma_start3A_214] : memref<200x128xf32, #tpu.memory_space<vmem_shared>> -> memref<200x128xf32, #tpu.memory_space<vmem_shared>>
        tpu.enqueue_indirect_dma source(%dma_start3A_215 : memref<200x128xf32, #tpu.memory_space<vmem_shared>>) target(%arg18 : memref<80x128xf32, #tpu.memory_space<vmem>>) offsets(%dma_start3A_212 : memref<80xi32, #tpu.memory_space<vmem>>) semaphore(%arg20 : memref<!tpu.dma_semaphore, #tpu.memory_space<semaphore_mem>>)
      } else {
      }
    }
    %scan3A_95 = arith.constant 63 : i32
    %dma_wait3A_96 = arith.constant 0 : i32
    %dma_wait3A_97 = arith.constant 0 : i32
    %dma_wait3A_98 = tpu.memref_slice %arg23[%dma_wait3A_96, %dma_wait3A_97] : memref<10000x128xf32, #tpu.memory_space<vmem_shared>> -> memref<10000x128xf32, #tpu.memory_space<vmem_shared>>
    tpu.wait_indirect_dma semaphore(%arg21 : memref<!tpu.dma_semaphore, #tpu.memory_space<semaphore_mem>>) src(%arg17 : memref<80x128xf32, #tpu.memory_space<vmem>>) dst(%dma_wait3A_98 : memref<10000x128xf32, #tpu.memory_space<vmem_shared>>)
    %dma_wait3A_99 = arith.constant 0 : i32
    %dma_wait3A_100 = arith.constant 0 : i32
    %dma_wait3A_101 = tpu.memref_slice %arg23[%dma_wait3A_99, %dma_wait3A_100] : memref<10000x128xf32, #tpu.memory_space<vmem_shared>> -> memref<10000x128xf32, #tpu.memory_space<vmem_shared>>
    tpu.wait_indirect_dma semaphore(%arg21 : memref<!tpu.dma_semaphore, #tpu.memory_space<semaphore_mem>>) src(%arg18 : memref<80x128xf32, #tpu.memory_space<vmem>>) dst(%dma_wait3A_101 : memref<10000x128xf32, #tpu.memory_space<vmem_shared>>)
    %dma_wait3A_102 = arith.constant 0 : i32
    %dma_wait3A_103 = arith.constant 0 : i32
    %dma_wait3A_104 = tpu.memref_slice %arg23[%dma_wait3A_102, %dma_wait3A_103] : memref<10000x128xf32, #tpu.memory_space<vmem_shared>> -> memref<10000x128xf32, #tpu.memory_space<vmem_shared>>
    tpu.wait_indirect_dma semaphore(%arg13 : memref<!tpu.dma_semaphore, #tpu.memory_space<semaphore_mem>>) src(%arg9 : memref<80x128xf32, #tpu.memory_space<vmem>>) dst(%dma_wait3A_104 : memref<10000x128xf32, #tpu.memory_space<vmem_shared>>)
    %dma_wait3A_105 = arith.constant 0 : i32
    %dma_wait3A_106 = arith.constant 0 : i32
    %dma_wait3A_107 = tpu.memref_slice %arg23[%dma_wait3A_105, %dma_wait3A_106] : memref<10000x128xf32, #tpu.memory_space<vmem_shared>> -> memref<10000x128xf32, #tpu.memory_space<vmem_shared>>
    tpu.wait_indirect_dma semaphore(%arg13 : memref<!tpu.dma_semaphore, #tpu.memory_space<semaphore_mem>>) src(%arg10 : memref<80x128xf32, #tpu.memory_space<vmem>>) dst(%dma_wait3A_107 : memref<10000x128xf32, #tpu.memory_space<vmem_shared>>)
    %barrier3A_108 = arith.constant 0 : index
    tpu.barrier barrier_id(%barrier3A_108)
    %mul3A_109 = arith.constant 10000 : i32
    %mul3A_110 = arith.muli %arg0, %mul3A_109 : i32
    %add3A_111 = arith.addi %mul3A_110, %mul3A_2 : i32
    "tpu.region"() ({
      %run_scoped3A = tpu.sem_alloc : memref<!tpu.dma_semaphore, #tpu.memory_space<semaphore_mem>>
      %dma_start3A_117 = arith.constant 0 : i32
      %dma_start3A_118 = tpu.memref_slice %arg6[%add3A_111, %dma_start3A_117] : memref<20000x128xf32, #tpu.memory_space<hbm>> -> memref<624x128xf32, #tpu.memory_space<hbm>>
      %dma_start3A_119 = arith.constant 0 : i32
      %dma_start3A_120 = tpu.memref_slice %arg23[%mul3A_2, %dma_start3A_119] : memref<10000x128xf32, #tpu.memory_space<vmem_shared>> -> memref<624x128xf32, #tpu.memory_space<vmem_shared>>
      tpu.enqueue_dma source(%dma_start3A_120 : memref<624x128xf32, #tpu.memory_space<vmem_shared>>) target(%dma_start3A_118 : memref<624x128xf32, #tpu.memory_space<hbm>>) target_semaphore(%run_scoped3A : memref<!tpu.dma_semaphore, #tpu.memory_space<semaphore_mem>>)
      %dma_wait3A_121 = arith.constant 0 : i32
      %dma_wait3A_122 = tpu.memref_slice %arg6[%add3A_111, %dma_wait3A_121] : memref<20000x128xf32, #tpu.memory_space<hbm>> -> memref<624x128xf32, #tpu.memory_space<hbm>>
      %dma_wait3A_123 = arith.constant 0 : i32
      %dma_wait3A_124 = tpu.memref_slice %arg23[%mul3A_2, %dma_wait3A_123] : memref<10000x128xf32, #tpu.memory_space<vmem_shared>> -> memref<624x128xf32, #tpu.memory_space<vmem_shared>>
      tpu.wait_dma2 semaphore(%run_scoped3A : memref<!tpu.dma_semaphore, #tpu.memory_space<semaphore_mem>>) src(%dma_wait3A_124 : memref<624x128xf32, #tpu.memory_space<vmem_shared>>) dst(%dma_wait3A_122 : memref<624x128xf32, #tpu.memory_space<hbm>>)
      tpu.yield
    }) : () -> ()
    %eq3A_112 = arith.constant 15 : i32
    %eq3A_113 = arith.cmpi eq, %arg1, %eq3A_112 : i32
    %convert_element_type3A_114 = arith.extui %eq3A_113 : i1 to i32
    %cond3A_115 = arith.constant 0 : i32
    %cond3A_116 = arith.cmpi ne, %convert_element_type3A_114, %cond3A_115 : i32
    scf.if %cond3A_116 {
      %mul3A_117 = arith.constant 10000 : i32
      %mul3A_118 = arith.muli %arg0, %mul3A_117 : i32
      %add3A_119 = arith.constant 9984 : i32
      %add3A_120 = arith.addi %mul3A_118, %add3A_119 : i32
      "tpu.region"() ({
        %run_scoped3A = tpu.sem_alloc : memref<!tpu.dma_semaphore, #tpu.memory_space<semaphore_mem>>
        %dma_start3A_121 = arith.constant 0 : i32
        %dma_start3A_122 = tpu.memref_slice %arg6[%add3A_120, %dma_start3A_121] : memref<20000x128xf32, #tpu.memory_space<hbm>> -> memref<16x128xf32, #tpu.memory_space<hbm>>
        %dma_start3A_123 = arith.constant 9984 : i32
        %dma_start3A_124 = arith.constant 0 : i32
        %dma_start3A_125 = tpu.memref_slice %arg23[%dma_start3A_123, %dma_start3A_124] : memref<10000x128xf32, #tpu.memory_space<vmem_shared>> -> memref<16x128xf32, #tpu.memory_space<vmem_shared>>
        tpu.enqueue_dma source(%dma_start3A_125 : memref<16x128xf32, #tpu.memory_space<vmem_shared>>) target(%dma_start3A_122 : memref<16x128xf32, #tpu.memory_space<hbm>>) target_semaphore(%run_scoped3A : memref<!tpu.dma_semaphore, #tpu.memory_space<semaphore_mem>>)
        %dma_wait3A_126 = arith.constant 0 : i32
        %dma_wait3A_127 = tpu.memref_slice %arg6[%add3A_120, %dma_wait3A_126] : memref<20000x128xf32, #tpu.memory_space<hbm>> -> memref<16x128xf32, #tpu.memory_space<hbm>>
        %dma_wait3A_128 = arith.constant 9984 : i32
        %dma_wait3A_129 = arith.constant 0 : i32
        %dma_wait3A_130 = tpu.memref_slice %arg23[%dma_wait3A_128, %dma_wait3A_129] : memref<10000x128xf32, #tpu.memory_space<vmem_shared>> -> memref<16x128xf32, #tpu.memory_space<vmem_shared>>
        tpu.wait_dma2 semaphore(%run_scoped3A : memref<!tpu.dma_semaphore, #tpu.memory_space<semaphore_mem>>) src(%dma_wait3A_130 : memref<16x128xf32, #tpu.memory_space<vmem_shared>>) dst(%dma_wait3A_127 : memref<16x128xf32, #tpu.memory_space<hbm>>)
        tpu.yield
      }) : () -> ()
    } else {
    }
    return
  }
}

#map = affine_map<(d0, d1) -> (0)>
module attributes {stable_mosaic.version = 14 : i64} {
  func.func @body(%arg0: i32, %arg1: i32, %arg2: memref<320000xi32, #tpu.memory_space<hbm>>, %arg3: memref<10000xf32, #tpu.memory_space<hbm>>, %arg4: memref<320000xf32, #tpu.memory_space<hbm>>, %arg5: memref<400xi32, #tpu.memory_space<vmem>>, %arg6: memref<10000xf32, #tpu.memory_space<vmem>>) attributes {dimension_semantics = [#tpu.dimension_semantics<core_parallel>, #tpu.dimension_semantics<subcore_parallel>], iteration_bounds = array<i64: 2, 16>, scalar_prefetch = 0 : i64, scratch_operands = 2 : i64, tpu.core_type = #tpu.core_type<sc_vector_subcore>, window_params = [{transform_indices = #map}, {transform_indices = #map}, {transform_indices = #map}]} {
    %mul3A = arith.constant 2 : i32
    %mul3A_0 = arith.muli %arg1, %mul3A : i32
    %add3A = arith.addi %mul3A_0, %arg0 : i32
    "tpu.region"() ({
      %run_scoped3A = tpu.sem_alloc : memref<!tpu.dma_semaphore, #tpu.memory_space<semaphore_mem>>
      tpu.enqueue_dma source(%arg3 : memref<10000xf32, #tpu.memory_space<hbm>>) target(%arg6 : memref<10000xf32, #tpu.memory_space<vmem>>) target_semaphore(%run_scoped3A : memref<!tpu.dma_semaphore, #tpu.memory_space<semaphore_mem>>)
      tpu.wait_dma2 semaphore(%run_scoped3A : memref<!tpu.dma_semaphore, #tpu.memory_space<semaphore_mem>>) src(%arg3 : memref<10000xf32, #tpu.memory_space<hbm>>) dst(%arg6 : memref<10000xf32, #tpu.memory_space<vmem>>)
      tpu.yield
    }) : () -> ()
    %scan3A = arith.constant 0 : i32
    %scan3A_1 = arith.constant 25 : i32
    %scan3A_2 = arith.addi %scan3A, %scan3A_1 : i32
    %scan3A_3 = arith.constant 1 : i32
    scf.for %scan3A_7 = %scan3A to %scan3A_2 step %scan3A_3  : i32 {
      %mul3A_8 = arith.constant 1 : i32
      %mul3A_9 = arith.muli %scan3A_7, %mul3A_8 : i32
      %add3A_10 = arith.constant 0 : i32
      %add3A_11 = arith.addi %add3A_10, %mul3A_9 : i32
      %mul3A_12 = arith.constant 10000 : i32
      %mul3A_13 = arith.muli %add3A, %mul3A_12 : i32
      %mul3A_14 = arith.constant 400 : i32
      %mul3A_15 = arith.muli %add3A_11, %mul3A_14 : i32
      %add3A_16 = arith.addi %mul3A_13, %mul3A_15 : i32
      "tpu.region"() ({
        %run_scoped3A = tpu.sem_alloc : memref<!tpu.dma_semaphore, #tpu.memory_space<semaphore_mem>>
        %dma_start3A = tpu.memref_slice %arg2[%add3A_16] : memref<320000xi32, #tpu.memory_space<hbm>> -> memref<400xi32, #tpu.memory_space<hbm>>
        %dma_start3A_115 = tpu.memref_slice %arg2[%add3A_16] : memref<320000xi32, #tpu.memory_space<hbm>> -> memref<400xi32, #tpu.memory_space<hbm>>
        tpu.enqueue_dma source(%dma_start3A_115 : memref<400xi32, #tpu.memory_space<hbm>>) target(%arg5 : memref<400xi32, #tpu.memory_space<vmem>>) target_semaphore(%run_scoped3A : memref<!tpu.dma_semaphore, #tpu.memory_space<semaphore_mem>>)
        %dma_wait3A = tpu.memref_slice %arg2[%add3A_16] : memref<320000xi32, #tpu.memory_space<hbm>> -> memref<400xi32, #tpu.memory_space<hbm>>
        %dma_wait3A_116 = tpu.memref_slice %arg2[%add3A_16] : memref<320000xi32, #tpu.memory_space<hbm>> -> memref<400xi32, #tpu.memory_space<hbm>>
        tpu.wait_dma2 semaphore(%run_scoped3A : memref<!tpu.dma_semaphore, #tpu.memory_space<semaphore_mem>>) src(%dma_wait3A_116 : memref<400xi32, #tpu.memory_space<hbm>>) dst(%arg5 : memref<400xi32, #tpu.memory_space<vmem>>)
        tpu.yield
      }) : () -> ()
      %get3A = arith.constant 0 : index
      %get3A_17 = tpu.vector_load %arg5[%get3A] {strides = array<i32>} : memref<400xi32, #tpu.memory_space<vmem>>, vector<16xi32>,
      %broadcast_in_dim3A = arith.constant 1.000000e+00 : f32
      %broadcast_in_dim3A_18 = vector.broadcast %broadcast_in_dim3A : f32 to vector<16xf32>
      tpu.vector_store_idx %arg6[%get3A_17], %broadcast_in_dim3A_18 {add = true} : memref<10000xf32, #tpu.memory_space<vmem>>[vector<16xi32>], vector<16xf32>,
      %get3A_19 = arith.constant 16 : index
      %get3A_20 = tpu.vector_load %arg5[%get3A_19] {strides = array<i32>} : memref<400xi32, #tpu.memory_space<vmem>>, vector<16xi32>,
      %broadcast_in_dim3A_21 = arith.constant 1.000000e+00 : f32
      %broadcast_in_dim3A_22 = vector.broadcast %broadcast_in_dim3A_21 : f32 to vector<16xf32>
      tpu.vector_store_idx %arg6[%get3A_20], %broadcast_in_dim3A_22 {add = true} : memref<10000xf32, #tpu.memory_space<vmem>>[vector<16xi32>], vector<16xf32>,
      %get3A_23 = arith.constant 32 : index
      %get3A_24 = tpu.vector_load %arg5[%get3A_23] {strides = array<i32>} : memref<400xi32, #tpu.memory_space<vmem>>, vector<16xi32>,
      %broadcast_in_dim3A_25 = arith.constant 1.000000e+00 : f32
      %broadcast_in_dim3A_26 = vector.broadcast %broadcast_in_dim3A_25 : f32 to vector<16xf32>
      tpu.vector_store_idx %arg6[%get3A_24], %broadcast_in_dim3A_26 {add = true} : memref<10000xf32, #tpu.memory_space<vmem>>[vector<16xi32>], vector<16xf32>,
      %get3A_27 = arith.constant 48 : index
      %get3A_28 = tpu.vector_load %arg5[%get3A_27] {strides = array<i32>} : memref<400xi32, #tpu.memory_space<vmem>>, vector<16xi32>,
      %broadcast_in_dim3A_29 = arith.constant 1.000000e+00 : f32
      %broadcast_in_dim3A_30 = vector.broadcast %broadcast_in_dim3A_29 : f32 to vector<16xf32>
      tpu.vector_store_idx %arg6[%get3A_28], %broadcast_in_dim3A_30 {add = true} : memref<10000xf32, #tpu.memory_space<vmem>>[vector<16xi32>], vector<16xf32>,
      %get3A_31 = arith.constant 64 : index
      %get3A_32 = tpu.vector_load %arg5[%get3A_31] {strides = array<i32>} : memref<400xi32, #tpu.memory_space<vmem>>, vector<16xi32>,
      %broadcast_in_dim3A_33 = arith.constant 1.000000e+00 : f32
      %broadcast_in_dim3A_34 = vector.broadcast %broadcast_in_dim3A_33 : f32 to vector<16xf32>
      tpu.vector_store_idx %arg6[%get3A_32], %broadcast_in_dim3A_34 {add = true} : memref<10000xf32, #tpu.memory_space<vmem>>[vector<16xi32>], vector<16xf32>,
      %get3A_35 = arith.constant 80 : index
      %get3A_36 = tpu.vector_load %arg5[%get3A_35] {strides = array<i32>} : memref<400xi32, #tpu.memory_space<vmem>>, vector<16xi32>,
      %broadcast_in_dim3A_37 = arith.constant 1.000000e+00 : f32
      %broadcast_in_dim3A_38 = vector.broadcast %broadcast_in_dim3A_37 : f32 to vector<16xf32>
      tpu.vector_store_idx %arg6[%get3A_36], %broadcast_in_dim3A_38 {add = true} : memref<10000xf32, #tpu.memory_space<vmem>>[vector<16xi32>], vector<16xf32>,
      %get3A_39 = arith.constant 96 : index
      %get3A_40 = tpu.vector_load %arg5[%get3A_39] {strides = array<i32>} : memref<400xi32, #tpu.memory_space<vmem>>, vector<16xi32>,
      %broadcast_in_dim3A_41 = arith.constant 1.000000e+00 : f32
      %broadcast_in_dim3A_42 = vector.broadcast %broadcast_in_dim3A_41 : f32 to vector<16xf32>
      tpu.vector_store_idx %arg6[%get3A_40], %broadcast_in_dim3A_42 {add = true} : memref<10000xf32, #tpu.memory_space<vmem>>[vector<16xi32>], vector<16xf32>,
      %get3A_43 = arith.constant 112 : index
      %get3A_44 = tpu.vector_load %arg5[%get3A_43] {strides = array<i32>} : memref<400xi32, #tpu.memory_space<vmem>>, vector<16xi32>,
      %broadcast_in_dim3A_45 = arith.constant 1.000000e+00 : f32
      %broadcast_in_dim3A_46 = vector.broadcast %broadcast_in_dim3A_45 : f32 to vector<16xf32>
      tpu.vector_store_idx %arg6[%get3A_44], %broadcast_in_dim3A_46 {add = true} : memref<10000xf32, #tpu.memory_space<vmem>>[vector<16xi32>], vector<16xf32>,
      %get3A_47 = arith.constant 128 : index
      %get3A_48 = tpu.vector_load %arg5[%get3A_47] {strides = array<i32>} : memref<400xi32, #tpu.memory_space<vmem>>, vector<16xi32>,
      %broadcast_in_dim3A_49 = arith.constant 1.000000e+00 : f32
      %broadcast_in_dim3A_50 = vector.broadcast %broadcast_in_dim3A_49 : f32 to vector<16xf32>
      tpu.vector_store_idx %arg6[%get3A_48], %broadcast_in_dim3A_50 {add = true} : memref<10000xf32, #tpu.memory_space<vmem>>[vector<16xi32>], vector<16xf32>,
      %get3A_51 = arith.constant 144 : index
      %get3A_52 = tpu.vector_load %arg5[%get3A_51] {strides = array<i32>} : memref<400xi32, #tpu.memory_space<vmem>>, vector<16xi32>,
      %broadcast_in_dim3A_53 = arith.constant 1.000000e+00 : f32
      %broadcast_in_dim3A_54 = vector.broadcast %broadcast_in_dim3A_53 : f32 to vector<16xf32>
      tpu.vector_store_idx %arg6[%get3A_52], %broadcast_in_dim3A_54 {add = true} : memref<10000xf32, #tpu.memory_space<vmem>>[vector<16xi32>], vector<16xf32>,
      %get3A_55 = arith.constant 160 : index
      %get3A_56 = tpu.vector_load %arg5[%get3A_55] {strides = array<i32>} : memref<400xi32, #tpu.memory_space<vmem>>, vector<16xi32>,
      %broadcast_in_dim3A_57 = arith.constant 1.000000e+00 : f32
      %broadcast_in_dim3A_58 = vector.broadcast %broadcast_in_dim3A_57 : f32 to vector<16xf32>
      tpu.vector_store_idx %arg6[%get3A_56], %broadcast_in_dim3A_58 {add = true} : memref<10000xf32, #tpu.memory_space<vmem>>[vector<16xi32>], vector<16xf32>,
      %get3A_59 = arith.constant 176 : index
      %get3A_60 = tpu.vector_load %arg5[%get3A_59] {strides = array<i32>} : memref<400xi32, #tpu.memory_space<vmem>>, vector<16xi32>,
      %broadcast_in_dim3A_61 = arith.constant 1.000000e+00 : f32
      %broadcast_in_dim3A_62 = vector.broadcast %broadcast_in_dim3A_61 : f32 to vector<16xf32>
      tpu.vector_store_idx %arg6[%get3A_60], %broadcast_in_dim3A_62 {add = true} : memref<10000xf32, #tpu.memory_space<vmem>>[vector<16xi32>], vector<16xf32>,
      %get3A_63 = arith.constant 192 : index
      %get3A_64 = tpu.vector_load %arg5[%get3A_63] {strides = array<i32>} : memref<400xi32, #tpu.memory_space<vmem>>, vector<16xi32>,
      %broadcast_in_dim3A_65 = arith.constant 1.000000e+00 : f32
      %broadcast_in_dim3A_66 = vector.broadcast %broadcast_in_dim3A_65 : f32 to vector<16xf32>
      tpu.vector_store_idx %arg6[%get3A_64], %broadcast_in_dim3A_66 {add = true} : memref<10000xf32, #tpu.memory_space<vmem>>[vector<16xi32>], vector<16xf32>,
      %get3A_67 = arith.constant 208 : index
      %get3A_68 = tpu.vector_load %arg5[%get3A_67] {strides = array<i32>} : memref<400xi32, #tpu.memory_space<vmem>>, vector<16xi32>,
      %broadcast_in_dim3A_69 = arith.constant 1.000000e+00 : f32
      %broadcast_in_dim3A_70 = vector.broadcast %broadcast_in_dim3A_69 : f32 to vector<16xf32>
      tpu.vector_store_idx %arg6[%get3A_68], %broadcast_in_dim3A_70 {add = true} : memref<10000xf32, #tpu.memory_space<vmem>>[vector<16xi32>], vector<16xf32>,
      %get3A_71 = arith.constant 224 : index
      %get3A_72 = tpu.vector_load %arg5[%get3A_71] {strides = array<i32>} : memref<400xi32, #tpu.memory_space<vmem>>, vector<16xi32>,
      %broadcast_in_dim3A_73 = arith.constant 1.000000e+00 : f32
      %broadcast_in_dim3A_74 = vector.broadcast %broadcast_in_dim3A_73 : f32 to vector<16xf32>
      tpu.vector_store_idx %arg6[%get3A_72], %broadcast_in_dim3A_74 {add = true} : memref<10000xf32, #tpu.memory_space<vmem>>[vector<16xi32>], vector<16xf32>,
      %get3A_75 = arith.constant 240 : index
      %get3A_76 = tpu.vector_load %arg5[%get3A_75] {strides = array<i32>} : memref<400xi32, #tpu.memory_space<vmem>>, vector<16xi32>,
      %broadcast_in_dim3A_77 = arith.constant 1.000000e+00 : f32
      %broadcast_in_dim3A_78 = vector.broadcast %broadcast_in_dim3A_77 : f32 to vector<16xf32>
      tpu.vector_store_idx %arg6[%get3A_76], %broadcast_in_dim3A_78 {add = true} : memref<10000xf32, #tpu.memory_space<vmem>>[vector<16xi32>], vector<16xf32>,
      %get3A_79 = arith.constant 256 : index
      %get3A_80 = tpu.vector_load %arg5[%get3A_79] {strides = array<i32>} : memref<400xi32, #tpu.memory_space<vmem>>, vector<16xi32>,
      %broadcast_in_dim3A_81 = arith.constant 1.000000e+00 : f32
      %broadcast_in_dim3A_82 = vector.broadcast %broadcast_in_dim3A_81 : f32 to vector<16xf32>
      tpu.vector_store_idx %arg6[%get3A_80], %broadcast_in_dim3A_82 {add = true} : memref<10000xf32, #tpu.memory_space<vmem>>[vector<16xi32>], vector<16xf32>,
      %get3A_83 = arith.constant 272 : index
      %get3A_84 = tpu.vector_load %arg5[%get3A_83] {strides = array<i32>} : memref<400xi32, #tpu.memory_space<vmem>>, vector<16xi32>,
      %broadcast_in_dim3A_85 = arith.constant 1.000000e+00 : f32
      %broadcast_in_dim3A_86 = vector.broadcast %broadcast_in_dim3A_85 : f32 to vector<16xf32>
      tpu.vector_store_idx %arg6[%get3A_84], %broadcast_in_dim3A_86 {add = true} : memref<10000xf32, #tpu.memory_space<vmem>>[vector<16xi32>], vector<16xf32>,
      %get3A_87 = arith.constant 288 : index
      %get3A_88 = tpu.vector_load %arg5[%get3A_87] {strides = array<i32>} : memref<400xi32, #tpu.memory_space<vmem>>, vector<16xi32>,
      %broadcast_in_dim3A_89 = arith.constant 1.000000e+00 : f32
      %broadcast_in_dim3A_90 = vector.broadcast %broadcast_in_dim3A_89 : f32 to vector<16xf32>
      tpu.vector_store_idx %arg6[%get3A_88], %broadcast_in_dim3A_90 {add = true} : memref<10000xf32, #tpu.memory_space<vmem>>[vector<16xi32>], vector<16xf32>,
      %get3A_91 = arith.constant 304 : index
      %get3A_92 = tpu.vector_load %arg5[%get3A_91] {strides = array<i32>} : memref<400xi32, #tpu.memory_space<vmem>>, vector<16xi32>,
      %broadcast_in_dim3A_93 = arith.constant 1.000000e+00 : f32
      %broadcast_in_dim3A_94 = vector.broadcast %broadcast_in_dim3A_93 : f32 to vector<16xf32>
      tpu.vector_store_idx %arg6[%get3A_92], %broadcast_in_dim3A_94 {add = true} : memref<10000xf32, #tpu.memory_space<vmem>>[vector<16xi32>], vector<16xf32>,
      %get3A_95 = arith.constant 320 : index
      %get3A_96 = tpu.vector_load %arg5[%get3A_95] {strides = array<i32>} : memref<400xi32, #tpu.memory_space<vmem>>, vector<16xi32>,
      %broadcast_in_dim3A_97 = arith.constant 1.000000e+00 : f32
      %broadcast_in_dim3A_98 = vector.broadcast %broadcast_in_dim3A_97 : f32 to vector<16xf32>
      tpu.vector_store_idx %arg6[%get3A_96], %broadcast_in_dim3A_98 {add = true} : memref<10000xf32, #tpu.memory_space<vmem>>[vector<16xi32>], vector<16xf32>,
      %get3A_99 = arith.constant 336 : index
      %get3A_100 = tpu.vector_load %arg5[%get3A_99] {strides = array<i32>} : memref<400xi32, #tpu.memory_space<vmem>>, vector<16xi32>,
      %broadcast_in_dim3A_101 = arith.constant 1.000000e+00 : f32
      %broadcast_in_dim3A_102 = vector.broadcast %broadcast_in_dim3A_101 : f32 to vector<16xf32>
      tpu.vector_store_idx %arg6[%get3A_100], %broadcast_in_dim3A_102 {add = true} : memref<10000xf32, #tpu.memory_space<vmem>>[vector<16xi32>], vector<16xf32>,
      %get3A_103 = arith.constant 352 : index
      %get3A_104 = tpu.vector_load %arg5[%get3A_103] {strides = array<i32>} : memref<400xi32, #tpu.memory_space<vmem>>, vector<16xi32>,
      %broadcast_in_dim3A_105 = arith.constant 1.000000e+00 : f32
      %broadcast_in_dim3A_106 = vector.broadcast %broadcast_in_dim3A_105 : f32 to vector<16xf32>
      tpu.vector_store_idx %arg6[%get3A_104], %broadcast_in_dim3A_106 {add = true} : memref<10000xf32, #tpu.memory_space<vmem>>[vector<16xi32>], vector<16xf32>,
      %get3A_107 = arith.constant 368 : index
      %get3A_108 = tpu.vector_load %arg5[%get3A_107] {strides = array<i32>} : memref<400xi32, #tpu.memory_space<vmem>>, vector<16xi32>,
      %broadcast_in_dim3A_109 = arith.constant 1.000000e+00 : f32
      %broadcast_in_dim3A_110 = vector.broadcast %broadcast_in_dim3A_109 : f32 to vector<16xf32>
      tpu.vector_store_idx %arg6[%get3A_108], %broadcast_in_dim3A_110 {add = true} : memref<10000xf32, #tpu.memory_space<vmem>>[vector<16xi32>], vector<16xf32>,
      %get3A_111 = arith.constant 384 : index
      %get3A_112 = tpu.vector_load %arg5[%get3A_111] {strides = array<i32>} : memref<400xi32, #tpu.memory_space<vmem>>, vector<16xi32>,
      %broadcast_in_dim3A_113 = arith.constant 1.000000e+00 : f32
      %broadcast_in_dim3A_114 = vector.broadcast %broadcast_in_dim3A_113 : f32 to vector<16xf32>
      tpu.vector_store_idx %arg6[%get3A_112], %broadcast_in_dim3A_114 {add = true} : memref<10000xf32, #tpu.memory_space<vmem>>[vector<16xi32>], vector<16xf32>,
    }
    %scan3A_4 = arith.constant 25 : i32
    %mul3A_5 = arith.constant 10000 : i32
    %mul3A_6 = arith.muli %add3A, %mul3A_5 : i32
    "tpu.region"() ({
      %run_scoped3A = tpu.sem_alloc : memref<!tpu.dma_semaphore, #tpu.memory_space<semaphore_mem>>
      %dma_start3A = tpu.memref_slice %arg4[%mul3A_6] : memref<320000xf32, #tpu.memory_space<hbm>> -> memref<10000xf32, #tpu.memory_space<hbm>>
      %dma_start3A_7 = tpu.memref_slice %arg4[%mul3A_6] : memref<320000xf32, #tpu.memory_space<hbm>> -> memref<10000xf32, #tpu.memory_space<hbm>>
      tpu.enqueue_dma source(%arg6 : memref<10000xf32, #tpu.memory_space<vmem>>) target(%dma_start3A_7 : memref<10000xf32, #tpu.memory_space<hbm>>) target_semaphore(%run_scoped3A : memref<!tpu.dma_semaphore, #tpu.memory_space<semaphore_mem>>)
      %dma_wait3A = tpu.memref_slice %arg4[%mul3A_6] : memref<320000xf32, #tpu.memory_space<hbm>> -> memref<10000xf32, #tpu.memory_space<hbm>>
      %dma_wait3A_8 = tpu.memref_slice %arg4[%mul3A_6] : memref<320000xf32, #tpu.memory_space<hbm>> -> memref<10000xf32, #tpu.memory_space<hbm>>
      tpu.wait_dma2 semaphore(%run_scoped3A : memref<!tpu.dma_semaphore, #tpu.memory_space<semaphore_mem>>) src(%arg6 : memref<10000xf32, #tpu.memory_space<vmem>>) dst(%dma_wait3A_8 : memref<10000xf32, #tpu.memory_space<hbm>>)
      tpu.yield
    }) : () -> ()
    return
  }
}

#map = affine_map<(d0, d1) -> (0, 0)>
#map1 = affine_map<(d0, d1) -> (0, 0, 0)>
#map2 = affine_map<(d0, d1) -> (0)>
module attributes {stable_mosaic.version = 14 : i64} {
  func.func @body(%arg0: i32, %arg1: i32, %arg2: memref<10200x128xf32, #tpu.memory_space<hbm>>, %arg3: memref<4000x2x80xi32, #tpu.memory_space<hbm>>, %arg4: memref<320000xi32, #tpu.memory_space<hbm>>, %arg5: memref<10000x128xf32, #tpu.memory_space<hbm>>, %arg6: memref<20000x128xf32, #tpu.memory_space<hbm>>, %arg7: memref<2x80xi32, #tpu.memory_space<vmem>>, %arg8: memref<80xi32, #tpu.memory_space<vmem>>, %arg9: memref<80x128xf32, #tpu.memory_space<vmem>>, %arg10: memref<80x128xf32, #tpu.memory_space<vmem>>, %arg11: memref<!tpu.dma_semaphore, #tpu.memory_space<semaphore_mem>>, %arg12: memref<!tpu.dma_semaphore, #tpu.memory_space<semaphore_mem>>, %arg13: memref<!tpu.dma_semaphore, #tpu.memory_space<semaphore_mem>>, %arg14: memref<!tpu.dma_semaphore, #tpu.memory_space<semaphore_mem>>, %arg15: memref<2x80xi32, #tpu.memory_space<vmem>>, %arg16: memref<80xi32, #tpu.memory_space<vmem>>, %arg17: memref<80x128xf32, #tpu.memory_space<vmem>>, %arg18: memref<80x128xf32, #tpu.memory_space<vmem>>, %arg19: memref<!tpu.dma_semaphore, #tpu.memory_space<semaphore_mem>>, %arg20: memref<!tpu.dma_semaphore, #tpu.memory_space<semaphore_mem>>, %arg21: memref<!tpu.dma_semaphore, #tpu.memory_space<semaphore_mem>>, %arg22: memref<!tpu.dma_semaphore, #tpu.memory_space<semaphore_mem>>, %arg23: memref<10000x128xf32, #tpu.memory_space<vmem_shared>>, %arg24: memref<200x128xf32, #tpu.memory_space<vmem_shared>>) attributes {dimension_semantics = [#tpu.dimension_semantics<core_parallel>, #tpu.dimension_semantics<subcore_parallel>], iteration_bounds = array<i64: 2, 16>, scalar_prefetch = 0 : i64, scratch_operands = 18 : i64, tpu.core_type = #tpu.core_type<sc_vector_subcore>, window_params = [{transform_indices = #map}, {transform_indices = #map1}, {transform_indices = #map2}, {transform_indices = #map}, {transform_indices = #map}]} {
    %mul3A = arith.constant 2 : i32
    %mul3A_0 = arith.muli %arg1, %mul3A : i32
    %add3A = arith.addi %mul3A_0, %arg0 : i32
    %mul3A_1 = arith.constant 624 : i32
    %mul3A_2 = arith.muli %arg1, %mul3A_1 : i32
    "tpu.region"() ({
      %run_scoped3A = tpu.sem_alloc : memref<!tpu.dma_semaphore, #tpu.memory_space<semaphore_mem>>
      %dma_start3A_117 = arith.constant 0 : i32
      %dma_start3A_118 = tpu.memref_slice %arg23[%mul3A_2, %dma_start3A_117] : memref<10000x128xf32, #tpu.memory_space<vmem_shared>> -> memref<624x128xf32, #tpu.memory_space<vmem_shared>>
      %dma_start3A_119 = arith.constant 0 : i32
      %dma_start3A_120 = tpu.memref_slice %arg5[%mul3A_2, %dma_start3A_119] : memref<10000x128xf32, #tpu.memory_space<hbm>> -> memref<624x128xf32, #tpu.memory_space<hbm>>
      tpu.enqueue_dma source(%dma_start3A_120 : memref<624x128xf32, #tpu.memory_space<hbm>>) target(%dma_start3A_118 : memref<624x128xf32, #tpu.memory_space<vmem_shared>>) target_semaphore(%run_scoped3A : memref<!tpu.dma_semaphore, #tpu.memory_space<semaphore_mem>>)
      %dma_wait3A_121 = arith.constant 0 : i32
      %dma_wait3A_122 = tpu.memref_slice %arg23[%mul3A_2, %dma_wait3A_121] : memref<10000x128xf32, #tpu.memory_space<vmem_shared>> -> memref<624x128xf32, #tpu.memory_space<vmem_shared>>
      %dma_wait3A_123 = arith.constant 0 : i32
      %dma_wait3A_124 = tpu.memref_slice %arg5[%mul3A_2, %dma_wait3A_123] : memref<10000x128xf32, #tpu.memory_space<hbm>> -> memref<624x128xf32, #tpu.memory_space<hbm>>
      tpu.wait_dma2 semaphore(%run_scoped3A : memref<!tpu.dma_semaphore, #tpu.memory_space<semaphore_mem>>) src(%dma_wait3A_124 : memref<624x128xf32, #tpu.memory_space<hbm>>) dst(%dma_wait3A_122 : memref<624x128xf32, #tpu.memory_space<vmem_shared>>)
      tpu.yield
    }) : () -> ()
    %eq3A = arith.constant 15 : i32
    %eq3A_3 = arith.cmpi eq, %arg1, %eq3A : i32
    %convert_element_type3A = arith.extui %eq3A_3 : i1 to i32
    %cond3A = arith.constant 0 : i32
    %cond3A_4 = arith.cmpi ne, %convert_element_type3A, %cond3A : i32
    scf.if %cond3A_4 {
      "tpu.region"() ({
        %run_scoped3A = tpu.sem_alloc : memref<!tpu.dma_semaphore, #tpu.memory_space<semaphore_mem>>
        %dma_start3A_117 = arith.constant 9984 : i32
        %dma_start3A_118 = arith.constant 0 : i32
        %dma_start3A_119 = tpu.memref_slice %arg23[%dma_start3A_117, %dma_start3A_118] : memref<10000x128xf32, #tpu.memory_space<vmem_shared>> -> memref<16x128xf32, #tpu.memory_space<vmem_shared>>
        %dma_start3A_120 = arith.constant 9984 : i32
        %dma_start3A_121 = arith.constant 0 : i32
        %dma_start3A_122 = tpu.memref_slice %arg5[%dma_start3A_120, %dma_start3A_121] : memref<10000x128xf32, #tpu.memory_space<hbm>> -> memref<16x128xf32, #tpu.memory_space<hbm>>
        tpu.enqueue_dma source(%dma_start3A_122 : memref<16x128xf32, #tpu.memory_space<hbm>>) target(%dma_start3A_119 : memref<16x128xf32, #tpu.memory_space<vmem_shared>>) target_semaphore(%run_scoped3A : memref<!tpu.dma_semaphore, #tpu.memory_space<semaphore_mem>>)
        %dma_wait3A_123 = arith.constant 9984 : i32
        %dma_wait3A_124 = arith.constant 0 : i32
        %dma_wait3A_125 = tpu.memref_slice %arg23[%dma_wait3A_123, %dma_wait3A_124] : memref<10000x128xf32, #tpu.memory_space<vmem_shared>> -> memref<16x128xf32, #tpu.memory_space<vmem_shared>>
        %dma_wait3A_126 = arith.constant 9984 : i32
        %dma_wait3A_127 = arith.constant 0 : i32
        %dma_wait3A_128 = tpu.memref_slice %arg5[%dma_wait3A_126, %dma_wait3A_127] : memref<10000x128xf32, #tpu.memory_space<hbm>> -> memref<16x128xf32, #tpu.memory_space<hbm>>
        tpu.wait_dma2 semaphore(%run_scoped3A : memref<!tpu.dma_semaphore, #tpu.memory_space<semaphore_mem>>) src(%dma_wait3A_128 : memref<16x128xf32, #tpu.memory_space<hbm>>) dst(%dma_wait3A_125 : memref<16x128xf32, #tpu.memory_space<vmem_shared>>)
        tpu.yield
      }) : () -> ()
    } else {
    }
    %eq3A_5 = arith.constant 0 : i32
    %eq3A_6 = arith.cmpi eq, %arg1, %eq3A_5 : i32
    %convert_element_type3A_7 = arith.extui %eq3A_6 : i1 to i32
    %cond3A_8 = arith.constant 0 : i32
    %cond3A_9 = arith.cmpi ne, %convert_element_type3A_7, %cond3A_8 : i32
    scf.if %cond3A_9 {
      "tpu.region"() ({
        %run_scoped3A = tpu.sem_alloc : memref<!tpu.dma_semaphore, #tpu.memory_space<semaphore_mem>>
        %dma_start3A_117 = arith.constant 10000 : i32
        %dma_start3A_118 = arith.constant 0 : i32
        %dma_start3A_119 = tpu.memref_slice %arg2[%dma_start3A_117, %dma_start3A_118] : memref<10200x128xf32, #tpu.memory_space<hbm>> -> memref<200x128xf32, #tpu.memory_space<hbm>>
        tpu.enqueue_dma source(%dma_start3A_119 : memref<200x128xf32, #tpu.memory_space<hbm>>) target(%arg24 : memref<200x128xf32, #tpu.memory_space<vmem_shared>>) target_semaphore(%run_scoped3A : memref<!tpu.dma_semaphore, #tpu.memory_space<semaphore_mem>>)
        %dma_wait3A_120 = arith.constant 10000 : i32
        %dma_wait3A_121 = arith.constant 0 : i32
        %dma_wait3A_122 = tpu.memref_slice %arg2[%dma_wait3A_120, %dma_wait3A_121] : memref<10200x128xf32, #tpu.memory_space<hbm>> -> memref<200x128xf32, #tpu.memory_space<hbm>>
        tpu.wait_dma2 semaphore(%run_scoped3A : memref<!tpu.dma_semaphore, #tpu.memory_space<semaphore_mem>>) src(%dma_wait3A_122 : memref<200x128xf32, #tpu.memory_space<hbm>>) dst(%arg24 : memref<200x128xf32, #tpu.memory_space<vmem_shared>>)
        tpu.yield
      }) : () -> ()
    } else {
    }
    %barrier3A = arith.constant 0 : index
    tpu.barrier barrier_id(%barrier3A)
    %mul3A_10 = arith.constant 125 : i32
    %mul3A_11 = arith.muli %add3A, %mul3A_10 : i32
    %add3A_12 = arith.constant 0 : i32
    %add3A_13 = arith.addi %mul3A_11, %add3A_12 : i32
    %dma_start3A = arith.constant 0 : i32
    %dma_start3A_14 = arith.constant 0 : i32
    %dma_start3A_15 = tpu.memref_slice %arg3[%add3A_13, %dma_start3A, %dma_start3A_14] : memref<4000x2x80xi32, #tpu.memory_space<hbm>> -> memref<1x2x80xi32, #tpu.memory_space<hbm>>
    %dma_start3A_16 = tpu.memref_squeeze %dma_start3A_15 : memref<1x2x80xi32, #tpu.memory_space<hbm>> -> memref<2x80xi32, #tpu.memory_space<hbm>>
    %dma_start3A_17 = arith.constant 0 : i32
    %dma_start3A_18 = arith.constant 0 : i32
    %dma_start3A_19 = tpu.memref_slice %arg3[%add3A_13, %dma_start3A_17, %dma_start3A_18] : memref<4000x2x80xi32, #tpu.memory_space<hbm>> -> memref<1x2x80xi32, #tpu.memory_space<hbm>>
    %dma_start3A_20 = tpu.memref_squeeze %dma_start3A_19 : memref<1x2x80xi32, #tpu.memory_space<hbm>> -> memref<2x80xi32, #tpu.memory_space<hbm>>
    tpu.enqueue_dma source(%dma_start3A_20 : memref<2x80xi32, #tpu.memory_space<hbm>>) target(%arg7 : memref<2x80xi32, #tpu.memory_space<vmem>>) target_semaphore(%arg14 : memref<!tpu.dma_semaphore, #tpu.memory_space<semaphore_mem>>)
    %mul3A_21 = arith.constant 125 : i32
    %mul3A_22 = arith.muli %add3A, %mul3A_21 : i32
    %add3A_23 = arith.constant 0 : i32
    %add3A_24 = arith.addi %mul3A_22, %add3A_23 : i32
    %dma_wait3A = arith.constant 0 : i32
    %dma_wait3A_25 = arith.constant 0 : i32
    %dma_wait3A_26 = tpu.memref_slice %arg3[%add3A_24, %dma_wait3A, %dma_wait3A_25] : memref<4000x2x80xi32, #tpu.memory_space<hbm>> -> memref<1x2x80xi32, #tpu.memory_space<hbm>>
    %dma_wait3A_27 = tpu.memref_squeeze %dma_wait3A_26 : memref<1x2x80xi32, #tpu.memory_space<hbm>> -> memref<2x80xi32, #tpu.memory_space<hbm>>
    %dma_wait3A_28 = arith.constant 0 : i32
    %dma_wait3A_29 = arith.constant 0 : i32
    %dma_wait3A_30 = tpu.memref_slice %arg3[%add3A_24, %dma_wait3A_28, %dma_wait3A_29] : memref<4000x2x80xi32, #tpu.memory_space<hbm>> -> memref<1x2x80xi32, #tpu.memory_space<hbm>>
    %dma_wait3A_31 = tpu.memref_squeeze %dma_wait3A_30 : memref<1x2x80xi32, #tpu.memory_space<hbm>> -> memref<2x80xi32, #tpu.memory_space<hbm>>
    tpu.wait_dma2 semaphore(%arg14 : memref<!tpu.dma_semaphore, #tpu.memory_space<semaphore_mem>>) src(%dma_wait3A_31 : memref<2x80xi32, #tpu.memory_space<hbm>>) dst(%arg7 : memref<2x80xi32, #tpu.memory_space<vmem>>)
    %mul3A_32 = arith.constant 10000 : i32
    %mul3A_33 = arith.muli %add3A, %mul3A_32 : i32
    %add3A_34 = arith.constant 0 : i32
    %add3A_35 = arith.addi %mul3A_33, %add3A_34 : i32
    "tpu.region"() ({
      %run_scoped3A = tpu.sem_alloc : memref<!tpu.dma_semaphore, #tpu.memory_space<semaphore_mem>>
      %dma_start3A_117 = tpu.memref_slice %arg4[%add3A_35] : memref<320000xi32, #tpu.memory_space<hbm>> -> memref<80xi32, #tpu.memory_space<hbm>>
      %dma_start3A_118 = tpu.memref_slice %arg4[%add3A_35] : memref<320000xi32, #tpu.memory_space<hbm>> -> memref<80xi32, #tpu.memory_space<hbm>>
      tpu.enqueue_dma source(%dma_start3A_118 : memref<80xi32, #tpu.memory_space<hbm>>) target(%arg8 : memref<80xi32, #tpu.memory_space<vmem>>) target_semaphore(%run_scoped3A : memref<!tpu.dma_semaphore, #tpu.memory_space<semaphore_mem>>)
      %dma_wait3A_119 = tpu.memref_slice %arg4[%add3A_35] : memref<320000xi32, #tpu.memory_space<hbm>> -> memref<80xi32, #tpu.memory_space<hbm>>
      %dma_wait3A_120 = tpu.memref_slice %arg4[%add3A_35] : memref<320000xi32, #tpu.memory_space<hbm>> -> memref<80xi32, #tpu.memory_space<hbm>>
      tpu.wait_dma2 semaphore(%run_scoped3A : memref<!tpu.dma_semaphore, #tpu.memory_space<semaphore_mem>>) src(%dma_wait3A_120 : memref<80xi32, #tpu.memory_space<hbm>>) dst(%arg8 : memref<80xi32, #tpu.memory_space<vmem>>)
      tpu.yield
    }) : () -> ()
    %dma_start3A_36 = arith.constant 0 : i32
    %dma_start3A_37 = arith.constant 0 : i32
    %dma_start3A_38 = tpu.memref_slice %arg7[%dma_start3A_36, %dma_start3A_37] : memref<2x80xi32, #tpu.memory_space<vmem>> -> memref<1x80xi32, #tpu.memory_space<vmem>>
    %dma_start3A_39 = tpu.memref_squeeze %dma_start3A_38 : memref<1x80xi32, #tpu.memory_space<vmem>> -> memref<80xi32, #tpu.memory_space<vmem>>
    %dma_start3A_40 = arith.constant 0 : i32
    %dma_start3A_41 = arith.constant 0 : i32
    %dma_start3A_42 = tpu.memref_slice %arg2[%dma_start3A_40, %dma_start3A_41] : memref<10200x128xf32, #tpu.memory_space<hbm>> -> memref<10200x128xf32, #tpu.memory_space<hbm>>
    tpu.enqueue_indirect_dma source(%dma_start3A_42 : memref<10200x128xf32, #tpu.memory_space<hbm>>) target(%arg9 : memref<80x128xf32, #tpu.memory_space<vmem>>) offsets(%dma_start3A_39 : memref<80xi32, #tpu.memory_space<vmem>>) semaphore(%arg11 : memref<!tpu.dma_semaphore, #tpu.memory_space<semaphore_mem>>)
    %dma_start3A_43 = arith.constant 1 : i32
    %dma_start3A_44 = arith.constant 0 : i32
    %dma_start3A_45 = tpu.memref_slice %arg7[%dma_start3A_43, %dma_start3A_44] : memref<2x80xi32, #tpu.memory_space<vmem>> -> memref<1x80xi32, #tpu.memory_space<vmem>>
    %dma_start3A_46 = tpu.memref_squeeze %dma_start3A_45 : memref<1x80xi32, #tpu.memory_space<vmem>> -> memref<80xi32, #tpu.memory_space<vmem>>
    %dma_start3A_47 = arith.constant 0 : i32
    %dma_start3A_48 = arith.constant 0 : i32
    %dma_start3A_49 = tpu.memref_slice %arg24[%dma_start3A_47, %dma_start3A_48] : memref<200x128xf32, #tpu.memory_space<vmem_shared>> -> memref<200x128xf32, #tpu.memory_space<vmem_shared>>
    tpu.enqueue_indirect_dma source(%dma_start3A_49 : memref<200x128xf32, #tpu.memory_space<vmem_shared>>) target(%arg10 : memref<80x128xf32, #tpu.memory_space<vmem>>) offsets(%dma_start3A_46 : memref<80xi32, #tpu.memory_space<vmem>>) semaphore(%arg12 : memref<!tpu.dma_semaphore, #tpu.memory_space<semaphore_mem>>)
    %mul3A_50 = arith.constant 125 : i32
    %mul3A_51 = arith.muli %add3A, %mul3A_50 : i32
    %add3A_52 = arith.constant 1 : i32
    %add3A_53 = arith.addi %mul3A_51, %add3A_52 : i32
    %dma_start3A_54 = arith.constant 0 : i32
    %dma_start3A_55 = arith.constant 0 : i32
    %dma_start3A_56 = tpu.memref_slice %arg3[%add3A_53, %dma_start3A_54, %dma_start3A_55] : memref<4000x2x80xi32, #tpu.memory_space<hbm>> -> memref<1x2x80xi32, #tpu.memory_space<hbm>>
    %dma_start3A_57 = tpu.memref_squeeze %dma_start3A_56 : memref<1x2x80xi32, #tpu.memory_space<hbm>> -> memref<2x80xi32, #tpu.memory_space<hbm>>
    %dma_start3A_58 = arith.constant 0 : i32
    %dma_start3A_59 = arith.constant 0 : i32
    %dma_start3A_60 = tpu.memref_slice %arg3[%add3A_53, %dma_start3A_58, %dma_start3A_59] : memref<4000x2x80xi32, #tpu.memory_space<hbm>> -> memref<1x2x80xi32, #tpu.memory_space<hbm>>
    %dma_start3A_61 = tpu.memref_squeeze %dma_start3A_60 : memref<1x2x80xi32, #tpu.memory_space<hbm>> -> memref<2x80xi32, #tpu.memory_space<hbm>>
    tpu.enqueue_dma source(%dma_start3A_61 : memref<2x80xi32, #tpu.memory_space<hbm>>) target(%arg15 : memref<2x80xi32, #tpu.memory_space<vmem>>) target_semaphore(%arg22 : memref<!tpu.dma_semaphore, #tpu.memory_space<semaphore_mem>>)
    %mul3A_62 = arith.constant 125 : i32
    %mul3A_63 = arith.muli %add3A, %mul3A_62 : i32
    %add3A_64 = arith.constant 1 : i32
    %add3A_65 = arith.addi %mul3A_63, %add3A_64 : i32
    %dma_wait3A_66 = arith.constant 0 : i32
    %dma_wait3A_67 = arith.constant 0 : i32
    %dma_wait3A_68 = tpu.memref_slice %arg3[%add3A_65, %dma_wait3A_66, %dma_wait3A_67] : memref<4000x2x80xi32, #tpu.memory_space<hbm>> -> memref<1x2x80xi32, #tpu.memory_space<hbm>>
    %dma_wait3A_69 = tpu.memref_squeeze %dma_wait3A_68 : memref<1x2x80xi32, #tpu.memory_space<hbm>> -> memref<2x80xi32, #tpu.memory_space<hbm>>
    %dma_wait3A_70 = arith.constant 0 : i32
    %dma_wait3A_71 = arith.constant 0 : i32
    %dma_wait3A_72 = tpu.memref_slice %arg3[%add3A_65, %dma_wait3A_70, %dma_wait3A_71] : memref<4000x2x80xi32, #tpu.memory_space<hbm>> -> memref<1x2x80xi32, #tpu.memory_space<hbm>>
    %dma_wait3A_73 = tpu.memref_squeeze %dma_wait3A_72 : memref<1x2x80xi32, #tpu.memory_space<hbm>> -> memref<2x80xi32, #tpu.memory_space<hbm>>
    tpu.wait_dma2 semaphore(%arg22 : memref<!tpu.dma_semaphore, #tpu.memory_space<semaphore_mem>>) src(%dma_wait3A_73 : memref<2x80xi32, #tpu.memory_space<hbm>>) dst(%arg15 : memref<2x80xi32, #tpu.memory_space<vmem>>)
    %mul3A_74 = arith.constant 10000 : i32
    %mul3A_75 = arith.muli %add3A, %mul3A_74 : i32
    %add3A_76 = arith.constant 80 : i32
    %add3A_77 = arith.addi %mul3A_75, %add3A_76 : i32
    "tpu.region"() ({
      %run_scoped3A = tpu.sem_alloc : memref<!tpu.dma_semaphore, #tpu.memory_space<semaphore_mem>>
      %dma_start3A_117 = tpu.memref_slice %arg4[%add3A_77] : memref<320000xi32, #tpu.memory_space<hbm>> -> memref<80xi32, #tpu.memory_space<hbm>>
      %dma_start3A_118 = tpu.memref_slice %arg4[%add3A_77] : memref<320000xi32, #tpu.memory_space<hbm>> -> memref<80xi32, #tpu.memory_space<hbm>>
      tpu.enqueue_dma source(%dma_start3A_118 : memref<80xi32, #tpu.memory_space<hbm>>) target(%arg16 : memref<80xi32, #tpu.memory_space<vmem>>) target_semaphore(%run_scoped3A : memref<!tpu.dma_semaphore, #tpu.memory_space<semaphore_mem>>)
      %dma_wait3A_119 = tpu.memref_slice %arg4[%add3A_77] : memref<320000xi32, #tpu.memory_space<hbm>> -> memref<80xi32, #tpu.memory_space<hbm>>
      %dma_wait3A_120 = tpu.memref_slice %arg4[%add3A_77] : memref<320000xi32, #tpu.memory_space<hbm>> -> memref<80xi32, #tpu.memory_space<hbm>>
      tpu.wait_dma2 semaphore(%run_scoped3A : memref<!tpu.dma_semaphore, #tpu.memory_space<semaphore_mem>>) src(%dma_wait3A_120 : memref<80xi32, #tpu.memory_space<hbm>>) dst(%arg16 : memref<80xi32, #tpu.memory_space<vmem>>)
      tpu.yield
    }) : () -> ()
    %dma_start3A_78 = arith.constant 0 : i32
    %dma_start3A_79 = arith.constant 0 : i32
    %dma_start3A_80 = tpu.memref_slice %arg15[%dma_start3A_78, %dma_start3A_79] : memref<2x80xi32, #tpu.memory_space<vmem>> -> memref<1x80xi32, #tpu.memory_space<vmem>>
    %dma_start3A_81 = tpu.memref_squeeze %dma_start3A_80 : memref<1x80xi32, #tpu.memory_space<vmem>> -> memref<80xi32, #tpu.memory_space<vmem>>
    %dma_start3A_82 = arith.constant 0 : i32
    %dma_start3A_83 = arith.constant 0 : i32
    %dma_start3A_84 = tpu.memref_slice %arg2[%dma_start3A_82, %dma_start3A_83] : memref<10200x128xf32, #tpu.memory_space<hbm>> -> memref<10200x128xf32, #tpu.memory_space<hbm>>
    tpu.enqueue_indirect_dma source(%dma_start3A_84 : memref<10200x128xf32, #tpu.memory_space<hbm>>) target(%arg17 : memref<80x128xf32, #tpu.memory_space<vmem>>) offsets(%dma_start3A_81 : memref<80xi32, #tpu.memory_space<vmem>>) semaphore(%arg19 : memref<!tpu.dma_semaphore, #tpu.memory_space<semaphore_mem>>)
    %dma_start3A_85 = arith.constant 1 : i32
    %dma_start3A_86 = arith.constant 0 : i32
    %dma_start3A_87 = tpu.memref_slice %arg15[%dma_start3A_85, %dma_start3A_86] : memref<2x80xi32, #tpu.memory_space<vmem>> -> memref<1x80xi32, #tpu.memory_space<vmem>>
    %dma_start3A_88 = tpu.memref_squeeze %dma_start3A_87 : memref<1x80xi32, #tpu.memory_space<vmem>> -> memref<80xi32, #tpu.memory_space<vmem>>
    %dma_start3A_89 = arith.constant 0 : i32
    %dma_start3A_90 = arith.constant 0 : i32
    %dma_start3A_91 = tpu.memref_slice %arg24[%dma_start3A_89, %dma_start3A_90] : memref<200x128xf32, #tpu.memory_space<vmem_shared>> -> memref<200x128xf32, #tpu.memory_space<vmem_shared>>
    tpu.enqueue_indirect_dma source(%dma_start3A_91 : memref<200x128xf32, #tpu.memory_space<vmem_shared>>) target(%arg18 : memref<80x128xf32, #tpu.memory_space<vmem>>) offsets(%dma_start3A_88 : memref<80xi32, #tpu.memory_space<vmem>>) semaphore(%arg20 : memref<!tpu.dma_semaphore, #tpu.memory_space<semaphore_mem>>)
    %scan3A = arith.constant 0 : i32
    %scan3A_92 = arith.constant 63 : i32
    %scan3A_93 = arith.addi %scan3A, %scan3A_92 : i32
    %scan3A_94 = arith.constant 1 : i32
    scf.for %scan3A_117 = %scan3A to %scan3A_93 step %scan3A_94  : i32 {
      %mul3A_118 = arith.constant 2 : i32
      %mul3A_119 = arith.muli %scan3A_117, %mul3A_118 : i32
      %add3A_120 = arith.constant 0 : i32
      %add3A_121 = arith.addi %add3A_120, %mul3A_119 : i32
      %dma_wait3A_122 = arith.constant 0 : i32
      %dma_wait3A_123 = arith.constant 0 : i32
      %dma_wait3A_124 = tpu.memref_slice %arg7[%dma_wait3A_122, %dma_wait3A_123] : memref<2x80xi32, #tpu.memory_space<vmem>> -> memref<1x80xi32, #tpu.memory_space<vmem>>
      %dma_wait3A_125 = tpu.memref_squeeze %dma_wait3A_124 : memref<1x80xi32, #tpu.memory_space<vmem>> -> memref<80xi32, #tpu.memory_space<vmem>>
      %dma_wait3A_126 = arith.constant 0 : i32
      %dma_wait3A_127 = arith.constant 0 : i32
      %dma_wait3A_128 = tpu.memref_slice %arg2[%dma_wait3A_126, %dma_wait3A_127] : memref<10200x128xf32, #tpu.memory_space<hbm>> -> memref<10200x128xf32, #tpu.memory_space<hbm>>
      tpu.wait_indirect_dma semaphore(%arg11 : memref<!tpu.dma_semaphore, #tpu.memory_space<semaphore_mem>>) src(%dma_wait3A_128 : memref<10200x128xf32, #tpu.memory_space<hbm>>) dst(%arg9 : memref<80x128xf32, #tpu.memory_space<vmem>>)
      %dma_wait3A_129 = arith.constant 1 : i32
      %dma_wait3A_130 = arith.constant 0 : i32
      %dma_wait3A_131 = tpu.memref_slice %arg7[%dma_wait3A_129, %dma_wait3A_130] : memref<2x80xi32, #tpu.memory_space<vmem>> -> memref<1x80xi32, #tpu.memory_space<vmem>>
      %dma_wait3A_132 = tpu.memref_squeeze %dma_wait3A_131 : memref<1x80xi32, #tpu.memory_space<vmem>> -> memref<80xi32, #tpu.memory_space<vmem>>
      %dma_wait3A_133 = arith.constant 0 : i32
      %dma_wait3A_134 = arith.constant 0 : i32
      %dma_wait3A_135 = tpu.memref_slice %arg24[%dma_wait3A_133, %dma_wait3A_134] : memref<200x128xf32, #tpu.memory_space<vmem_shared>> -> memref<200x128xf32, #tpu.memory_space<vmem_shared>>
      tpu.wait_indirect_dma semaphore(%arg12 : memref<!tpu.dma_semaphore, #tpu.memory_space<semaphore_mem>>) src(%dma_wait3A_135 : memref<200x128xf32, #tpu.memory_space<vmem_shared>>) dst(%arg10 : memref<80x128xf32, #tpu.memory_space<vmem>>)
      %dma_start3A_136 = arith.constant 0 : i32
      %dma_start3A_137 = arith.constant 0 : i32
      %dma_start3A_138 = tpu.memref_slice %arg23[%dma_start3A_136, %dma_start3A_137] : memref<10000x128xf32, #tpu.memory_space<vmem_shared>> -> memref<10000x128xf32, #tpu.memory_space<vmem_shared>>
      tpu.enqueue_indirect_dma source(%arg9 : memref<80x128xf32, #tpu.memory_space<vmem>>) target(%dma_start3A_138 : memref<10000x128xf32, #tpu.memory_space<vmem_shared>>) offsets(%arg8 : memref<80xi32, #tpu.memory_space<vmem>>) semaphore(%arg13 : memref<!tpu.dma_semaphore, #tpu.memory_space<semaphore_mem>>) {add = true}
      %dma_start3A_139 = arith.constant 0 : i32
      %dma_start3A_140 = arith.constant 0 : i32
      %dma_start3A_141 = tpu.memref_slice %arg23[%dma_start3A_139, %dma_start3A_140] : memref<10000x128xf32, #tpu.memory_space<vmem_shared>> -> memref<10000x128xf32, #tpu.memory_space<vmem_shared>>
      tpu.enqueue_indirect_dma source(%arg10 : memref<80x128xf32, #tpu.memory_space<vmem>>) target(%dma_start3A_141 : memref<10000x128xf32, #tpu.memory_space<vmem_shared>>) offsets(%arg8 : memref<80xi32, #tpu.memory_space<vmem>>) semaphore(%arg13 : memref<!tpu.dma_semaphore, #tpu.memory_space<semaphore_mem>>) {add = true}
      %add3A_142 = arith.constant 2 : i32
      %add3A_143 = arith.addi %add3A_121, %add3A_142 : i32
      %lt3A = arith.constant 125 : i32
      %lt3A_144 = arith.cmpi slt, %add3A_143, %lt3A : i32
      %convert_element_type3A_145 = arith.extui %lt3A_144 : i1 to i32
      %cond3A_146 = arith.constant 0 : i32
      %cond3A_147 = arith.cmpi ne, %convert_element_type3A_145, %cond3A_146 : i32
      scf.if %cond3A_147 {
        %add3A_176 = arith.constant 2 : i32
        %add3A_177 = arith.addi %add3A_121, %add3A_176 : i32
        %mul3A_178 = arith.constant 125 : i32
        %mul3A_179 = arith.muli %add3A, %mul3A_178 : i32
        %add3A_180 = arith.addi %mul3A_179, %add3A_177 : i32
        %dma_start3A_181 = arith.constant 0 : i32
        %dma_start3A_182 = arith.constant 0 : i32
        %dma_start3A_183 = tpu.memref_slice %arg3[%add3A_180, %dma_start3A_181, %dma_start3A_182] : memref<4000x2x80xi32, #tpu.memory_space<hbm>> -> memref<1x2x80xi32, #tpu.memory_space<hbm>>
        %dma_start3A_184 = tpu.memref_squeeze %dma_start3A_183 : memref<1x2x80xi32, #tpu.memory_space<hbm>> -> memref<2x80xi32, #tpu.memory_space<hbm>>
        %dma_start3A_185 = arith.constant 0 : i32
        %dma_start3A_186 = arith.constant 0 : i32
        %dma_start3A_187 = tpu.memref_slice %arg3[%add3A_180, %dma_start3A_185, %dma_start3A_186] : memref<4000x2x80xi32, #tpu.memory_space<hbm>> -> memref<1x2x80xi32, #tpu.memory_space<hbm>>
        %dma_start3A_188 = tpu.memref_squeeze %dma_start3A_187 : memref<1x2x80xi32, #tpu.memory_space<hbm>> -> memref<2x80xi32, #tpu.memory_space<hbm>>
        tpu.enqueue_dma source(%dma_start3A_188 : memref<2x80xi32, #tpu.memory_space<hbm>>) target(%arg7 : memref<2x80xi32, #tpu.memory_space<vmem>>) target_semaphore(%arg14 : memref<!tpu.dma_semaphore, #tpu.memory_space<semaphore_mem>>)
      } else {
      }
      %add3A_148 = arith.constant 1 : i32
      %add3A_149 = arith.addi %add3A_121, %add3A_148 : i32
      %lt3A_150 = arith.constant 125 : i32
      %lt3A_151 = arith.cmpi slt, %add3A_149, %lt3A_150 : i32
      %convert_element_type3A_152 = arith.extui %lt3A_151 : i1 to i32
      %cond3A_153 = arith.constant 0 : i32
      %cond3A_154 = arith.cmpi ne, %convert_element_type3A_152, %cond3A_153 : i32
      scf.if %cond3A_154 {
        %dma_wait3A_176 = arith.constant 0 : i32
        %dma_wait3A_177 = arith.constant 0 : i32
        %dma_wait3A_178 = tpu.memref_slice %arg15[%dma_wait3A_176, %dma_wait3A_177] : memref<2x80xi32, #tpu.memory_space<vmem>> -> memref<1x80xi32, #tpu.memory_space<vmem>>
        %dma_wait3A_179 = tpu.memref_squeeze %dma_wait3A_178 : memref<1x80xi32, #tpu.memory_space<vmem>> -> memref<80xi32, #tpu.memory_space<vmem>>
        %dma_wait3A_180 = arith.constant 0 : i32
        %dma_wait3A_181 = arith.constant 0 : i32
        %dma_wait3A_182 = tpu.memref_slice %arg2[%dma_wait3A_180, %dma_wait3A_181] : memref<10200x128xf32, #tpu.memory_space<hbm>> -> memref<10200x128xf32, #tpu.memory_space<hbm>>
        tpu.wait_indirect_dma semaphore(%arg19 : memref<!tpu.dma_semaphore, #tpu.memory_space<semaphore_mem>>) src(%dma_wait3A_182 : memref<10200x128xf32, #tpu.memory_space<hbm>>) dst(%arg17 : memref<80x128xf32, #tpu.memory_space<vmem>>)
        %dma_wait3A_183 = arith.constant 1 : i32
        %dma_wait3A_184 = arith.constant 0 : i32
        %dma_wait3A_185 = tpu.memref_slice %arg15[%dma_wait3A_183, %dma_wait3A_184] : memref<2x80xi32, #tpu.memory_space<vmem>> -> memref<1x80xi32, #tpu.memory_space<vmem>>
        %dma_wait3A_186 = tpu.memref_squeeze %dma_wait3A_185 : memref<1x80xi32, #tpu.memory_space<vmem>> -> memref<80xi32, #tpu.memory_space<vmem>>
        %dma_wait3A_187 = arith.constant 0 : i32
        %dma_wait3A_188 = arith.constant 0 : i32
        %dma_wait3A_189 = tpu.memref_slice %arg24[%dma_wait3A_187, %dma_wait3A_188] : memref<200x128xf32, #tpu.memory_space<vmem_shared>> -> memref<200x128xf32, #tpu.memory_space<vmem_shared>>
        tpu.wait_indirect_dma semaphore(%arg20 : memref<!tpu.dma_semaphore, #tpu.memory_space<semaphore_mem>>) src(%dma_wait3A_189 : memref<200x128xf32, #tpu.memory_space<vmem_shared>>) dst(%arg18 : memref<80x128xf32, #tpu.memory_space<vmem>>)
        %dma_start3A_190 = arith.constant 0 : i32
        %dma_start3A_191 = arith.constant 0 : i32
        %dma_start3A_192 = tpu.memref_slice %arg23[%dma_start3A_190, %dma_start3A_191] : memref<10000x128xf32, #tpu.memory_space<vmem_shared>> -> memref<10000x128xf32, #tpu.memory_space<vmem_shared>>
        tpu.enqueue_indirect_dma source(%arg17 : memref<80x128xf32, #tpu.memory_space<vmem>>) target(%dma_start3A_192 : memref<10000x128xf32, #tpu.memory_space<vmem_shared>>) offsets(%arg16 : memref<80xi32, #tpu.memory_space<vmem>>) semaphore(%arg21 : memref<!tpu.dma_semaphore, #tpu.memory_space<semaphore_mem>>) {add = true}
        %dma_start3A_193 = arith.constant 0 : i32
        %dma_start3A_194 = arith.constant 0 : i32
        %dma_start3A_195 = tpu.memref_slice %arg23[%dma_start3A_193, %dma_start3A_194] : memref<10000x128xf32, #tpu.memory_space<vmem_shared>> -> memref<10000x128xf32, #tpu.memory_space<vmem_shared>>
        tpu.enqueue_indirect_dma source(%arg18 : memref<80x128xf32, #tpu.memory_space<vmem>>) target(%dma_start3A_195 : memref<10000x128xf32, #tpu.memory_space<vmem_shared>>) offsets(%arg16 : memref<80xi32, #tpu.memory_space<vmem>>) semaphore(%arg21 : memref<!tpu.dma_semaphore, #tpu.memory_space<semaphore_mem>>) {add = true}
      } else {
      }
      %add3A_155 = arith.constant 3 : i32
      %add3A_156 = arith.addi %add3A_121, %add3A_155 : i32
      %lt3A_157 = arith.constant 125 : i32
      %lt3A_158 = arith.cmpi slt, %add3A_156, %lt3A_157 : i32
      %convert_element_type3A_159 = arith.extui %lt3A_158 : i1 to i32
      %cond3A_160 = arith.constant 0 : i32
      %cond3A_161 = arith.cmpi ne, %convert_element_type3A_159, %cond3A_160 : i32
      scf.if %cond3A_161 {
        %add3A_176 = arith.constant 3 : i32
        %add3A_177 = arith.addi %add3A_121, %add3A_176 : i32
        %mul3A_178 = arith.constant 125 : i32
        %mul3A_179 = arith.muli %add3A, %mul3A_178 : i32
        %add3A_180 = arith.addi %mul3A_179, %add3A_177 : i32
        %dma_start3A_181 = arith.constant 0 : i32
        %dma_start3A_182 = arith.constant 0 : i32
        %dma_start3A_183 = tpu.memref_slice %arg3[%add3A_180, %dma_start3A_181, %dma_start3A_182] : memref<4000x2x80xi32, #tpu.memory_space<hbm>> -> memref<1x2x80xi32, #tpu.memory_space<hbm>>
        %dma_start3A_184 = tpu.memref_squeeze %dma_start3A_183 : memref<1x2x80xi32, #tpu.memory_space<hbm>> -> memref<2x80xi32, #tpu.memory_space<hbm>>
        %dma_start3A_185 = arith.constant 0 : i32
        %dma_start3A_186 = arith.constant 0 : i32
        %dma_start3A_187 = tpu.memref_slice %arg3[%add3A_180, %dma_start3A_185, %dma_start3A_186] : memref<4000x2x80xi32, #tpu.memory_space<hbm>> -> memref<1x2x80xi32, #tpu.memory_space<hbm>>
        %dma_start3A_188 = tpu.memref_squeeze %dma_start3A_187 : memref<1x2x80xi32, #tpu.memory_space<hbm>> -> memref<2x80xi32, #tpu.memory_space<hbm>>
        tpu.enqueue_dma source(%dma_start3A_188 : memref<2x80xi32, #tpu.memory_space<hbm>>) target(%arg15 : memref<2x80xi32, #tpu.memory_space<vmem>>) target_semaphore(%arg22 : memref<!tpu.dma_semaphore, #tpu.memory_space<semaphore_mem>>)
      } else {
      }
      %add3A_162 = arith.constant 2 : i32
      %add3A_163 = arith.addi %add3A_121, %add3A_162 : i32
      %lt3A_164 = arith.constant 125 : i32
      %lt3A_165 = arith.cmpi slt, %add3A_163, %lt3A_164 : i32
      %convert_element_type3A_166 = arith.extui %lt3A_165 : i1 to i32
      %cond3A_167 = arith.constant 0 : i32
      %cond3A_168 = arith.cmpi ne, %convert_element_type3A_166, %cond3A_167 : i32
      scf.if %cond3A_168 {
        %dma_wait3A_176 = arith.constant 0 : i32
        %dma_wait3A_177 = arith.constant 0 : i32
        %dma_wait3A_178 = tpu.memref_slice %arg23[%dma_wait3A_176, %dma_wait3A_177] : memref<10000x128xf32, #tpu.memory_space<vmem_shared>> -> memref<10000x128xf32, #tpu.memory_space<vmem_shared>>
        tpu.wait_indirect_dma semaphore(%arg13 : memref<!tpu.dma_semaphore, #tpu.memory_space<semaphore_mem>>) src(%arg9 : memref<80x128xf32, #tpu.memory_space<vmem>>) dst(%dma_wait3A_178 : memref<10000x128xf32, #tpu.memory_space<vmem_shared>>)
        %dma_wait3A_179 = arith.constant 0 : i32
        %dma_wait3A_180 = arith.constant 0 : i32
        %dma_wait3A_181 = tpu.memref_slice %arg23[%dma_wait3A_179, %dma_wait3A_180] : memref<10000x128xf32, #tpu.memory_space<vmem_shared>> -> memref<10000x128xf32, #tpu.memory_space<vmem_shared>>
        tpu.wait_indirect_dma semaphore(%arg13 : memref<!tpu.dma_semaphore, #tpu.memory_space<semaphore_mem>>) src(%arg10 : memref<80x128xf32, #tpu.memory_space<vmem>>) dst(%dma_wait3A_181 : memref<10000x128xf32, #tpu.memory_space<vmem_shared>>)
        %add3A_182 = arith.constant 2 : i32
        %add3A_183 = arith.addi %add3A_121, %add3A_182 : i32
        %mul3A_184 = arith.constant 125 : i32
        %mul3A_185 = arith.muli %add3A, %mul3A_184 : i32
        %add3A_186 = arith.addi %mul3A_185, %add3A_183 : i32
        %dma_wait3A_187 = arith.constant 0 : i32
        %dma_wait3A_188 = arith.constant 0 : i32
        %dma_wait3A_189 = tpu.memref_slice %arg3[%add3A_186, %dma_wait3A_187, %dma_wait3A_188] : memref<4000x2x80xi32, #tpu.memory_space<hbm>> -> memref<1x2x80xi32, #tpu.memory_space<hbm>>
        %dma_wait3A_190 = tpu.memref_squeeze %dma_wait3A_189 : memref<1x2x80xi32, #tpu.memory_space<hbm>> -> memref<2x80xi32, #tpu.memory_space<hbm>>
        %dma_wait3A_191 = arith.constant 0 : i32
        %dma_wait3A_192 = arith.constant 0 : i32
        %dma_wait3A_193 = tpu.memref_slice %arg3[%add3A_186, %dma_wait3A_191, %dma_wait3A_192] : memref<4000x2x80xi32, #tpu.memory_space<hbm>> -> memref<1x2x80xi32, #tpu.memory_space<hbm>>
        %dma_wait3A_194 = tpu.memref_squeeze %dma_wait3A_193 : memref<1x2x80xi32, #tpu.memory_space<hbm>> -> memref<2x80xi32, #tpu.memory_space<hbm>>
        tpu.wait_dma2 semaphore(%arg14 : memref<!tpu.dma_semaphore, #tpu.memory_space<semaphore_mem>>) src(%dma_wait3A_194 : memref<2x80xi32, #tpu.memory_space<hbm>>) dst(%arg7 : memref<2x80xi32, #tpu.memory_space<vmem>>)
        %add3A_195 = arith.constant 2 : i32
        %add3A_196 = arith.addi %add3A_121, %add3A_195 : i32
        %mul3A_197 = arith.constant 10000 : i32
        %mul3A_198 = arith.muli %add3A, %mul3A_197 : i32
        %mul3A_199 = arith.constant 80 : i32
        %mul3A_200 = arith.muli %add3A_196, %mul3A_199 : i32
        %add3A_201 = arith.addi %mul3A_198, %mul3A_200 : i32
        "tpu.region"() ({
          %run_scoped3A = tpu.sem_alloc : memref<!tpu.dma_semaphore, #tpu.memory_space<semaphore_mem>>
          %dma_start3A_216 = tpu.memref_slice %arg4[%add3A_201] : memref<320000xi32, #tpu.memory_space<hbm>> -> memref<80xi32, #tpu.memory_space<hbm>>
          %dma_start3A_217 = tpu.memref_slice %arg4[%add3A_201] : memref<320000xi32, #tpu.memory_space<hbm>> -> memref<80xi32, #tpu.memory_space<hbm>>
          tpu.enqueue_dma source(%dma_start3A_217 : memref<80xi32, #tpu.memory_space<hbm>>) target(%arg8 : memref<80xi32, #tpu.memory_space<vmem>>) target_semaphore(%run_scoped3A : memref<!tpu.dma_semaphore, #tpu.memory_space<semaphore_mem>>)
          %dma_wait3A_218 = tpu.memref_slice %arg4[%add3A_201] : memref<320000xi32, #tpu.memory_space<hbm>> -> memref<80xi32, #tpu.memory_space<hbm>>
          %dma_wait3A_219 = tpu.memref_slice %arg4[%add3A_201] : memref<320000xi32, #tpu.memory_space<hbm>> -> memref<80xi32, #tpu.memory_space<hbm>>
          tpu.wait_dma2 semaphore(%run_scoped3A : memref<!tpu.dma_semaphore, #tpu.memory_space<semaphore_mem>>) src(%dma_wait3A_219 : memref<80xi32, #tpu.memory_space<hbm>>) dst(%arg8 : memref<80xi32, #tpu.memory_space<vmem>>)
          tpu.yield
        }) : () -> ()
        %dma_start3A_202 = arith.constant 0 : i32
        %dma_start3A_203 = arith.constant 0 : i32
        %dma_start3A_204 = tpu.memref_slice %arg7[%dma_start3A_202, %dma_start3A_203] : memref<2x80xi32, #tpu.memory_space<vmem>> -> memref<1x80xi32, #tpu.memory_space<vmem>>
        %dma_start3A_205 = tpu.memref_squeeze %dma_start3A_204 : memref<1x80xi32, #tpu.memory_space<vmem>> -> memref<80xi32, #tpu.memory_space<vmem>>
        %dma_start3A_206 = arith.constant 0 : i32
        %dma_start3A_207 = arith.constant 0 : i32
        %dma_start3A_208 = tpu.memref_slice %arg2[%dma_start3A_206, %dma_start3A_207] : memref<10200x128xf32, #tpu.memory_space<hbm>> -> memref<10200x128xf32, #tpu.memory_space<hbm>>
        tpu.enqueue_indirect_dma source(%dma_start3A_208 : memref<10200x128xf32, #tpu.memory_space<hbm>>) target(%arg9 : memref<80x128xf32, #tpu.memory_space<vmem>>) offsets(%dma_start3A_205 : memref<80xi32, #tpu.memory_space<vmem>>) semaphore(%arg11 : memref<!tpu.dma_semaphore, #tpu.memory_space<semaphore_mem>>)
        %dma_start3A_209 = arith.constant 1 : i32
        %dma_start3A_210 = arith.constant 0 : i32
        %dma_start3A_211 = tpu.memref_slice %arg7[%dma_start3A_209, %dma_start3A_210] : memref<2x80xi32, #tpu.memory_space<vmem>> -> memref<1x80xi32, #tpu.memory_space<vmem>>
        %dma_start3A_212 = tpu.memref_squeeze %dma_start3A_211 : memref<1x80xi32, #tpu.memory_space<vmem>> -> memref<80xi32, #tpu.memory_space<vmem>>
        %dma_start3A_213 = arith.constant 0 : i32
        %dma_start3A_214 = arith.constant 0 : i32
        %dma_start3A_215 = tpu.memref_slice %arg24[%dma_start3A_213, %dma_start3A_214] : memref<200x128xf32, #tpu.memory_space<vmem_shared>> -> memref<200x128xf32, #tpu.memory_space<vmem_shared>>
        tpu.enqueue_indirect_dma source(%dma_start3A_215 : memref<200x128xf32, #tpu.memory_space<vmem_shared>>) target(%arg10 : memref<80x128xf32, #tpu.memory_space<vmem>>) offsets(%dma_start3A_212 : memref<80xi32, #tpu.memory_space<vmem>>) semaphore(%arg12 : memref<!tpu.dma_semaphore, #tpu.memory_space<semaphore_mem>>)
      } else {
      }
      %add3A_169 = arith.constant 3 : i32
      %add3A_170 = arith.addi %add3A_121, %add3A_169 : i32
      %lt3A_171 = arith.constant 125 : i32
      %lt3A_172 = arith.cmpi slt, %add3A_170, %lt3A_171 : i32
      %convert_element_type3A_173 = arith.extui %lt3A_172 : i1 to i32
      %cond3A_174 = arith.constant 0 : i32
      %cond3A_175 = arith.cmpi ne, %convert_element_type3A_173, %cond3A_174 : i32
      scf.if %cond3A_175 {
        %dma_wait3A_176 = arith.constant 0 : i32
        %dma_wait3A_177 = arith.constant 0 : i32
        %dma_wait3A_178 = tpu.memref_slice %arg23[%dma_wait3A_176, %dma_wait3A_177] : memref<10000x128xf32, #tpu.memory_space<vmem_shared>> -> memref<10000x128xf32, #tpu.memory_space<vmem_shared>>
        tpu.wait_indirect_dma semaphore(%arg21 : memref<!tpu.dma_semaphore, #tpu.memory_space<semaphore_mem>>) src(%arg17 : memref<80x128xf32, #tpu.memory_space<vmem>>) dst(%dma_wait3A_178 : memref<10000x128xf32, #tpu.memory_space<vmem_shared>>)
        %dma_wait3A_179 = arith.constant 0 : i32
        %dma_wait3A_180 = arith.constant 0 : i32
        %dma_wait3A_181 = tpu.memref_slice %arg23[%dma_wait3A_179, %dma_wait3A_180] : memref<10000x128xf32, #tpu.memory_space<vmem_shared>> -> memref<10000x128xf32, #tpu.memory_space<vmem_shared>>
        tpu.wait_indirect_dma semaphore(%arg21 : memref<!tpu.dma_semaphore, #tpu.memory_space<semaphore_mem>>) src(%arg18 : memref<80x128xf32, #tpu.memory_space<vmem>>) dst(%dma_wait3A_181 : memref<10000x128xf32, #tpu.memory_space<vmem_shared>>)
        %add3A_182 = arith.constant 3 : i32
        %add3A_183 = arith.addi %add3A_121, %add3A_182 : i32
        %mul3A_184 = arith.constant 125 : i32
        %mul3A_185 = arith.muli %add3A, %mul3A_184 : i32
        %add3A_186 = arith.addi %mul3A_185, %add3A_183 : i32
        %dma_wait3A_187 = arith.constant 0 : i32
        %dma_wait3A_188 = arith.constant 0 : i32
        %dma_wait3A_189 = tpu.memref_slice %arg3[%add3A_186, %dma_wait3A_187, %dma_wait3A_188] : memref<4000x2x80xi32, #tpu.memory_space<hbm>> -> memref<1x2x80xi32, #tpu.memory_space<hbm>>
        %dma_wait3A_190 = tpu.memref_squeeze %dma_wait3A_189 : memref<1x2x80xi32, #tpu.memory_space<hbm>> -> memref<2x80xi32, #tpu.memory_space<hbm>>
        %dma_wait3A_191 = arith.constant 0 : i32
        %dma_wait3A_192 = arith.constant 0 : i32
        %dma_wait3A_193 = tpu.memref_slice %arg3[%add3A_186, %dma_wait3A_191, %dma_wait3A_192] : memref<4000x2x80xi32, #tpu.memory_space<hbm>> -> memref<1x2x80xi32, #tpu.memory_space<hbm>>
        %dma_wait3A_194 = tpu.memref_squeeze %dma_wait3A_193 : memref<1x2x80xi32, #tpu.memory_space<hbm>> -> memref<2x80xi32, #tpu.memory_space<hbm>>
        tpu.wait_dma2 semaphore(%arg22 : memref<!tpu.dma_semaphore, #tpu.memory_space<semaphore_mem>>) src(%dma_wait3A_194 : memref<2x80xi32, #tpu.memory_space<hbm>>) dst(%arg15 : memref<2x80xi32, #tpu.memory_space<vmem>>)
        %add3A_195 = arith.constant 3 : i32
        %add3A_196 = arith.addi %add3A_121, %add3A_195 : i32
        %mul3A_197 = arith.constant 10000 : i32
        %mul3A_198 = arith.muli %add3A, %mul3A_197 : i32
        %mul3A_199 = arith.constant 80 : i32
        %mul3A_200 = arith.muli %add3A_196, %mul3A_199 : i32
        %add3A_201 = arith.addi %mul3A_198, %mul3A_200 : i32
        "tpu.region"() ({
          %run_scoped3A = tpu.sem_alloc : memref<!tpu.dma_semaphore, #tpu.memory_space<semaphore_mem>>
          %dma_start3A_216 = tpu.memref_slice %arg4[%add3A_201] : memref<320000xi32, #tpu.memory_space<hbm>> -> memref<80xi32, #tpu.memory_space<hbm>>
          %dma_start3A_217 = tpu.memref_slice %arg4[%add3A_201] : memref<320000xi32, #tpu.memory_space<hbm>> -> memref<80xi32, #tpu.memory_space<hbm>>
          tpu.enqueue_dma source(%dma_start3A_217 : memref<80xi32, #tpu.memory_space<hbm>>) target(%arg16 : memref<80xi32, #tpu.memory_space<vmem>>) target_semaphore(%run_scoped3A : memref<!tpu.dma_semaphore, #tpu.memory_space<semaphore_mem>>)
          %dma_wait3A_218 = tpu.memref_slice %arg4[%add3A_201] : memref<320000xi32, #tpu.memory_space<hbm>> -> memref<80xi32, #tpu.memory_space<hbm>>
          %dma_wait3A_219 = tpu.memref_slice %arg4[%add3A_201] : memref<320000xi32, #tpu.memory_space<hbm>> -> memref<80xi32, #tpu.memory_space<hbm>>
          tpu.wait_dma2 semaphore(%run_scoped3A : memref<!tpu.dma_semaphore, #tpu.memory_space<semaphore_mem>>) src(%dma_wait3A_219 : memref<80xi32, #tpu.memory_space<hbm>>) dst(%arg16 : memref<80xi32, #tpu.memory_space<vmem>>)
          tpu.yield
        }) : () -> ()
        %dma_start3A_202 = arith.constant 0 : i32
        %dma_start3A_203 = arith.constant 0 : i32
        %dma_start3A_204 = tpu.memref_slice %arg15[%dma_start3A_202, %dma_start3A_203] : memref<2x80xi32, #tpu.memory_space<vmem>> -> memref<1x80xi32, #tpu.memory_space<vmem>>
        %dma_start3A_205 = tpu.memref_squeeze %dma_start3A_204 : memref<1x80xi32, #tpu.memory_space<vmem>> -> memref<80xi32, #tpu.memory_space<vmem>>
        %dma_start3A_206 = arith.constant 0 : i32
        %dma_start3A_207 = arith.constant 0 : i32
        %dma_start3A_208 = tpu.memref_slice %arg2[%dma_start3A_206, %dma_start3A_207] : memref<10200x128xf32, #tpu.memory_space<hbm>> -> memref<10200x128xf32, #tpu.memory_space<hbm>>
        tpu.enqueue_indirect_dma source(%dma_start3A_208 : memref<10200x128xf32, #tpu.memory_space<hbm>>) target(%arg17 : memref<80x128xf32, #tpu.memory_space<vmem>>) offsets(%dma_start3A_205 : memref<80xi32, #tpu.memory_space<vmem>>) semaphore(%arg19 : memref<!tpu.dma_semaphore, #tpu.memory_space<semaphore_mem>>)
        %dma_start3A_209 = arith.constant 1 : i32
        %dma_start3A_210 = arith.constant 0 : i32
        %dma_start3A_211 = tpu.memref_slice %arg15[%dma_start3A_209, %dma_start3A_210] : memref<2x80xi32, #tpu.memory_space<vmem>> -> memref<1x80xi32, #tpu.memory_space<vmem>>
        %dma_start3A_212 = tpu.memref_squeeze %dma_start3A_211 : memref<1x80xi32, #tpu.memory_space<vmem>> -> memref<80xi32, #tpu.memory_space<vmem>>
        %dma_start3A_213 = arith.constant 0 : i32
        %dma_start3A_214 = arith.constant 0 : i32
        %dma_start3A_215 = tpu.memref_slice %arg24[%dma_start3A_213, %dma_start3A_214] : memref<200x128xf32, #tpu.memory_space<vmem_shared>> -> memref<200x128xf32, #tpu.memory_space<vmem_shared>>
        tpu.enqueue_indirect_dma source(%dma_start3A_215 : memref<200x128xf32, #tpu.memory_space<vmem_shared>>) target(%arg18 : memref<80x128xf32, #tpu.memory_space<vmem>>) offsets(%dma_start3A_212 : memref<80xi32, #tpu.memory_space<vmem>>) semaphore(%arg20 : memref<!tpu.dma_semaphore, #tpu.memory_space<semaphore_mem>>)
      } else {
      }
    }
    %scan3A_95 = arith.constant 63 : i32
    %dma_wait3A_96 = arith.constant 0 : i32
    %dma_wait3A_97 = arith.constant 0 : i32
    %dma_wait3A_98 = tpu.memref_slice %arg23[%dma_wait3A_96, %dma_wait3A_97] : memref<10000x128xf32, #tpu.memory_space<vmem_shared>> -> memref<10000x128xf32, #tpu.memory_space<vmem_shared>>
    tpu.wait_indirect_dma semaphore(%arg21 : memref<!tpu.dma_semaphore, #tpu.memory_space<semaphore_mem>>) src(%arg17 : memref<80x128xf32, #tpu.memory_space<vmem>>) dst(%dma_wait3A_98 : memref<10000x128xf32, #tpu.memory_space<vmem_shared>>)
    %dma_wait3A_99 = arith.constant 0 : i32
    %dma_wait3A_100 = arith.constant 0 : i32
    %dma_wait3A_101 = tpu.memref_slice %arg23[%dma_wait3A_99, %dma_wait3A_100] : memref<10000x128xf32, #tpu.memory_space<vmem_shared>> -> memref<10000x128xf32, #tpu.memory_space<vmem_shared>>
    tpu.wait_indirect_dma semaphore(%arg21 : memref<!tpu.dma_semaphore, #tpu.memory_space<semaphore_mem>>) src(%arg18 : memref<80x128xf32, #tpu.memory_space<vmem>>) dst(%dma_wait3A_101 : memref<10000x128xf32, #tpu.memory_space<vmem_shared>>)
    %dma_wait3A_102 = arith.constant 0 : i32
    %dma_wait3A_103 = arith.constant 0 : i32
    %dma_wait3A_104 = tpu.memref_slice %arg23[%dma_wait3A_102, %dma_wait3A_103] : memref<10000x128xf32, #tpu.memory_space<vmem_shared>> -> memref<10000x128xf32, #tpu.memory_space<vmem_shared>>
    tpu.wait_indirect_dma semaphore(%arg13 : memref<!tpu.dma_semaphore, #tpu.memory_space<semaphore_mem>>) src(%arg9 : memref<80x128xf32, #tpu.memory_space<vmem>>) dst(%dma_wait3A_104 : memref<10000x128xf32, #tpu.memory_space<vmem_shared>>)
    %dma_wait3A_105 = arith.constant 0 : i32
    %dma_wait3A_106 = arith.constant 0 : i32
    %dma_wait3A_107 = tpu.memref_slice %arg23[%dma_wait3A_105, %dma_wait3A_106] : memref<10000x128xf32, #tpu.memory_space<vmem_shared>> -> memref<10000x128xf32, #tpu.memory_space<vmem_shared>>
    tpu.wait_indirect_dma semaphore(%arg13 : memref<!tpu.dma_semaphore, #tpu.memory_space<semaphore_mem>>) src(%arg10 : memref<80x128xf32, #tpu.memory_space<vmem>>) dst(%dma_wait3A_107 : memref<10000x128xf32, #tpu.memory_space<vmem_shared>>)
    %barrier3A_108 = arith.constant 0 : index
    tpu.barrier barrier_id(%barrier3A_108)
    %mul3A_109 = arith.constant 10000 : i32
    %mul3A_110 = arith.muli %arg0, %mul3A_109 : i32
    %add3A_111 = arith.addi %mul3A_110, %mul3A_2 : i32
    "tpu.region"() ({
      %run_scoped3A = tpu.sem_alloc : memref<!tpu.dma_semaphore, #tpu.memory_space<semaphore_mem>>
      %dma_start3A_117 = arith.constant 0 : i32
      %dma_start3A_118 = tpu.memref_slice %arg6[%add3A_111, %dma_start3A_117] : memref<20000x128xf32, #tpu.memory_space<hbm>> -> memref<624x128xf32, #tpu.memory_space<hbm>>
      %dma_start3A_119 = arith.constant 0 : i32
      %dma_start3A_120 = tpu.memref_slice %arg23[%mul3A_2, %dma_start3A_119] : memref<10000x128xf32, #tpu.memory_space<vmem_shared>> -> memref<624x128xf32, #tpu.memory_space<vmem_shared>>
      tpu.enqueue_dma source(%dma_start3A_120 : memref<624x128xf32, #tpu.memory_space<vmem_shared>>) target(%dma_start3A_118 : memref<624x128xf32, #tpu.memory_space<hbm>>) target_semaphore(%run_scoped3A : memref<!tpu.dma_semaphore, #tpu.memory_space<semaphore_mem>>)
      %dma_wait3A_121 = arith.constant 0 : i32
      %dma_wait3A_122 = tpu.memref_slice %arg6[%add3A_111, %dma_wait3A_121] : memref<20000x128xf32, #tpu.memory_space<hbm>> -> memref<624x128xf32, #tpu.memory_space<hbm>>
      %dma_wait3A_123 = arith.constant 0 : i32
      %dma_wait3A_124 = tpu.memref_slice %arg23[%mul3A_2, %dma_wait3A_123] : memref<10000x128xf32, #tpu.memory_space<vmem_shared>> -> memref<624x128xf32, #tpu.memory_space<vmem_shared>>
      tpu.wait_dma2 semaphore(%run_scoped3A : memref<!tpu.dma_semaphore, #tpu.memory_space<semaphore_mem>>) src(%dma_wait3A_124 : memref<624x128xf32, #tpu.memory_space<vmem_shared>>) dst(%dma_wait3A_122 : memref<624x128xf32, #tpu.memory_space<hbm>>)
      tpu.yield
    }) : () -> ()
    %eq3A_112 = arith.constant 15 : i32
    %eq3A_113 = arith.cmpi eq, %arg1, %eq3A_112 : i32
    %convert_element_type3A_114 = arith.extui %eq3A_113 : i1 to i32
    %cond3A_115 = arith.constant 0 : i32
    %cond3A_116 = arith.cmpi ne, %convert_element_type3A_114, %cond3A_115 : i32
    scf.if %cond3A_116 {
      %mul3A_117 = arith.constant 10000 : i32
      %mul3A_118 = arith.muli %arg0, %mul3A_117 : i32
      %add3A_119 = arith.constant 9984 : i32
      %add3A_120 = arith.addi %mul3A_118, %add3A_119 : i32
      "tpu.region"() ({
        %run_scoped3A = tpu.sem_alloc : memref<!tpu.dma_semaphore, #tpu.memory_space<semaphore_mem>>
        %dma_start3A_121 = arith.constant 0 : i32
        %dma_start3A_122 = tpu.memref_slice %arg6[%add3A_120, %dma_start3A_121] : memref<20000x128xf32, #tpu.memory_space<hbm>> -> memref<16x128xf32, #tpu.memory_space<hbm>>
        %dma_start3A_123 = arith.constant 9984 : i32
        %dma_start3A_124 = arith.constant 0 : i32
        %dma_start3A_125 = tpu.memref_slice %arg23[%dma_start3A_123, %dma_start3A_124] : memref<10000x128xf32, #tpu.memory_space<vmem_shared>> -> memref<16x128xf32, #tpu.memory_space<vmem_shared>>
        tpu.enqueue_dma source(%dma_start3A_125 : memref<16x128xf32, #tpu.memory_space<vmem_shared>>) target(%dma_start3A_122 : memref<16x128xf32, #tpu.memory_space<hbm>>) target_semaphore(%run_scoped3A : memref<!tpu.dma_semaphore, #tpu.memory_space<semaphore_mem>>)
        %dma_wait3A_126 = arith.constant 0 : i32
        %dma_wait3A_127 = tpu.memref_slice %arg6[%add3A_120, %dma_wait3A_126] : memref<20000x128xf32, #tpu.memory_space<hbm>> -> memref<16x128xf32, #tpu.memory_space<hbm>>
        %dma_wait3A_128 = arith.constant 9984 : i32
        %dma_wait3A_129 = arith.constant 0 : i32
        %dma_wait3A_130 = tpu.memref_slice %arg23[%dma_wait3A_128, %dma_wait3A_129] : memref<10000x128xf32, #tpu.memory_space<vmem_shared>> -> memref<16x128xf32, #tpu.memory_space<vmem_shared>>
        tpu.wait_dma2 semaphore(%run_scoped3A : memref<!tpu.dma_semaphore, #tpu.memory_space<semaphore_mem>>) src(%dma_wait3A_130 : memref<16x128xf32, #tpu.memory_space<vmem_shared>>) dst(%dma_wait3A_127 : memref<16x128xf32, #tpu.memory_space<hbm>>)
        tpu.yield
      }) : () -> ()
    } else {
    }
    return
  }
}

module attributes {stable_mosaic.version = 14 : i64} {
  func.func @_mm_block(%arg0: i32, %arg1: memref<1024x128xf32, #tpu.memory_space<vmem>>, %arg2: memref<128x256xf32, #tpu.memory_space<vmem>>, %arg3: memref<128x128xf32, #tpu.memory_space<vmem>>, %arg4: memref<1024x256xf32, #tpu.memory_space<vmem>>, %arg5: memref<1024x128xf32, #tpu.memory_space<vmem>>) attributes {dimension_semantics = [#tpu.dimension_semantics<arbitrary>], iteration_bounds = array<i64: 10>, scalar_prefetch = 0 : i64, scratch_operands = 0 : i64, tpu.core_type = #tpu.core_type<tc>, window_params = [{transform_indices = @transform_0, window_bounds = array<i64: 1024, 128>}, {pipeline_mode = #tpu.pipeline_mode<synchronous>, transform_indices = @transform_1, window_bounds = array<i64: 128, 256>}, {pipeline_mode = #tpu.pipeline_mode<synchronous>, transform_indices = @transform_2, window_bounds = array<i64: 128, 128>}, {transform_indices = @transform_3, window_bounds = array<i64: 1024, 256>}, {transform_indices = @transform_4, window_bounds = array<i64: 1024, 128>}]} {
    %get3A = arith.constant 0 : index
    %get3A_0 = arith.constant 0 : index
    %get3A_1 = vector.load %arg1[%get3A, %get3A_0] : memref<1024x128xf32, #tpu.memory_space<vmem>>, vector<1024x128xf32>
    %get3A_2 = arith.constant 0 : index
    %get3A_3 = arith.constant 0 : index
    %get3A_4 = vector.load %arg2[%get3A_2, %get3A_3] : memref<128x256xf32, #tpu.memory_space<vmem>>, vector<128x256xf32>
    %dot_general3A = arith.constant dense<0.000000e+00> : vector<1024x256xf32>
    %dot_general3A_5 = tpu.matmul %get3A_1, %get3A_4, %dot_general3A {dimension_numbers = #tpu.dot_dimension_numbers<[1], [0], [0], [1], [0, 0, 1, 1], [], []>, transpose_lhs_hint = false} : vector<1024x128xf32>, vector<128x256xf32>, vector<1024x256xf32> -> vector<1024x256xf32>
    %swap3A = arith.constant 0 : index
    %swap3A_6 = arith.constant 0 : index
    %swap3A_7 = vector.load %arg4[%swap3A, %swap3A_6] : memref<1024x256xf32, #tpu.memory_space<vmem>>, vector<1024x256xf32>
    tpu.vector_store %arg4[%swap3A, %swap3A_6], %dot_general3A_5 {strides = array<i32>} : memref<1024x256xf32, #tpu.memory_space<vmem>>, vector<1024x256xf32>,
    %get3A_8 = arith.constant 0 : index
    %get3A_9 = arith.constant 0 : index
    %get3A_10 = vector.load %arg3[%get3A_8, %get3A_9] : memref<128x128xf32, #tpu.memory_space<vmem>>, vector<128x128xf32>
    %dot_general3A_11 = arith.constant dense<0.000000e+00> : vector<1024x128xf32>
    %dot_general3A_12 = tpu.matmul %get3A_1, %get3A_10, %dot_general3A_11 {dimension_numbers = #tpu.dot_dimension_numbers<[1], [0], [0], [1], [0, 0, 1, 1], [], []>, transpose_lhs_hint = false} : vector<1024x128xf32>, vector<128x128xf32>, vector<1024x128xf32> -> vector<1024x128xf32>
    %swap3A_13 = arith.constant 0 : index
    %swap3A_14 = arith.constant 0 : index
    %swap3A_15 = vector.load %arg5[%swap3A_13, %swap3A_14] : memref<1024x128xf32, #tpu.memory_space<vmem>>, vector<1024x128xf32>
    tpu.vector_store %arg5[%swap3A_13, %swap3A_14], %dot_general3A_12 {strides = array<i32>} : memref<1024x128xf32, #tpu.memory_space<vmem>>, vector<1024x128xf32>,
    return
  }
  func.func @transform_0(%arg0: i32) -> (i32, i32) {
    %c0_i32 = arith.constant 0 : i32
    %c0_i32_0 = arith.constant 0 : i32
    return %arg0, %c0_i32 : i32, i32
  }
  func.func @transform_1(%arg0: i32) -> (i32, i32) {
    %c0_i32 = arith.constant 0 : i32
    %c0_i32_0 = arith.constant 0 : i32
    %c0_i32_1 = arith.constant 0 : i32
    return %c0_i32, %c0_i32_0 : i32, i32
  }
  func.func @transform_2(%arg0: i32) -> (i32, i32) {
    %c0_i32 = arith.constant 0 : i32
    %c0_i32_0 = arith.constant 0 : i32
    %c0_i32_1 = arith.constant 0 : i32
    return %c0_i32, %c0_i32_0 : i32, i32
  }
  func.func @transform_3(%arg0: i32) -> (i32, i32) {
    %c0_i32 = arith.constant 0 : i32
    %c0_i32_0 = arith.constant 0 : i32
    return %arg0, %c0_i32 : i32, i32
  }
  func.func @transform_4(%arg0: i32) -> (i32, i32) {
    %c0_i32 = arith.constant 0 : i32
    %c0_i32_0 = arith.constant 0 : i32
    return %arg0, %c0_i32 : i32, i32
  }
}

module attributes {stable_mosaic.version = 14 : i64} {
  func.func @_apply_block(%arg0: i32, %arg1: memref<2x1024x128xf32, #tpu.memory_space<vmem>>, %arg2: memref<32x1024xf32, #tpu.memory_space<vmem>>, %arg3: memref<1024x1xf32, #tpu.memory_space<vmem>>, %arg4: memref<1024x256xf32, #tpu.memory_space<vmem>>, %arg5: memref<1024x128xf32, #tpu.memory_space<vmem>>) attributes {dimension_semantics = [#tpu.dimension_semantics<arbitrary>], iteration_bounds = array<i64: 10>, scalar_prefetch = 0 : i64, scratch_operands = 0 : i64, tpu.core_type = #tpu.core_type<tc>, window_params = [{transform_indices = @transform_0, window_bounds = array<i64: 2, 1024, 128>}, {transform_indices = @transform_1, window_bounds = array<i64: 32, 1024>}, {transform_indices = @transform_2, window_bounds = array<i64: 1024, 1>}, {transform_indices = @transform_3, window_bounds = array<i64: 1024, 256>}, {transform_indices = @transform_4, window_bounds = array<i64: 1024, 128>}]} {
    %get3A = arith.constant 0 : index
    %get3A_0 = arith.constant 0 : index
    %get3A_1 = arith.constant 0 : index
    %get3A_2 = vector.load %arg1[%get3A, %get3A_0, %get3A_1] : memref<2x1024x128xf32, #tpu.memory_space<vmem>>, vector<1x1024x128xf32>
    %get3A_3 = vector.shape_cast %get3A_2 : vector<1x1024x128xf32> to vector<1024x128xf32>
    %get3A_4 = arith.constant 1 : index
    %get3A_5 = arith.constant 0 : index
    %get3A_6 = arith.constant 0 : index
    %get3A_7 = vector.load %arg1[%get3A_4, %get3A_5, %get3A_6] : memref<2x1024x128xf32, #tpu.memory_space<vmem>>, vector<1x1024x128xf32>
    %get3A_8 = vector.shape_cast %get3A_7 : vector<1x1024x128xf32> to vector<1024x128xf32>
    %add3A = arith.addf %get3A_3, %get3A_8 : vector<1024x128xf32>
    %get3A_9 = arith.constant 0 : index
    %get3A_10 = arith.constant 0 : index
    %get3A_11 = vector.load %arg2[%get3A_9, %get3A_10] : memref<32x1024xf32, #tpu.memory_space<vmem>>, vector<32x1024xf32>
    %reduce_sum3A = arith.constant dense<0.000000e+00> : vector<1024xf32>
    %reduce_sum3A_12 = vector.multi_reduction <add>, %get3A_11, %reduce_sum3A [0] : vector<32x1024xf32> to vector<1024xf32>
    %broadcast_in_dim3A = vector.shape_cast %reduce_sum3A_12 : vector<1024xf32> to vector<1024x1xf32>
    %eq3A = arith.constant 0.000000e+00 : f32
    %eq3A_13 = vector.broadcast %eq3A : f32 to vector<1024x1xf32>
    %eq3A_14 = arith.cmpf oeq, %broadcast_in_dim3A, %eq3A_13 : vector<1024x1xf32>
    %get3A_15 = arith.constant 0 : index
    %get3A_16 = arith.constant 0 : index
    %get3A_17 = vector.load %arg4[%get3A_15, %get3A_16] : memref<1024x256xf32, #tpu.memory_space<vmem>>, vector<1024x256xf32>
    %slice3A = vector.extract_strided_slice %get3A_17 {offsets = [0, 128], sizes = [1024, 128], strides = [1, 1]} : vector<1024x256xf32> to vector<1024x128xf32>
    %slice3A_18 = vector.extract_strided_slice %get3A_17 {offsets = [0, 0], sizes = [1024, 128], strides = [1, 1]} : vector<1024x256xf32> to vector<1024x128xf32>
    %broadcast_in_dim3A_19 = vector.shape_cast %eq3A_14 : vector<1024x1xi1> to vector<1024x1xi1>
    %broadcast_in_dim3A_20 = vector.broadcast %broadcast_in_dim3A_19 : vector<1024x1xi1> to vector<1024x128xi1>
    %select_n3A = arith.select %broadcast_in_dim3A_20, %slice3A, %slice3A_18 : vector<1024x128xi1>, vector<1024x128xf32>
    %get3A_21 = arith.constant 0 : index
    %get3A_22 = arith.constant 0 : index
    %get3A_23 = vector.load %arg3[%get3A_21, %get3A_22] : memref<1024x1xf32, #tpu.memory_space<vmem>>, vector<1024x1xf32>
    %mul3A = vector.broadcast %get3A_23 : vector<1024x1xf32> to vector<1024x128xf32>
    %mul3A_24 = arith.mulf %add3A, %mul3A : vector<1024x128xf32>
    %add3A_25 = arith.addf %mul3A_24, %select_n3A : vector<1024x128xf32>
    %ge3A = arith.constant 0.000000e+00 : f32
    %ge3A_26 = vector.broadcast %ge3A : f32 to vector<1024x128xf32>
    %ge3A_27 = arith.cmpf oge, %add3A_25, %ge3A_26 : vector<1024x128xf32>
    %mul3A_28 = arith.constant 0.229166672 : f32
    %mul3A_29 = vector.broadcast %mul3A_28 : f32 to vector<1024x128xf32>
    %mul3A_30 = arith.mulf %mul3A_29, %add3A_25 : vector<1024x128xf32>
    %select_n3A_31 = arith.select %ge3A_27, %add3A_25, %mul3A_30 : vector<1024x128xi1>, vector<1024x128xf32>
    %swap3A = arith.constant 0 : index
    %swap3A_32 = arith.constant 0 : index
    %swap3A_33 = vector.load %arg5[%swap3A, %swap3A_32] : memref<1024x128xf32, #tpu.memory_space<vmem>>, vector<1024x128xf32>
    tpu.vector_store %arg5[%swap3A, %swap3A_32], %select_n3A_31 {strides = array<i32>} : memref<1024x128xf32, #tpu.memory_space<vmem>>, vector<1024x128xf32>,
    return
  }
  func.func @transform_0(%arg0: i32) -> (i32, i32, i32) {
    %c0_i32 = arith.constant 0 : i32
    %c0_i32_0 = arith.constant 0 : i32
    %c0_i32_1 = arith.constant 0 : i32
    return %c0_i32, %arg0, %c0_i32_0 : i32, i32, i32
  }
  func.func @transform_1(%arg0: i32) -> (i32, i32) {
    %c0_i32 = arith.constant 0 : i32
    %c0_i32_0 = arith.constant 0 : i32
    return %c0_i32, %arg0 : i32, i32
  }
  func.func @transform_2(%arg0: i32) -> (i32, i32) {
    %c0_i32 = arith.constant 0 : i32
    %c0_i32_0 = arith.constant 0 : i32
    return %arg0, %c0_i32 : i32, i32
  }
  func.func @transform_3(%arg0: i32) -> (i32, i32) {
    %c0_i32 = arith.constant 0 : i32
    %c0_i32_0 = arith.constant 0 : i32
    return %arg0, %c0_i32 : i32, i32
  }
  func.func @transform_4(%arg0: i32) -> (i32, i32) {
    %c0_i32 = arith.constant 0 : i32
    %c0_i32_0 = arith.constant 0 : i32
    return %arg0, %c0_i32 : i32, i32
  }
}

module attributes {stable_mosaic.version = 14 : i64} {
  func.func @_apply_block(%arg0: i32, %arg1: memref<2x1024x128xf32, #tpu.memory_space<vmem>>, %arg2: memref<32x1024xf32, #tpu.memory_space<vmem>>, %arg3: memref<1024x1xf32, #tpu.memory_space<vmem>>, %arg4: memref<1024x256xf32, #tpu.memory_space<vmem>>, %arg5: memref<1024x128xf32, #tpu.memory_space<vmem>>) attributes {dimension_semantics = [#tpu.dimension_semantics<arbitrary>], iteration_bounds = array<i64: 10>, scalar_prefetch = 0 : i64, scratch_operands = 0 : i64, tpu.core_type = #tpu.core_type<tc>, window_params = [{transform_indices = @transform_0, window_bounds = array<i64: 2, 1024, 128>}, {transform_indices = @transform_1, window_bounds = array<i64: 32, 1024>}, {transform_indices = @transform_2, window_bounds = array<i64: 1024, 1>}, {transform_indices = @transform_3, window_bounds = array<i64: 1024, 256>}, {transform_indices = @transform_4, window_bounds = array<i64: 1024, 128>}]} {
    %get3A = arith.constant 0 : index
    %get3A_0 = arith.constant 0 : index
    %get3A_1 = arith.constant 0 : index
    %get3A_2 = vector.load %arg1[%get3A, %get3A_0, %get3A_1] : memref<2x1024x128xf32, #tpu.memory_space<vmem>>, vector<1x1024x128xf32>
    %get3A_3 = vector.shape_cast %get3A_2 : vector<1x1024x128xf32> to vector<1024x128xf32>
    %get3A_4 = arith.constant 1 : index
    %get3A_5 = arith.constant 0 : index
    %get3A_6 = arith.constant 0 : index
    %get3A_7 = vector.load %arg1[%get3A_4, %get3A_5, %get3A_6] : memref<2x1024x128xf32, #tpu.memory_space<vmem>>, vector<1x1024x128xf32>
    %get3A_8 = vector.shape_cast %get3A_7 : vector<1x1024x128xf32> to vector<1024x128xf32>
    %add3A = arith.addf %get3A_3, %get3A_8 : vector<1024x128xf32>
    %get3A_9 = arith.constant 0 : index
    %get3A_10 = arith.constant 0 : index
    %get3A_11 = vector.load %arg2[%get3A_9, %get3A_10] : memref<32x1024xf32, #tpu.memory_space<vmem>>, vector<32x1024xf32>
    %reduce_sum3A = arith.constant dense<0.000000e+00> : vector<1024xf32>
    %reduce_sum3A_12 = vector.multi_reduction <add>, %get3A_11, %reduce_sum3A [0] : vector<32x1024xf32> to vector<1024xf32>
    %broadcast_in_dim3A = vector.shape_cast %reduce_sum3A_12 : vector<1024xf32> to vector<1024x1xf32>
    %eq3A = arith.constant 0.000000e+00 : f32
    %eq3A_13 = vector.broadcast %eq3A : f32 to vector<1024x1xf32>
    %eq3A_14 = arith.cmpf oeq, %broadcast_in_dim3A, %eq3A_13 : vector<1024x1xf32>
    %get3A_15 = arith.constant 0 : index
    %get3A_16 = arith.constant 0 : index
    %get3A_17 = vector.load %arg4[%get3A_15, %get3A_16] : memref<1024x256xf32, #tpu.memory_space<vmem>>, vector<1024x256xf32>
    %slice3A = vector.extract_strided_slice %get3A_17 {offsets = [0, 128], sizes = [1024, 128], strides = [1, 1]} : vector<1024x256xf32> to vector<1024x128xf32>
    %slice3A_18 = vector.extract_strided_slice %get3A_17 {offsets = [0, 0], sizes = [1024, 128], strides = [1, 1]} : vector<1024x256xf32> to vector<1024x128xf32>
    %broadcast_in_dim3A_19 = vector.shape_cast %eq3A_14 : vector<1024x1xi1> to vector<1024x1xi1>
    %broadcast_in_dim3A_20 = vector.broadcast %broadcast_in_dim3A_19 : vector<1024x1xi1> to vector<1024x128xi1>
    %select_n3A = arith.select %broadcast_in_dim3A_20, %slice3A, %slice3A_18 : vector<1024x128xi1>, vector<1024x128xf32>
    %get3A_21 = arith.constant 0 : index
    %get3A_22 = arith.constant 0 : index
    %get3A_23 = vector.load %arg3[%get3A_21, %get3A_22] : memref<1024x1xf32, #tpu.memory_space<vmem>>, vector<1024x1xf32>
    %mul3A = vector.broadcast %get3A_23 : vector<1024x1xf32> to vector<1024x128xf32>
    %mul3A_24 = arith.mulf %add3A, %mul3A : vector<1024x128xf32>
    %add3A_25 = arith.addf %mul3A_24, %select_n3A : vector<1024x128xf32>
    %ge3A = arith.constant 0.000000e+00 : f32
    %ge3A_26 = vector.broadcast %ge3A : f32 to vector<1024x128xf32>
    %ge3A_27 = arith.cmpf oge, %add3A_25, %ge3A_26 : vector<1024x128xf32>
    %mul3A_28 = arith.constant 0.229166672 : f32
    %mul3A_29 = vector.broadcast %mul3A_28 : f32 to vector<1024x128xf32>
    %mul3A_30 = arith.mulf %mul3A_29, %add3A_25 : vector<1024x128xf32>
    %select_n3A_31 = arith.select %ge3A_27, %add3A_25, %mul3A_30 : vector<1024x128xi1>, vector<1024x128xf32>
    %swap3A = arith.constant 0 : index
    %swap3A_32 = arith.constant 0 : index
    %swap3A_33 = vector.load %arg5[%swap3A, %swap3A_32] : memref<1024x128xf32, #tpu.memory_space<vmem>>, vector<1024x128xf32>
    tpu.vector_store %arg5[%swap3A, %swap3A_32], %select_n3A_31 {strides = array<i32>} : memref<1024x128xf32, #tpu.memory_space<vmem>>, vector<1024x128xf32>,
    return
  }
  func.func @transform_0(%arg0: i32) -> (i32, i32, i32) {
    %c0_i32 = arith.constant 0 : i32
    %c0_i32_0 = arith.constant 0 : i32
    %c0_i32_1 = arith.constant 0 : i32
    return %c0_i32, %arg0, %c0_i32_0 : i32, i32, i32
  }
  func.func @transform_1(%arg0: i32) -> (i32, i32) {
    %c0_i32 = arith.constant 0 : i32
    %c0_i32_0 = arith.constant 0 : i32
    return %c0_i32, %arg0 : i32, i32
  }
  func.func @transform_2(%arg0: i32) -> (i32, i32) {
    %c0_i32 = arith.constant 0 : i32
    %c0_i32_0 = arith.constant 0 : i32
    return %arg0, %c0_i32 : i32, i32
  }
  func.func @transform_3(%arg0: i32) -> (i32, i32) {
    %c0_i32 = arith.constant 0 : i32
    %c0_i32_0 = arith.constant 0 : i32
    return %arg0, %c0_i32 : i32, i32
  }
  func.func @transform_4(%arg0: i32) -> (i32, i32) {
    %c0_i32 = arith.constant 0 : i32
    %c0_i32_0 = arith.constant 0 : i32
    return %arg0, %c0_i32 : i32, i32
  }
}

</mosaic_0001>

<sc_bundles>
// kernel: kernel.12.cloned.1.call-start
scs
__scs_entry_jumppad:
0x0: {  	(pc) =	sbr.rel $0x88, $3  }
0x1: {  	(tag) =	ssettag $0x0;
	lr =	simm.s32 $0x1  }
0x2: {  	[smem:$0x3F96] =	sst lr;
	_ =	strace $0xD0000000  }
0x3: {  	_ = 	snop  }
0x4: {  	_ = 	snop  }
0x5: {  	_ = 	snop  }
0x6: {  	_ = 	snop  }
0x7: {  	_ = 	snop  }
__scs_overlays_trampoline_lowered:
0x8: {  	[smem:$0x3FA5] =	sst s0  }
0x9: {  	[smem:$0x3FA6] =	sst s1  }
0xa: {  	[smem:$0x3FA7] =	sst s2  }
0xb: {  	[smem:$0x3FA8] =	sst s3  }
0xc: {  	[smem:$0x3FA9] =	sst s4  }
0xd: {  	[smem:$0x3FAA] =	sst s5  }
0xe: {  	[smem:$0x3FAB] =	sst s6  }
0xf: {  	[smem:$0x3FAC] =	sst s7  }
0x10: {  	[smem:$0x3FAD] =	sst s8  }
0x11: {  	[smem:$0x3FAE] =	sst s9;
	s0 =	simm.s32 @!p0 $0x0  }
0x12: {  	s1 =	sld [smem:$0x3F94];
	s0 =	simm.s32 @p0 $0x1  }
0x13: {  	[smem:$0x3FAF] =	sst s0;
	s0 =	simm.s32 @!p1 $0x0  }
0x14: {  	s2 =	sld [smem:$0x3F93];
	s0 =	simm.s32 @p1 $0x1  }
0x15: {  	[smem:$0x3FB0] =	sst s0;
	s0 =	simm.s32 @!p2 $0x0  }
0x16: {  	s3 =	sld [smem:$0x3FDB];
	s0 =	simm.s32 @p2 $0x1  }
0x17: {  	s4 =	simm.s32 $0x1BF5;
	[smem:$0x3FB2] =	sst s0  }
0x18: {  	s0 =	sld [smem:$0x3F95];
	_ =	swait.ge [sflag:s4], $0x0  }
0x19: {  	s7 =	sld [smem:$0x3F96]  }
0x1a: {  	s8 =	sadd.s32 $0xFFFFE003, lr  }
0x1b: {  	s9 =	sadd.s32 $0xFFFFFEF7, lr;
	s5 =	simm.s32 $0xFFFFFFFF;
	p2 =	slt.u32 s8, $0xFFFFF086  }
0x1c: {  	p1 =	slt.u32 s9, $0xF7A;
	s5 =	simm.s32 @!p2 $0x0  }
0x1d: {  	s5 =	simm.s32 @p1 $0x1;
	p0 =	seq.s32 s7, s2  }
0x1e: {  	s7 =	smul.u32 @!p0 $0xF7A, s2;
	p2 =	seq.s32 @!p0 s5, $0x0  }
0x1f: {  	s9 =	smul.u32 $0xF7A, s1;
	s8 =	simm.s32 @!p0 $0x1BF5;
	p2 =	por !p2, p0  }
0x20: {  	[sflag:s8] =	ssyncset.s32 @!p0 $0xFFFFF086;
	s6 =	sadd.s32 @!p0 s3, s7;
	s7 =	simm.s32 @!p0 $0x108  }
0x21: {  	s3 =	sadd.s32 s3, s9;
	s6 =	sadd.s32 @!p0 $0x88, s6;
	s7 =	simm.s32 @p2 $0x1082  }
0x22: {  	[simem:s7], [sflag:s8] =	dma.local @!p0 [hbm:s6], $0xF7A  }
0x23: {  	s9 =	sor.u32 $0xD0000000, s2;
	s6 =	simm.s32 $0x108;
	_ =	swait.ge @!p0 [sflag:s8], $0x0  }
0x24: {  	s3 =	sadd.s32 $0x88, s3;
	s6 =	simm.s32 @!p1 $0x1082;
	[sflag:s4] =	ssyncset.s32 $0xFFFFF086  }
0x25: {  	[simem:s6], [sflag:s4] =	dma.local [hbm:s3], $0xF7A  }
0x26: {  	[smem:$0x3F96] =	sst s1;
	(tag) =	ssettag s2;
	_ =	strace s9  }
0x27: {  	s1 =	sld [smem:$0x3FA6]  }
0x28: {  	s2 =	sld [smem:$0x3FA7]  }
0x29: {  	s4 =	sld [smem:$0x3FA9]  }
0x2a: {  	p0 =	seq.s32 s5, $0x0;
	s5 =	sld [smem:$0x3FAA]  }
0x2b: {  	s6 =	sld [smem:$0x3FAB]  }
0x2c: {  	s7 =	sld [smem:$0x3FAC]  }
0x2d: {  	s3 =	simm.s32 $0x108;
	s8 =	sld [smem:$0x3FAD]  }
0x2e: {  	s3 =	simm.s32 @!p0 $0x1082;
	s9 =	sld [smem:$0x3FAE]  }
0x2f: {  	lr =	sadd.s32 s0, s3;
	s0 =	sld [smem:$0x3FA5]  }
0x30: {  	s3 =	sld [smem:$0x3FA8]  }
0x31: {  	[smem:$0x3FB1] =	sst s10  }
0x32: {  	s10 =	sld [smem:$0x3FAF];
	_ =	sdelay $0x3  }
0x33: {  	p0 =	seq.s32 s10, $0x1;
	s10 =	sld [smem:$0x3FB1];
	_ =	sdelay $0x3  }
0x34: {  	[smem:$0x3FB1] =	sst s10  }
0x35: {  	s10 =	sld [smem:$0x3FB0];
	_ =	sdelay $0x3  }
0x36: {  	p1 =	seq.s32 s10, $0x1;
	s10 =	sld [smem:$0x3FB1];
	_ =	sdelay $0x3  }
0x37: {  	[smem:$0x3FB1] =	sst s10  }
0x38: {  	s10 =	sld [smem:$0x3FB2]  }
0x39: {  	_ = 	snop;
	(pc) =	sbr.ind lr, $3  }
0x3a: {  	_ = 	snop  }
0x3b: {  	_ = 	snop  }
0x3c: {  	p2 =	seq.s32 s10, $0x1;
	s10 =	sld [smem:$0x3FB1]  }
0x3d: {  	_ =	shalt  }
0x3e: {  	_ =	shalt  }
0x3f: {  	_ =	shalt  }
0x40: {  	_ =	shalt  }
0x41: {  	_ =	shalt  }
0x42: {  	_ =	shalt  }
0x43: {  	_ =	shalt  }
0x44: {  	_ =	shalt  }
0x45: {  	_ =	shalt  }
0x46: {  	_ =	shalt  }
0x47: {  	_ =	shalt  }
0x48: {  	_ =	shalt  }
0x49: {  	_ =	shalt  }
0x4a: {  	_ =	shalt  }
0x4b: {  	_ =	shalt  }
0x4c: {  	_ =	shalt  }
0x4d: {  	_ =	shalt  }
0x4e: {  	_ =	shalt  }
0x4f: {  	_ =	shalt  }
0x50: {  	_ =	shalt  }
0x51: {  	_ =	shalt  }
0x52: {  	_ =	shalt  }
0x53: {  	_ =	shalt  }
0x54: {  	_ =	shalt  }
0x55: {  	_ =	shalt  }
0x56: {  	_ =	shalt  }
0x57: {  	_ =	shalt  }
0x58: {  	_ =	shalt  }
0x59: {  	_ =	shalt  }
0x5a: {  	_ =	shalt  }
0x5b: {  	_ =	shalt  }
0x5c: {  	_ =	shalt  }
0x5d: {  	_ =	shalt  }
0x5e: {  	_ =	shalt  }
0x5f: {  	_ =	shalt  }
0x60: {  	_ =	shalt  }
0x61: {  	_ =	shalt  }
0x62: {  	_ =	shalt  }
0x63: {  	_ =	shalt  }
0x64: {  	_ =	shalt  }
0x65: {  	_ =	shalt  }
0x66: {  	_ =	shalt  }
0x67: {  	_ =	shalt  }
0x68: {  	_ =	shalt  }
0x69: {  	_ =	shalt  }
0x6a: {  	_ =	shalt  }
0x6b: {  	_ =	shalt  }
0x6c: {  	_ =	shalt  }
0x6d: {  	_ =	shalt  }
0x6e: {  	_ =	shalt  }
0x6f: {  	_ =	shalt  }
0x70: {  	_ =	shalt  }
0x71: {  	_ =	shalt  }
0x72: {  	_ =	shalt  }
0x73: {  	_ =	shalt  }
0x74: {  	_ =	shalt  }
0x75: {  	_ =	shalt  }
0x76: {  	_ =	shalt  }
0x77: {  	_ =	shalt  }
0x78: {  	_ =	shalt  }
0x79: {  	_ =	shalt  }
0x7a: {  	_ =	shalt  }
0x7b: {  	_ =	shalt  }
0x7c: {  	_ =	shalt  }
0x7d: {  	_ =	shalt  }
0x7e: {  	_ =	shalt  }
0x7f: {  	_ =	shalt  }
0x80: {  	_ =	shalt  }
0x81: {  	_ =	shalt  }
0x82: {  	_ =	shalt  }
0x83: {  	_ =	shalt  }
0x84: {  	_ =	shalt  }
0x85: {  	_ =	shalt  }
0x86: {  	_ =	shalt  }
0x87: {  	_ =	shalt  }
.Lfunc_end0:
.L_simem_size_0:
called_computation.1_lowered:
.L_overlay_start_0:
0x88: {  	s2 =	sld [smem:$0x3FD9]  }
0x89: {  	s3 =	sld [smem:$0x3FFE];
	_ =	sdelay $0x1  }
0x8a: {  	s1 =	srdreg.scid  }
0x8b: {  	s0 =	sand.u32 $0x1, s1  }
0x8c: {  	s17 =	sshll.u32 s0, $0xA;
	s2 =	sadd.s32 s3, s2  }
0x8d: {  	s2 =	sadd.s32 s2, s17  }
0x8e: {  	[smem:$0x3FBD] =	sst s2  }
0x8f: {  	_ = 	snop  }
0x90: {  	s18 =	sld [smem:$0x3FD0];
	(tm) =	ssettm $0x1  }
0x91: {  	s19 =	sld [smem:$0x3FFB];
	_ =	sdelay $0x3  }
0x92: {  	_ =	strace s19  }
0x93: {  	s2 =	sld [smem:$0x3FFC];
	_ =	sdelay $0x3  }
0x94: {  	_ =	strace s2  }
0x95: {  	s2 =	sld [smem:$0x3FFD];
	_ =	sdelay $0x3  }
0x96: {  	_ =	strace s2  }
0x97: {  	_ =	strace $0x8FFFFFFF  }
0x98: {  	s20 =	sld [smem:$0x3FDB];
	_ =	sdelay $0x1  }
0x99: {  	s4 =	simm.s32 $_scs_section_size  }
0x9a: {  	s5 =	simm.s32 $_size__tile_overlayer_lowered;
	s6 =	simm.s32 $_tile_overlayer_lowered  }
0x9b: {  	s7 =	simm.s32 $0x1BFF;
	s21 =	sshll.u32 s6, $0x1;
	s4 =	sadd.s32 s4, s20  }
0x9c: {  	s22 =	simm.s32 $0x0;
	s5 =	sshll.u32 s5, $0x1;
	s6 =	sadd.s32 s21, s4  }
0x9d: {  	[timem:s22], [sflag:s7] =	dma.local [hbm:s6], s5  }
0x9e: {  	_ =	swait.ge [sflag:s7], s5  }
0x9f: {  	s5 =	ssub.s32 $0x0, s5;
	[sflag:s7] =	ssyncset.done $0x0  }
0xa0: {  	[sflag:s7] =	ssyncadd.s32 s5;
	_ =	sdelay $0x1  }
0xa1: {  	s23 =	simm.s32 $0x1B8B  }
0xa2: {  	_ =	swait.ge [sflag:s23], $0x1  }
0xa3: {  	[sflag:s23] =	ssyncset.done $0x0  }
0xa4: {  	[sflag:s23] =	ssyncadd.s32 $0xFFFFFFFF  }
0xa5: {  	s5 =	sld [smem:$0x0]  }
0xa6: {  	s6 =	sand.u32 $0xFFFFFFFE, s1  }
0xa7: {  	p0 =	sne.s32 s1, s6  }
0xa8: {  	s6 =	sshll.u32 @p0 s6, $0xE  }
0xa9: {  	s6 =	sadd.s32 @p0 $0x11B8D, s6;
	s7 =	sshll.u32 @p0 s5, $0x11  }
0xaa: {  	s6 =	sor.u32 @p0 s7, s6  }
0xab: {  	[sflag:s6] =	ssyncadd.remote.s32 @p0 $0x1;
	_ =	sdelay $0x1  }
0xac: {  	s6 =	simm.s32 @p0 $0x1B8D  }
0xad: {  	_ =	swait.eq @p0 [sflag:s6], $0x1  }
0xae: {  	[sflag:s6] =	ssyncadd.s32 @p0 $0xFFFFFFFF  }
0xaf: {  	s7 =	sshll.u32 @!p0 s1, $0xE  }
0xb0: {  	s7 =	sor.u32 @!p0 $0x4000, s7;
	s6 =	simm.s32 @!p0 $0x1B8D  }
0xb1: {  	s5 =	sshll.u32 @!p0 s5, $0x11;
	s7 =	sadd.s32 @!p0 $0x11B8D, s7;
	_ =	swait.eq @!p0 [sflag:s6], $0x1  }
0xb2: {  	s5 =	sor.u32 @!p0 s5, s7;
	[sflag:s6] =	ssyncadd.s32 @!p0 $0xFFFFFFFF  }
0xb3: {  	s25 =	simm.s32 $0x1B8E;
	s24 =	sld [smem:$0x3FFE];
	[sflag:s5] =	ssyncadd.remote.s32 @!p0 $0x1  }
0xb4: {  	s26 =	simm.s32 $execute0_lowered;
	[smem:$0x3FD2] =	sst s25  }
0xb5: {  	s6 =	sshll.u32 s26, $0x1;
	_ =	strace $0x80000049;
	[dreg:$0x1] =	wrdreg $0xFFFFFFFF  }
0xb6: {  	s28 =	simm.s32 $_size_execute0_lowered;
	s4 =	sadd.s32 s4, s6;
	[dreg:$0x0] =	wrdreg $0x0  }
0xb7: {  	s6 =	sshll.u32 s28, $0x1;
	[dreg:$0x2] =	wrdreg s4  }
0xb8: {  	[dreg:$0x3] =	wrdreg s6  }
0xb9: {  	[dreg:$0x4] =	wrdreg $0xC0  }
0xba: {  	_ =	task [dreg:s22], $0x5FFFF  }
0xbb: {  	[dreg:$0x1] =	wrdreg $0xFFFFFFFF  }
0xbc: {  	[dreg:$0x0] =	wrdreg $0x60  }
0xbd: {  	[dreg:$0x2] =	wrdreg s24  }
0xbe: {  	[dreg:$0x3] =	wrdreg s18  }
0xbf: {  	[dreg:$0x4] =	wrdreg $0xA3000  }
0xc0: {  	[dreg:$0x5] =	wrdreg $0x1DB800  }
0xc1: {  	[dreg:$0x6] =	wrdreg $0xA  }
0xc2: {  	_ =	task.clear_ibuf [dreg:s22], $0x7FFFF;
	_ =	strace $0x90000049  }
0xc3: {  	s29 =	simm.s32 $0xA;
	_ =	strace $0x8000004B  }
0xc4: {  	_ =	swait.ge [sflag:s29], $0x1  }
0xc5: {  	[sflag:s29] =	ssyncadd.s32 $0xFFFFFFFF  }
0xc6: {  	_ =	strace $0x9000004B  }
0xc7: {  	_ =	sfence  }
0xc8: {  	s30 =	sld [smem:$0x0];
	_ =	sdelay $0x2  }
0xc9: {  	s31 =	sshll.u32 s1, $0xD;
	s1 =	sshrl.u32 s1, $0x2  }
0xca: {  	s4 =	sand.u32 $0x4000, s31;
	s1 =	sadd.s32 s1, s30  }
0xcb: {  	s0 =	sor.u32 s4, s0;
	s1 =	sshll.u32 s1, $0x11  }
0xcc: {  	s0 =	sor.u32 s1, s0  }
0xcd: {  	s0 =	sadd.s32 $0x8F2B, s0  }
0xce: {  	[sflag:s0] =	ssyncadd.remote.s32 $0x1  }
0xcf: {  	_ =	sfence.sel $0xFFFF  }
0xd0: {  	[dreg:$0x0] =	wrdreg $0xFFFFFFFF;
	(pc) =	sbr.abs _section_cstart, $3  }
0xd1: {  	[dreg:$0x1] =	wrdreg $0xFFFFFFFF  }
0xd2: {  	_ =	task.clear_ibuf [dreg:s22], $0x2FFFF;
	_ =	strace $0x9FFFFFFF  }
0xd3: {  	(tm) =	ssettm $0x7FFFFFFF  }
tec
execute0_lowered:
.L_overlay_start_1:
0x0: {  	(tag) =	ssettag $0x1  }
0x1: {  	s0 =	rddreg [dreg:$0x0]  }
0x2: {  	s5 =	rddreg [dreg:$0x1]  }
0x3: {  	s1 =	rddreg [dreg:$0x2]  }
0x4: {  	s2 =	rddreg [dreg:$0x3];
	s3 =	simm.s32 $0x0  }
0x5: {  	s8 =	srdreg.scid;
	s17 =	stileid.u32;
	s28 =	simm.s32 $0x50  }
0x6: {  	s29 =	simm.s32 $0x180;
	s31 =	simm.s32 $0x2980;
	s30 =	simm.s32 $0x1  }
0x7: {  	[smem:$0x7FF] =	sst s3;
	s4 =	sadd.s32 $0x66C00, s0;
	s7 =	sadd.s32 $0x8EA00, s0  }
0x8: {  	s6 =	sadd.s32 $0x2E00, s0;
	s10 =	sadd.s32 $0xADE00, s0;
	s12 =	smul.u32 $0x4E000, s17  }
0x9: {  	s8 =	sand.u32 $0x1, s8;
	s11 =	sshll.u32 s17, $0x1;
	s14 =	smul.u32 $0x2700, s17  }
0xa: {  	s19 =	sshll.u32 s17, $0x6;
	s0 =	sadd.s32 $0x8DD00, s0;
	s26 =	smul.u32 $0x4E20, s17  }
0xb: {  	p0 =	seq.s32 s17, $0x0;
	p2 =	sne.s32 s17, $0xF;
	s21 =	smul.u32 $0x27100, s8  }
0xc: {  	_ =	strace $0x8000004A;
	s11 =	sor.u32 s8, s11;
	s23 =	smul.u32 $0x138800, s8  }
0xd: {  	s9 =	ssub.s32 $0x2, s8;
	[dreg:$0x7] =	wrdreg s0;
	s18 =	smul.u32 $0xFA0, s11  }
0xe: {  	p1 =	sne.s32 @!p0 s17, $0xF;
	s13 =	sshrl.u32 s9, $0x1;
	s15 =	smul.u32 $0x2710, s11  }
0xf: {  	s16 =	sshrl.u32 s12, $0x2;
	s20 =	smul.u32 $0x7D00, s11;
	s11 =	sadd.s32 $0x138000, s1  }
0x10: {  	p1 =	por p1, p0;
	s13 =	ssub.s32 s9, s13;
	s9 =	sadd.s32 s16, s1  }
0x11: {  	s16 =	sadd.s32 s5, s14;
	s5 =	sadd.s32 $0x27000, s5;
	[dreg:$0x5] =	wrdreg s9  }
0x12: {  	s0 =	sadd.s32 s14, s21;
	[dreg:$0x6] =	wrdreg s16;
	s9 =	sor.u32 $0x1C09, s19  }
0x13: {  	[dreg:$0x8] =	wrdreg s5;
	s22 =	sadd.s32 s7, s18;
	s24 =	sshrl.u32 s15, $0x3  }
0x14: {  	s25 =	sshrl.u32 s20, $0x3;
	s19 =	smul.u32 $0x2710, s8;
	s5 =	sshrl.u32 s23, $0x3  }
0x15: {  	s20 =	smul.u32 $0xFA, s17;
	s0 =	sadd.s32 s10, s0;
	[dreg:$0x9] =	wrdreg s22  }
0x16: {  	s8 =	smul.u32 $0x7D, s8;
	s23 =	smax.u32 s13, $0x1;
	[dreg:$0xd] =	wrdreg s0  }
0x17: {  	s18 =	sadd.s32 s6, s24;
	s15 =	sadd.s32 s7, s25;
	[dreg:$0xf] =	wrdreg s23  }
0x18: {  	s5 =	sadd.s32 s10, s5;
	s12 =	sadd.s32 $0x20, s15;
	[dreg:$0xa] =	wrdreg s18  }
0x19: {  	s10 =	simm.s32 $0x3;
	s21 =	sadd.s32 $0xA, s18;
	[dreg:$0xb] =	wrdreg s12  }
0x1a: {  	s22 =	sadd.s32 $0x27000, s5;
	s24 =	sadd.s32 s19, s26;
	[dreg:$0xc] =	wrdreg s21  }
0x1b: {  	s25 =	sadd.s32 s8, s20;
	s8 =	simm.s32 $0x7;
	[dreg:$0xe] =	wrdreg s22  }
0x1c: {  	s26 =	sadd.s32 $0xA0, s24;
	s5 =	sshll.u32 s25, $0x5;
	s0 =	sadd.s32 $0xF0, s24  }
0x1d: {  	s24 =	simm.s32 $0x9;
	s12 =	simm.s32 $0x0;
	[dreg:$0x10] =	wrdreg s26  }
0x1e: {  	s5 =	sadd.s32 s5, s7;
	s0 =	sshrl.u32 s0, $0x3;
	s26 =	simm.s32 $0x100  }
0x1f: {  	s7 =	simm.s32 $0x2;
	s21 =	sadd.s32 $0x40, s5;
	s0 =	sadd.s32 s0, s6  }
0x20: {  	s23 =	sadd.s32 $0x60, s5;
	s5 =	simm.s32 $0x8;
	[dreg:$0x11] =	wrdreg s0  }
.LBB2_1:
0x21: {  	s0 =	rddreg [dreg:$0x5]  }
0x22: {  	s25 =	rddreg [dreg:$0x6];
	s13 =	sshrl.u32 s0, $0x3  }
0x23: {  	[spmem:s13], [sflag:s9] =	dma.local [hbm:s25], $0x2700  }
0x24: {  	_ =	swait.ge [sflag:s24], $0x2700  }
0x25: {  	[sflag:s24] =	ssyncset.done $0x0  }
0x26: {  	s16 =	sshrl.u32 @p0 s2, $0x3;
	s0 =	rddreg [dreg:$0x7];
	[sflag:s24] =	ssyncadd.s32 $0xFFFFD900  }
0x27: {  	[spmem:s16], [sflag:s9] =	dma.local @p0 [hbm:s0], $0xC80  }
0x28: {  	s16 =	simm.s32 @p0 $0x9  }
0x29: {  	_ =	swait.ge @p0 [sflag:s16], $0xC80  }
0x2a: {  	[sflag:s16] =	ssyncset.done @p0 $0x0  }
0x2b: {  	s0 =	rddreg [dreg:$0x8];
	[sflag:s16] =	ssyncadd.s32 @p0 $0xFFFFF380;
	s16 =	sshrl.u32 @!p1 s11, $0x3  }
0x2c: {  	[spmem:s16], [sflag:s9] =	dma.local @!p1 [hbm:s0], $0x100  }
0x2d: {  	s16 =	simm.s32 @!p1 $0x9  }
0x2e: {  	_ =	swait.ge @!p1 [sflag:s16], $0x100  }
0x2f: {  	[sflag:s16] =	ssyncset.done @!p1 $0x0  }
0x30: {  	[sflag:s16] =	ssyncadd.s32 @!p1 $0xFFFFFF00  }
0x31: {  	[bflag:$0x0] =	sbarrier.arrive $0xFFFF  }
0x32: {  	s15 =	simm.s32 $0x4;
	s14 =	rddreg [dreg:$0x9]  }
0x33: {  	[tilespmem:s3], [sflag:$0x4] =	stream.linear.gather [hbm4b:s14+s3], $0x100, $0x38;
	[tilespmem:$0x1E1C0] =	vst v63  }
0x34: {  	_ =	swait.ge [sflag:s15], $0x100  }
0x35: {  	[sflag:s15] =	ssyncset.done $0x0  }
0x36: {  	s16 =	rddreg [dreg:$0xa];
	[sflag:s15] =	ssyncadd.s32 $0xFFFFFF00  }
0x37: {  	[tilespmem:s26], [sflag:$0x9] =	stream.linear.gather [hbm4b:s16+s3], $0x50, $0x38;
	[tilespmem:$0x1E1C0] =	vst v63  }
0x38: {  	_ =	swait.ge [sflag:s24], $0x50  }
0x39: {  	[sflag:s24] =	ssyncset.done $0x0  }
0x3a: {  	[sflag:s24] =	ssyncadd.s32 $0xFFFFFFB0  }
0x3b: {  	[tilespmem:s29], [sflag:$0x1] =	stream.indirect.gather [hbm4b:s4+s28], $0x80, s3, s28, $0xb8;
	[tilespmem:$0x1E1C0] =	vst v63  }
0x3c: {  	s17 =	simm.s32 $0x80  }
0x3d: {  	[tilespmem:s31], [sflag:$0x2] =	stream.indirect.gather [spmem:s2], $0x80, s17, s28, $0xb8;
	[tilespmem:$0x1E1C0] =	vst v63  }
0x3e: {  	s14 =	simm.s32 $0x5180;
	s18 =	rddreg [dreg:$0xb]  }
0x3f: {  	[tilespmem:s14], [sflag:$0x8] =	stream.linear.gather [hbm4b:s18+s3], $0x100, $0x38;
	[tilespmem:$0x1E1C0] =	vst v63  }
0x40: {  	_ =	swait.ge [sflag:s5], $0x100  }
0x41: {  	[sflag:s5] =	ssyncset.done $0x0  }
0x42: {  	s15 =	simm.s32 $0x5280;
	s19 =	rddreg [dreg:$0xc];
	[sflag:s5] =	ssyncadd.s32 $0xFFFFFF00  }
0x43: {  	[tilespmem:s15], [sflag:$0x9] =	stream.linear.gather [hbm4b:s19+s3], $0x50, $0x38;
	[tilespmem:$0x1E1C0] =	vst v63  }
0x44: {  	_ =	swait.ge [sflag:s24], $0x50  }
0x45: {  	[sflag:s24] =	ssyncset.done $0x0  }
0x46: {  	s20 =	simm.s32 $0x5300;
	[sflag:s24] =	ssyncadd.s32 $0xFFFFFFB0  }
0x47: {  	[tilespmem:s20], [sflag:$0x5] =	stream.indirect.gather [hbm4b:s4+s28], $0x80, s14, s28, $0xb8;
	[tilespmem:$0x1E1C0] =	vst v63  }
0x48: {  	s22 =	simm.s32 $0x5200;
	s25 =	simm.s32 $0x7B00;
	s20 =	rddreg [dreg:$0x10]  }
0x49: {  	[tilespmem:s25], [sflag:$0x6] =	stream.indirect.gather [spmem:s2], $0x80, s22, s28, $0xb8;
	[tilespmem:$0x1E1C0] =	vst v63  }
0x4a: {  	s16 =	simm.s32 $0x0;
	s17 =	simm.s32 $0x0;
	s22 =	rddreg [dreg:$0x11]  }
.LBB2_2:
0x4b: {  	_ =	swait.ge [sflag:s30], $0x2800  }
0x4c: {  	[sflag:s30] =	ssyncset.done $0x0  }
0x4d: {  	[sflag:s30] =	ssyncadd.s32 $0xFFFFD800  }
0x4e: {  	_ =	swait.ge [sflag:s7], $0x2800  }
0x4f: {  	[sflag:s7] =	ssyncset.done $0x0  }
0x50: {  	[sflag:s7] =	ssyncadd.s32 $0xFFFFD800  }
0x51: {  	[spmem:s1] =	stream.indirect.scatter.add.f32 [tilespmem:s29], [sflag:$0x3], $0x80, s26, s28, $0xb8;
	[tilespmem:$0x1E1C0] =	vst v63  }
0x52: {  	p3 =	seq.s32 s16, $0xF80  }
0x53: {  	[spmem:s1] =	stream.indirect.scatter.add.f32 [tilespmem:s31], [sflag:$0x3], $0x80, s26, s28, $0xb8;
	[tilespmem:$0x1E1C0] =	vst v63  }
0x54: {  	s18 =	sadd.s32 @!p3 s16, s21;
	s19 =	simm.s32 @!p3 $0x0  }
0x55: {  	[tilespmem:s19], [sflag:$0x4] =	stream.linear.gather @!p3 [hbm4b:s18+s19], $0x100, $0x38;
	[tilespmem:$0x1E1C0] =	vst v63  }
0x56: {  	s18 =	simm.s32 @!p3 $0x5  }
0x57: {  	_ =	swait.ge @!p3 [sflag:s18], $0x2800  }
0x58: {  	[sflag:s18] =	ssyncset.done @!p3 $0x0  }
0x59: {  	[sflag:s18] =	ssyncadd.s32 @!p3 $0xFFFFD800;
	s18 =	simm.s32 @!p3 $0x6  }
0x5a: {  	_ =	swait.ge @!p3 [sflag:s18], $0x2800  }
0x5b: {  	s14 =	simm.s32 @!p3 $0x5280;
	s15 =	simm.s32 @!p3 $0x5300;
	[sflag:s18] =	ssyncset.done @!p3 $0x0  }
0x5c: {  	p4 =	sgt.u32 @!p3 s17, $0x3C;
	[sflag:s18] =	ssyncadd.s32 @!p3 $0xFFFFD800;
	s18 =	simm.s32 @!p3 $0x50  }
0x5d: {  	[spmem:s1] =	stream.indirect.scatter.add.f32 @!p3 [tilespmem:s15], [sflag:$0x7], $0x80, s14, s18, $0xb8;
	[tilespmem:$0x1E1C0] =	vst v63  }
0x5e: {  	p4 =	por p4, p3;
	s15 =	simm.s32 @!p3 $0x7B00  }
0x5f: {  	[spmem:s1] =	stream.indirect.scatter.add.f32 @!p3 [tilespmem:s15], [sflag:$0x7], $0x80, s14, s18, $0xb8;
	[tilespmem:$0x1E1C0] =	vst v63  }
0x60: {  	s0 =	simm.s32 @!p4 $0x5180;
	s14 =	sadd.s32 @!p4 s16, s23;
	s15 =	simm.s32 @!p4 $0x0  }
0x61: {  	[tilespmem:s0], [sflag:$0x8] =	stream.linear.gather @!p4 [hbm4b:s14+s15], $0x100, $0x38;
	[tilespmem:$0x1E1C0] =	vst v63  }
0x62: {  	s14 =	simm.s32 @!p3 $0x3  }
0x63: {  	_ =	swait.ge @!p3 [sflag:s14], $0x2800  }
0x64: {  	[sflag:s14] =	ssyncset.done @!p3 $0x0  }
0x65: {  	[sflag:s14] =	ssyncadd.s32 @!p3 $0xFFFFD800  }
0x66: {  	_ =	swait.ge @!p3 [sflag:s14], $0x2800  }
0x67: {  	[sflag:s14] =	ssyncset.done @!p3 $0x0  }
0x68: {  	[sflag:s14] =	ssyncadd.s32 @!p3 $0xFFFFD800;
	s14 =	simm.s32 @!p3 $0x4  }
0x69: {  	_ =	swait.ge @!p3 [sflag:s14], $0x100  }
0x6a: {  	s25 =	sshrl.u32 @!p3 s20, $0x3;
	[sflag:s14] =	ssyncset.done @!p3 $0x0  }
0x6b: {  	[sflag:s14] =	ssyncadd.s32 @!p3 $0xFFFFFF00;
	s14 =	sadd.s32 @!p3 s6, s25;
	s25 =	simm.s32 @!p3 $0x100  }
0x6c: {  	[tilespmem:s25], [sflag:$0x9] =	stream.linear.gather @!p3 [hbm4b:s14+s19], $0x50, $0x38;
	[tilespmem:$0x1E1C0] =	vst v63  }
0x6d: {  	s14 =	simm.s32 @!p3 $0x9  }
0x6e: {  	_ =	swait.ge @!p3 [sflag:s14], $0x50  }
0x6f: {  	[sflag:s14] =	ssyncset.done @!p3 $0x0  }
0x70: {  	[sflag:s14] =	ssyncadd.s32 @!p3 $0xFFFFFFB0;
	s14 =	simm.s32 @!p3 $0x180  }
0x71: {  	[tilespmem:s14], [sflag:$0x1] =	stream.indirect.gather @!p3 [hbm4b:s4+s18], $0x80, s19, s18, $0xb8;
	[tilespmem:$0x1E1C0] =	vst v63  }
0x72: {  	s14 =	simm.s32 @!p3 $0x80;
	s19 =	simm.s32 @!p3 $0x2980  }
0x73: {  	[tilespmem:s19], [sflag:$0x2] =	stream.indirect.gather @!p3 [spmem:s2], $0x80, s14, s18, $0xb8;
	[tilespmem:$0x1E1C0] =	vst v63  }
0x74: {  	s14 =	simm.s32 @!p4 $0x7  }
0x75: {  	_ =	swait.ge @!p4 [sflag:s14], $0x2800  }
0x76: {  	[sflag:s14] =	ssyncset.done @!p4 $0x0  }
0x77: {  	[sflag:s14] =	ssyncadd.s32 @!p4 $0xFFFFD800  }
0x78: {  	_ =	swait.ge @!p4 [sflag:s14], $0x2800  }
0x79: {  	[sflag:s14] =	ssyncset.done @!p4 $0x0  }
0x7a: {  	[sflag:s14] =	ssyncadd.s32 @!p4 $0xFFFFD800;
	s14 =	simm.s32 @!p4 $0x8  }
0x7b: {  	_ =	swait.ge @!p4 [sflag:s14], $0x100  }
0x7c: {  	[sflag:s14] =	ssyncset.done @!p4 $0x0  }
0x7d: {  	[sflag:s14] =	ssyncadd.s32 @!p4 $0xFFFFFF00;
	s14 =	simm.s32 @!p4 $0x5280  }
0x7e: {  	[tilespmem:s14], [sflag:$0x9] =	stream.linear.gather @!p4 [hbm4b:s22+s15], $0x50, $0x38;
	[tilespmem:$0x1E1C0] =	vst v63  }
0x7f: {  	s14 =	simm.s32 @!p4 $0x9  }
0x80: {  	_ =	swait.ge @!p4 [sflag:s14], $0x50  }
0x81: {  	[sflag:s14] =	ssyncset.done @!p4 $0x0  }
0x82: {  	s15 =	simm.s32 @!p4 $0x5300;
	[sflag:s14] =	ssyncadd.s32 @!p4 $0xFFFFFFB0;
	s14 =	simm.s32 @!p4 $0x50  }
0x83: {  	[tilespmem:s15], [sflag:$0x5] =	stream.indirect.gather @!p4 [hbm4b:s4+s14], $0x80, s0, s14, $0xb8;
	[tilespmem:$0x1E1C0] =	vst v63  }
0x84: {  	s16 =	sadd.s32 @!p3 $0x40, s16;
	s0 =	simm.s32 @!p4 $0x5200;
	s15 =	simm.s32 @!p4 $0x7B00  }
0x85: {  	[tilespmem:s15], [sflag:$0x6] =	stream.indirect.gather @!p4 [spmem:s2], $0x80, s0, s14, $0xb8;
	[tilespmem:$0x1E1C0] =	vst v63  }
0x86: {  	p4 =	sne.s32 @!p3 s16, $0xFC0  }
0x87: {  	p4 =	por p3, !p4  }
.Ltmp0:
0x88: {  	_ = 	snop;
	(pc) =	sbr.rel @!p4 .LBB2_2-.Ltmp0, $2  }
0x89: {  	_ =	sdelay $0x2  }
0x8a: {  	s17 =	sadd.s32 @!p3 $0x1, s17;
	s20 =	sadd.s32 @!p3 $0xA0, s20;
	s22 =	sadd.s32 @!p3 $0x14, s22  }
0x8b: {  	_ =	swait.ge [sflag:s8], $0x2800  }
0x8c: {  	[sflag:s8] =	ssyncset.done $0x0  }
0x8d: {  	[sflag:s8] =	ssyncadd.s32 $0xFFFFD800  }
0x8e: {  	_ =	swait.ge [sflag:s8], $0x2800  }
0x8f: {  	[sflag:s8] =	ssyncset.done $0x0  }
0x90: {  	[sflag:s8] =	ssyncadd.s32 $0xFFFFD800  }
0x91: {  	_ =	swait.ge [sflag:s10], $0x2800  }
0x92: {  	[sflag:s10] =	ssyncset.done $0x0  }
0x93: {  	[sflag:s10] =	ssyncadd.s32 $0xFFFFD800  }
0x94: {  	_ =	swait.ge [sflag:s10], $0x2800  }
0x95: {  	[sflag:s10] =	ssyncset.done $0x0  }
0x96: {  	[sflag:s10] =	ssyncadd.s32 $0xFFFFD800  }
0x97: {  	[bflag:$0x0] =	sbarrier.arrive $0xFFFF  }
0x98: {  	s0 =	rddreg [dreg:$0xd]  }
0x99: {  	[hbm:s0], [sflag:s9] =	dma.local [spmem:s13], $0x2700  }
0x9a: {  	_ =	swait.ge [sflag:s24], $0x2700  }
0x9b: {  	[sflag:s24] =	ssyncset.done $0x0  }
0x9c: {  	s0 =	sshrl.u32 @!p2 s11, $0x3;
	s13 =	rddreg [dreg:$0xe];
	[sflag:s24] =	ssyncadd.s32 $0xFFFFD900  }
0x9d: {  	[hbm:s13], [sflag:s9] =	dma.local @!p2 [spmem:s0], $0x100  }
0x9e: {  	s0 =	simm.s32 @!p2 $0x9  }
0x9f: {  	_ =	swait.ge @!p2 [sflag:s0], $0x100  }
0xa0: {  	s12 =	sadd.s32 $0x1, s12;
	s25 =	rddreg [dreg:$0xf]  }
0xa1: {  	p3 =	sne.s32 s12, s25  }
.Ltmp1:
0xa2: {  	_ = 	snop;
	(pc) =	sbr.rel @p3 .LBB2_1-.Ltmp1, $3  }
0xa3: {  	_ =	sdelay $0x1  }
0xa4: {  	[sflag:s0] =	ssyncset.done @!p2 $0x0  }
0xa5: {  	[sflag:s0] =	ssyncadd.s32 @!p2 $0xFFFFFF00  }
0xa6: {  	_ =	sfence.sel $0x180000  }
0xa7: {  	[bflag:$0x0] =	sbarrier.arrive $0xFFFF  }
0xa8: {  	_ =	strace $0x9000004A  }
0xa9: {  	s0 =	stileid.u32;
	[bflag:$0x2] =	sbarrier.arrive $0xFFFF  }
0xaa: {  	p0 =	sne.s32 s0, $0x0;
	s0 =	rddreg [dreg:$0x4]  }
0xab: {  	s0 =	sadd.s32 @!p0 $0x100000, s0  }
0xac: {  	[sflag:s0] =	ssyncadd.tile.s32 @!p0 $0x1;
	_ =	shalt  }
.Lfunc_end2:
_tile_overlayer_lowered:
.L_overlay_start_2:
0xad: {  	(tag) =	ssettag $0x2  }
0xae: {  	s0 =	rddreg [dreg:$0x0];
	s2 =	stileid.u32  }
0xaf: {  	s1 =	rddreg [dreg:$0x1];
	p0 =	sne.s32 s2, $0x0  }
0xb0: {  	s3 =	rddreg [dreg:$0x2];
	[bflag:$0x3] =	sbarrier.arrive $0xFFFF;
	s2 =	simm.s32 @!p0 $0x1C09  }
0xb1: {  	[timem:s3], [sflag:s2] =	dma.local @!p0 [hbm:s0], s1  }
0xb2: {  	s0 =	simm.s32 @!p0 $0x9  }
0xb3: {  	_ =	swait.ge @!p0 [sflag:s0], s1  }
0xb4: {  	s1 =	ssub.s32 @!p0 $0x0, s1;
	[sflag:s0] =	ssyncset.done @!p0 $0x0  }
0xb5: {  	[sflag:s0] =	ssyncadd.s32 @!p0 s1  }
0xb6: {  	[bflag:$0x3] =	sbarrier.arrive $0xFFFF  }
0xb7: {  	_ =	shalt  }

// kernel: kernel.15.cloned.1.call-start
scs
__scs_entry_jumppad:
0x0: {  	(pc) =	sbr.rel $0x88, $3  }
0x1: {  	(tag) =	ssettag $0x0;
	lr =	simm.s32 $0x1  }
0x2: {  	[smem:$0x3F96] =	sst lr;
	_ =	strace $0xD0000000  }
0x3: {  	_ = 	snop  }
0x4: {  	_ = 	snop  }
0x5: {  	_ = 	snop  }
0x6: {  	_ = 	snop  }
0x7: {  	_ = 	snop  }
__scs_overlays_trampoline_lowered:
0x8: {  	[smem:$0x3FA5] =	sst s0  }
0x9: {  	[smem:$0x3FA6] =	sst s1  }
0xa: {  	[smem:$0x3FA7] =	sst s2  }
0xb: {  	[smem:$0x3FA8] =	sst s3  }
0xc: {  	[smem:$0x3FA9] =	sst s4  }
0xd: {  	[smem:$0x3FAA] =	sst s5  }
0xe: {  	[smem:$0x3FAB] =	sst s6  }
0xf: {  	[smem:$0x3FAC] =	sst s7  }
0x10: {  	[smem:$0x3FAD] =	sst s8  }
0x11: {  	[smem:$0x3FAE] =	sst s9;
	s0 =	simm.s32 @!p0 $0x0  }
0x12: {  	s1 =	sld [smem:$0x3F94];
	s0 =	simm.s32 @p0 $0x1  }
0x13: {  	[smem:$0x3FAF] =	sst s0;
	s0 =	simm.s32 @!p1 $0x0  }
0x14: {  	s2 =	sld [smem:$0x3F93];
	s0 =	simm.s32 @p1 $0x1  }
0x15: {  	[smem:$0x3FB0] =	sst s0;
	s0 =	simm.s32 @!p2 $0x0  }
0x16: {  	s3 =	sld [smem:$0x3FDB];
	s0 =	simm.s32 @p2 $0x1  }
0x17: {  	s4 =	simm.s32 $0x1BF5;
	[smem:$0x3FB2] =	sst s0  }
0x18: {  	s0 =	sld [smem:$0x3F95];
	_ =	swait.ge [sflag:s4], $0x0  }
0x19: {  	s7 =	sld [smem:$0x3F96]  }
0x1a: {  	s8 =	sadd.s32 $0xFFFFE003, lr  }
0x1b: {  	s9 =	sadd.s32 $0xFFFFFEF7, lr;
	s5 =	simm.s32 $0xFFFFFFFF;
	p2 =	slt.u32 s8, $0xFFFFF086  }
0x1c: {  	p1 =	slt.u32 s9, $0xF7A;
	s5 =	simm.s32 @!p2 $0x0  }
0x1d: {  	s5 =	simm.s32 @p1 $0x1;
	p0 =	seq.s32 s7, s2  }
0x1e: {  	s7 =	smul.u32 @!p0 $0xF7A, s2;
	p2 =	seq.s32 @!p0 s5, $0x0  }
0x1f: {  	s9 =	smul.u32 $0xF7A, s1;
	s8 =	simm.s32 @!p0 $0x1BF5;
	p2 =	por !p2, p0  }
0x20: {  	[sflag:s8] =	ssyncset.s32 @!p0 $0xFFFFF086;
	s6 =	sadd.s32 @!p0 s3, s7;
	s7 =	simm.s32 @!p0 $0x108  }
0x21: {  	s3 =	sadd.s32 s3, s9;
	s6 =	sadd.s32 @!p0 $0x88, s6;
	s7 =	simm.s32 @p2 $0x1082  }
0x22: {  	[simem:s7], [sflag:s8] =	dma.local @!p0 [hbm:s6], $0xF7A  }
0x23: {  	s9 =	sor.u32 $0xD0000000, s2;
	s6 =	simm.s32 $0x108;
	_ =	swait.ge @!p0 [sflag:s8], $0x0  }
0x24: {  	s3 =	sadd.s32 $0x88, s3;
	s6 =	simm.s32 @!p1 $0x1082;
	[sflag:s4] =	ssyncset.s32 $0xFFFFF086  }
0x25: {  	[simem:s6], [sflag:s4] =	dma.local [hbm:s3], $0xF7A  }
0x26: {  	[smem:$0x3F96] =	sst s1;
	(tag) =	ssettag s2;
	_ =	strace s9  }
0x27: {  	s1 =	sld [smem:$0x3FA6]  }
0x28: {  	s2 =	sld [smem:$0x3FA7]  }
0x29: {  	s4 =	sld [smem:$0x3FA9]  }
0x2a: {  	p0 =	seq.s32 s5, $0x0;
	s5 =	sld [smem:$0x3FAA]  }
0x2b: {  	s6 =	sld [smem:$0x3FAB]  }
0x2c: {  	s7 =	sld [smem:$0x3FAC]  }
0x2d: {  	s3 =	simm.s32 $0x108;
	s8 =	sld [smem:$0x3FAD]  }
0x2e: {  	s3 =	simm.s32 @!p0 $0x1082;
	s9 =	sld [smem:$0x3FAE]  }
0x2f: {  	lr =	sadd.s32 s0, s3;
	s0 =	sld [smem:$0x3FA5]  }
0x30: {  	s3 =	sld [smem:$0x3FA8]  }
0x31: {  	[smem:$0x3FB1] =	sst s10  }
0x32: {  	s10 =	sld [smem:$0x3FAF];
	_ =	sdelay $0x3  }
0x33: {  	p0 =	seq.s32 s10, $0x1;
	s10 =	sld [smem:$0x3FB1];
	_ =	sdelay $0x3  }
0x34: {  	[smem:$0x3FB1] =	sst s10  }
0x35: {  	s10 =	sld [smem:$0x3FB0];
	_ =	sdelay $0x3  }
0x36: {  	p1 =	seq.s32 s10, $0x1;
	s10 =	sld [smem:$0x3FB1];
	_ =	sdelay $0x3  }
0x37: {  	[smem:$0x3FB1] =	sst s10  }
0x38: {  	s10 =	sld [smem:$0x3FB2]  }
0x39: {  	_ = 	snop;
	(pc) =	sbr.ind lr, $3  }
0x3a: {  	_ = 	snop  }
0x3b: {  	_ = 	snop  }
0x3c: {  	p2 =	seq.s32 s10, $0x1;
	s10 =	sld [smem:$0x3FB1]  }
0x3d: {  	_ =	shalt  }
0x3e: {  	_ =	shalt  }
0x3f: {  	_ =	shalt  }
0x40: {  	_ =	shalt  }
0x41: {  	_ =	shalt  }
0x42: {  	_ =	shalt  }
0x43: {  	_ =	shalt  }
0x44: {  	_ =	shalt  }
0x45: {  	_ =	shalt  }
0x46: {  	_ =	shalt  }
0x47: {  	_ =	shalt  }
0x48: {  	_ =	shalt  }
0x49: {  	_ =	shalt  }
0x4a: {  	_ =	shalt  }
0x4b: {  	_ =	shalt  }
0x4c: {  	_ =	shalt  }
0x4d: {  	_ =	shalt  }
0x4e: {  	_ =	shalt  }
0x4f: {  	_ =	shalt  }
0x50: {  	_ =	shalt  }
0x51: {  	_ =	shalt  }
0x52: {  	_ =	shalt  }
0x53: {  	_ =	shalt  }
0x54: {  	_ =	shalt  }
0x55: {  	_ =	shalt  }
0x56: {  	_ =	shalt  }
0x57: {  	_ =	shalt  }
0x58: {  	_ =	shalt  }
0x59: {  	_ =	shalt  }
0x5a: {  	_ =	shalt  }
0x5b: {  	_ =	shalt  }
0x5c: {  	_ =	shalt  }
0x5d: {  	_ =	shalt  }
0x5e: {  	_ =	shalt  }
0x5f: {  	_ =	shalt  }
0x60: {  	_ =	shalt  }
0x61: {  	_ =	shalt  }
0x62: {  	_ =	shalt  }
0x63: {  	_ =	shalt  }
0x64: {  	_ =	shalt  }
0x65: {  	_ =	shalt  }
0x66: {  	_ =	shalt  }
0x67: {  	_ =	shalt  }
0x68: {  	_ =	shalt  }
0x69: {  	_ =	shalt  }
0x6a: {  	_ =	shalt  }
0x6b: {  	_ =	shalt  }
0x6c: {  	_ =	shalt  }
0x6d: {  	_ =	shalt  }
0x6e: {  	_ =	shalt  }
0x6f: {  	_ =	shalt  }
0x70: {  	_ =	shalt  }
0x71: {  	_ =	shalt  }
0x72: {  	_ =	shalt  }
0x73: {  	_ =	shalt  }
0x74: {  	_ =	shalt  }
0x75: {  	_ =	shalt  }
0x76: {  	_ =	shalt  }
0x77: {  	_ =	shalt  }
0x78: {  	_ =	shalt  }
0x79: {  	_ =	shalt  }
0x7a: {  	_ =	shalt  }
0x7b: {  	_ =	shalt  }
0x7c: {  	_ =	shalt  }
0x7d: {  	_ =	shalt  }
0x7e: {  	_ =	shalt  }
0x7f: {  	_ =	shalt  }
0x80: {  	_ =	shalt  }
0x81: {  	_ =	shalt  }
0x82: {  	_ =	shalt  }
0x83: {  	_ =	shalt  }
0x84: {  	_ =	shalt  }
0x85: {  	_ =	shalt  }
0x86: {  	_ =	shalt  }
0x87: {  	_ =	shalt  }
.Lfunc_end0:
.L_simem_size_0:
called_computation.2_lowered:
.L_overlay_start_0:
0x88: {  	s2 =	sld [smem:$0x3FD9]  }
0x89: {  	s3 =	sld [smem:$0x3FFE];
	_ =	sdelay $0x1  }
0x8a: {  	s1 =	srdreg.scid  }
0x8b: {  	s0 =	sand.u32 $0x1, s1  }
0x8c: {  	s17 =	sshll.u32 s0, $0xA;
	s2 =	sadd.s32 s3, s2  }
0x8d: {  	s2 =	sadd.s32 s2, s17  }
0x8e: {  	[smem:$0x3FBD] =	sst s2  }
0x8f: {  	_ = 	snop  }
0x90: {  	s2 =	sld [smem:$0x3FD0];
	(tm) =	ssettm $0x1  }
0x91: {  	s18 =	sld [smem:$0x3FFB];
	_ =	sdelay $0x3  }
0x92: {  	_ =	strace s18  }
0x93: {  	s3 =	sld [smem:$0x3FFC];
	_ =	sdelay $0x3  }
0x94: {  	_ =	strace s3  }
0x95: {  	s3 =	sld [smem:$0x3FFD];
	_ =	sdelay $0x3  }
0x96: {  	_ =	strace s3  }
0x97: {  	_ =	strace $0x8FFFFFFF  }
0x98: {  	s19 =	sld [smem:$0x3FDB];
	_ =	sdelay $0x1  }
0x99: {  	s4 =	simm.s32 $_scs_section_size  }
0x9a: {  	s5 =	simm.s32 $_size__tile_overlayer_lowered;
	s6 =	simm.s32 $_tile_overlayer_lowered  }
0x9b: {  	s22 =	simm.s32 $0x1BFF;
	s21 =	sshll.u32 s6, $0x1;
	s3 =	sadd.s32 s4, s19  }
0x9c: {  	s7 =	simm.s32 $0x0;
	s20 =	sshll.u32 s5, $0x1;
	s5 =	sadd.s32 s21, s3  }
0x9d: {  	[timem:s7], [sflag:s22] =	dma.local [hbm:s5], s20  }
0x9e: {  	_ =	swait.ge [sflag:s22], s20  }
0x9f: {  	s4 =	ssub.s32 $0x0, s20;
	[sflag:s22] =	ssyncset.done $0x0  }
0xa0: {  	[sflag:s22] =	ssyncadd.s32 s4;
	_ =	sdelay $0x1  }
0xa1: {  	s23 =	simm.s32 $0x1B8B  }
0xa2: {  	_ =	swait.ge [sflag:s23], $0x1  }
0xa3: {  	[sflag:s23] =	ssyncset.done $0x0  }
0xa4: {  	s25 =	simm.s32 $0x1B8E;
	s24 =	sld [smem:$0x3FFE];
	[sflag:s23] =	ssyncadd.s32 $0xFFFFFFFF  }
0xa5: {  	s26 =	simm.s32 $execute0_lowered;
	[smem:$0x3FD2] =	sst s25  }
0xa6: {  	s5 =	sshll.u32 s26, $0x1;
	_ =	strace $0x8000004C;
	[dreg:$0x1] =	wrdreg $0xFFFFFFFF  }
0xa7: {  	s28 =	simm.s32 $_size_execute0_lowered;
	s3 =	sadd.s32 s3, s5;
	[dreg:$0x0] =	wrdreg $0x0  }
0xa8: {  	s5 =	sshll.u32 s28, $0x1;
	[dreg:$0x2] =	wrdreg s3  }
0xa9: {  	[dreg:$0x3] =	wrdreg s5  }
0xaa: {  	[dreg:$0x4] =	wrdreg $0xC0  }
0xab: {  	_ =	task [dreg:s7], $0x5FFFF  }
0xac: {  	[dreg:$0x1] =	wrdreg $0xFFFFFFFF  }
0xad: {  	[dreg:$0x0] =	wrdreg $0x60  }
0xae: {  	[dreg:$0x2] =	wrdreg s24  }
0xaf: {  	[dreg:$0x3] =	wrdreg s2  }
0xb0: {  	[dreg:$0x4] =	wrdreg $0xA3000  }
0xb1: {  	[dreg:$0x5] =	wrdreg $0x1DB800  }
0xb2: {  	[dreg:$0x6] =	wrdreg $0x9  }
0xb3: {  	_ =	task.clear_ibuf [dreg:s7], $0x7FFFF;
	_ =	strace $0x9000004C  }
0xb4: {  	s29 =	simm.s32 $0x9;
	_ =	strace $0x8000004E  }
0xb5: {  	_ =	swait.ge [sflag:s29], $0x1  }
0xb6: {  	[sflag:s29] =	ssyncadd.s32 $0xFFFFFFFF  }
0xb7: {  	_ =	strace $0x9000004E  }
0xb8: {  	_ =	sfence  }
0xb9: {  	s30 =	sld [smem:$0x0];
	_ =	sdelay $0x2  }
0xba: {  	s31 =	sshll.u32 s1, $0xD;
	s1 =	sshrl.u32 s1, $0x2  }
0xbb: {  	s3 =	sand.u32 $0x4000, s31;
	s1 =	sadd.s32 s1, s30  }
0xbc: {  	s0 =	sor.u32 s3, s0;
	s1 =	sshll.u32 s1, $0x11  }
0xbd: {  	s0 =	sor.u32 s1, s0  }
0xbe: {  	s0 =	sadd.s32 $0x8F2B, s0  }
0xbf: {  	[sflag:s0] =	ssyncadd.remote.s32 $0x1  }
0xc0: {  	_ =	sfence.sel $0xFFFF  }
0xc1: {  	[dreg:$0x0] =	wrdreg $0xFFFFFFFF;
	(pc) =	sbr.abs _section_cstart, $3  }
0xc2: {  	[dreg:$0x1] =	wrdreg $0xFFFFFFFF  }
0xc3: {  	_ =	task.clear_ibuf [dreg:s7], $0x2FFFF;
	_ =	strace $0x9FFFFFFF  }
0xc4: {  	(tm) =	ssettm $0x7FFFFFFF  }
0xc5: {  	_ =	shalt  }
tec
execute0_lowered:
.L_overlay_start_1:
0x0: {  	(tag) =	ssettag $0x1  }
0x1: {  	s0 =	rddreg [dreg:$0x0]  }
0x2: {  	s5 =	rddreg [dreg:$0x1]  }
0x3: {  	s1 =	rddreg [dreg:$0x2]  }
0x4: {  	s2 =	rddreg [dreg:$0x3];
	s3 =	simm.s32 $0x0  }
0x5: {  	s8 =	srdreg.scid;
	s17 =	stileid.u32;
	s28 =	simm.s32 $0x50  }
0x6: {  	s29 =	simm.s32 $0x180;
	s31 =	simm.s32 $0x2980;
	s30 =	simm.s32 $0x1  }
0x7: {  	[smem:$0x7FF] =	sst s3;
	s4 =	sadd.s32 $0xCC00, s0;
	s7 =	sadd.s32 $0x8EA00, s0  }
0x8: {  	s6 =	sadd.s32 $0x2E00, s0;
	s10 =	sadd.s32 $0xADE00, s0;
	s12 =	smul.u32 $0x4E000, s17  }
0x9: {  	s8 =	sand.u32 $0x1, s8;
	s11 =	sshll.u32 s17, $0x1;
	s14 =	smul.u32 $0x2700, s17  }
0xa: {  	s19 =	sshll.u32 s17, $0x6;
	s0 =	sadd.s32 $0x33D00, s0;
	s26 =	smul.u32 $0x4E20, s17  }
0xb: {  	p0 =	seq.s32 s17, $0x0;
	p2 =	sne.s32 s17, $0xF;
	s21 =	smul.u32 $0x27100, s8  }
0xc: {  	_ =	strace $0x8000004D;
	s11 =	sor.u32 s8, s11;
	s23 =	smul.u32 $0x138800, s8  }
0xd: {  	s9 =	ssub.s32 $0x2, s8;
	[dreg:$0x7] =	wrdreg s0;
	s18 =	smul.u32 $0xFA0, s11  }
0xe: {  	p1 =	sne.s32 @!p0 s17, $0xF;
	s13 =	sshrl.u32 s9, $0x1;
	s15 =	smul.u32 $0x2710, s11  }
0xf: {  	s16 =	sshrl.u32 s12, $0x2;
	s20 =	smul.u32 $0x7D00, s11;
	s11 =	sadd.s32 $0x138000, s1  }
0x10: {  	p1 =	por p1, p0;
	s13 =	ssub.s32 s9, s13;
	s9 =	sadd.s32 s16, s1  }
0x11: {  	s16 =	sadd.s32 s5, s14;
	s5 =	sadd.s32 $0x27000, s5;
	[dreg:$0x5] =	wrdreg s9  }
0x12: {  	s0 =	sadd.s32 s14, s21;
	[dreg:$0x6] =	wrdreg s16;
	s9 =	sor.u32 $0x1C09, s19  }
0x13: {  	[dreg:$0x8] =	wrdreg s5;
	s22 =	sadd.s32 s7, s18;
	s24 =	sshrl.u32 s15, $0x3  }
0x14: {  	s25 =	sshrl.u32 s20, $0x3;
	s19 =	smul.u32 $0x2710, s8;
	s5 =	sshrl.u32 s23, $0x3  }
0x15: {  	s20 =	smul.u32 $0xFA, s17;
	s0 =	sadd.s32 s10, s0;
	[dreg:$0x9] =	wrdreg s22  }
0x16: {  	s8 =	smul.u32 $0x7D, s8;
	s23 =	smax.u32 s13, $0x1;
	[dreg:$0xd] =	wrdreg s0  }
0x17: {  	s18 =	sadd.s32 s6, s24;
	s15 =	sadd.s32 s7, s25;
	[dreg:$0xf] =	wrdreg s23  }
0x18: {  	s5 =	sadd.s32 s10, s5;
	s12 =	sadd.s32 $0x20, s15;
	[dreg:$0xa] =	wrdreg s18  }
0x19: {  	s10 =	simm.s32 $0x3;
	s21 =	sadd.s32 $0xA, s18;
	[dreg:$0xb] =	wrdreg s12  }
0x1a: {  	s22 =	sadd.s32 $0x27000, s5;
	s24 =	sadd.s32 s19, s26;
	[dreg:$0xc] =	wrdreg s21  }
0x1b: {  	s25 =	sadd.s32 s8, s20;
	s8 =	simm.s32 $0x7;
	[dreg:$0xe] =	wrdreg s22  }
0x1c: {  	s26 =	sadd.s32 $0xA0, s24;
	s5 =	sshll.u32 s25, $0x5;
	s0 =	sadd.s32 $0xF0, s24  }
0x1d: {  	s24 =	simm.s32 $0x9;
	s12 =	simm.s32 $0x0;
	[dreg:$0x10] =	wrdreg s26  }
0x1e: {  	s5 =	sadd.s32 s5, s7;
	s0 =	sshrl.u32 s0, $0x3;
	s26 =	simm.s32 $0x100  }
0x1f: {  	s7 =	simm.s32 $0x2;
	s21 =	sadd.s32 $0x40, s5;
	s0 =	sadd.s32 s0, s6  }
0x20: {  	s23 =	sadd.s32 $0x60, s5;
	s5 =	simm.s32 $0x8;
	[dreg:$0x11] =	wrdreg s0  }
.LBB2_1:
0x21: {  	s0 =	rddreg [dreg:$0x5]  }
0x22: {  	s25 =	rddreg [dreg:$0x6];
	s13 =	sshrl.u32 s0, $0x3  }
0x23: {  	[spmem:s13], [sflag:s9] =	dma.local [hbm:s25], $0x2700  }
0x24: {  	_ =	swait.ge [sflag:s24], $0x2700  }
0x25: {  	[sflag:s24] =	ssyncset.done $0x0  }
0x26: {  	s16 =	sshrl.u32 @p0 s2, $0x3;
	s0 =	rddreg [dreg:$0x7];
	[sflag:s24] =	ssyncadd.s32 $0xFFFFD900  }
0x27: {  	[spmem:s16], [sflag:s9] =	dma.local @p0 [hbm:s0], $0xC80  }
0x28: {  	s16 =	simm.s32 @p0 $0x9  }
0x29: {  	_ =	swait.ge @p0 [sflag:s16], $0xC80  }
0x2a: {  	[sflag:s16] =	ssyncset.done @p0 $0x0  }
0x2b: {  	s0 =	rddreg [dreg:$0x8];
	[sflag:s16] =	ssyncadd.s32 @p0 $0xFFFFF380;
	s16 =	sshrl.u32 @!p1 s11, $0x3  }
0x2c: {  	[spmem:s16], [sflag:s9] =	dma.local @!p1 [hbm:s0], $0x100  }
0x2d: {  	s16 =	simm.s32 @!p1 $0x9  }
0x2e: {  	_ =	swait.ge @!p1 [sflag:s16], $0x100  }
0x2f: {  	[sflag:s16] =	ssyncset.done @!p1 $0x0  }
0x30: {  	[sflag:s16] =	ssyncadd.s32 @!p1 $0xFFFFFF00  }
0x31: {  	[bflag:$0x0] =	sbarrier.arrive $0xFFFF  }
0x32: {  	s15 =	simm.s32 $0x4;
	s14 =	rddreg [dreg:$0x9]  }
0x33: {  	[tilespmem:s3], [sflag:$0x4] =	stream.linear.gather [hbm4b:s14+s3], $0x100, $0x38;
	[tilespmem:$0x1E1C0] =	vst v63  }
0x34: {  	_ =	swait.ge [sflag:s15], $0x100  }
0x35: {  	[sflag:s15] =	ssyncset.done $0x0  }
0x36: {  	s16 =	rddreg [dreg:$0xa];
	[sflag:s15] =	ssyncadd.s32 $0xFFFFFF00  }
0x37: {  	[tilespmem:s26], [sflag:$0x9] =	stream.linear.gather [hbm4b:s16+s3], $0x50, $0x38;
	[tilespmem:$0x1E1C0] =	vst v63  }
0x38: {  	_ =	swait.ge [sflag:s24], $0x50  }
0x39: {  	[sflag:s24] =	ssyncset.done $0x0  }
0x3a: {  	[sflag:s24] =	ssyncadd.s32 $0xFFFFFFB0  }
0x3b: {  	[tilespmem:s29], [sflag:$0x1] =	stream.indirect.gather [hbm4b:s4+s28], $0x80, s3, s28, $0xb8;
	[tilespmem:$0x1E1C0] =	vst v63  }
0x3c: {  	s17 =	simm.s32 $0x80  }
0x3d: {  	[tilespmem:s31], [sflag:$0x2] =	stream.indirect.gather [spmem:s2], $0x80, s17, s28, $0xb8;
	[tilespmem:$0x1E1C0] =	vst v63  }
0x3e: {  	s14 =	simm.s32 $0x5180;
	s18 =	rddreg [dreg:$0xb]  }
0x3f: {  	[tilespmem:s14], [sflag:$0x8] =	stream.linear.gather [hbm4b:s18+s3], $0x100, $0x38;
	[tilespmem:$0x1E1C0] =	vst v63  }
0x40: {  	_ =	swait.ge [sflag:s5], $0x100  }
0x41: {  	[sflag:s5] =	ssyncset.done $0x0  }
0x42: {  	s15 =	simm.s32 $0x5280;
	s19 =	rddreg [dreg:$0xc];
	[sflag:s5] =	ssyncadd.s32 $0xFFFFFF00  }
0x43: {  	[tilespmem:s15], [sflag:$0x9] =	stream.linear.gather [hbm4b:s19+s3], $0x50, $0x38;
	[tilespmem:$0x1E1C0] =	vst v63  }
0x44: {  	_ =	swait.ge [sflag:s24], $0x50  }
0x45: {  	[sflag:s24] =	ssyncset.done $0x0  }
0x46: {  	s20 =	simm.s32 $0x5300;
	[sflag:s24] =	ssyncadd.s32 $0xFFFFFFB0  }
0x47: {  	[tilespmem:s20], [sflag:$0x5] =	stream.indirect.gather [hbm4b:s4+s28], $0x80, s14, s28, $0xb8;
	[tilespmem:$0x1E1C0] =	vst v63  }
0x48: {  	s22 =	simm.s32 $0x5200;
	s25 =	simm.s32 $0x7B00;
	s20 =	rddreg [dreg:$0x10]  }
0x49: {  	[tilespmem:s25], [sflag:$0x6] =	stream.indirect.gather [spmem:s2], $0x80, s22, s28, $0xb8;
	[tilespmem:$0x1E1C0] =	vst v63  }
0x4a: {  	s16 =	simm.s32 $0x0;
	s17 =	simm.s32 $0x0;
	s22 =	rddreg [dreg:$0x11]  }
.LBB2_2:
0x4b: {  	_ =	swait.ge [sflag:s30], $0x2800  }
0x4c: {  	[sflag:s30] =	ssyncset.done $0x0  }
0x4d: {  	[sflag:s30] =	ssyncadd.s32 $0xFFFFD800  }
0x4e: {  	_ =	swait.ge [sflag:s7], $0x2800  }
0x4f: {  	[sflag:s7] =	ssyncset.done $0x0  }
0x50: {  	[sflag:s7] =	ssyncadd.s32 $0xFFFFD800  }
0x51: {  	[spmem:s1] =	stream.indirect.scatter.add.f32 [tilespmem:s29], [sflag:$0x3], $0x80, s26, s28, $0xb8;
	[tilespmem:$0x1E1C0] =	vst v63  }
0x52: {  	p3 =	seq.s32 s16, $0xF80  }
0x53: {  	[spmem:s1] =	stream.indirect.scatter.add.f32 [tilespmem:s31], [sflag:$0x3], $0x80, s26, s28, $0xb8;
	[tilespmem:$0x1E1C0] =	vst v63  }
0x54: {  	s18 =	sadd.s32 @!p3 s16, s21;
	s19 =	simm.s32 @!p3 $0x0  }
0x55: {  	[tilespmem:s19], [sflag:$0x4] =	stream.linear.gather @!p3 [hbm4b:s18+s19], $0x100, $0x38;
	[tilespmem:$0x1E1C0] =	vst v63  }
0x56: {  	s18 =	simm.s32 @!p3 $0x5  }
0x57: {  	_ =	swait.ge @!p3 [sflag:s18], $0x2800  }
0x58: {  	[sflag:s18] =	ssyncset.done @!p3 $0x0  }
0x59: {  	[sflag:s18] =	ssyncadd.s32 @!p3 $0xFFFFD800;
	s18 =	simm.s32 @!p3 $0x6  }
0x5a: {  	_ =	swait.ge @!p3 [sflag:s18], $0x2800  }
0x5b: {  	s14 =	simm.s32 @!p3 $0x5280;
	s15 =	simm.s32 @!p3 $0x5300;
	[sflag:s18] =	ssyncset.done @!p3 $0x0  }
0x5c: {  	p4 =	sgt.u32 @!p3 s17, $0x3C;
	[sflag:s18] =	ssyncadd.s32 @!p3 $0xFFFFD800;
	s18 =	simm.s32 @!p3 $0x50  }
0x5d: {  	[spmem:s1] =	stream.indirect.scatter.add.f32 @!p3 [tilespmem:s15], [sflag:$0x7], $0x80, s14, s18, $0xb8;
	[tilespmem:$0x1E1C0] =	vst v63  }
0x5e: {  	p4 =	por p4, p3;
	s15 =	simm.s32 @!p3 $0x7B00  }
0x5f: {  	[spmem:s1] =	stream.indirect.scatter.add.f32 @!p3 [tilespmem:s15], [sflag:$0x7], $0x80, s14, s18, $0xb8;
	[tilespmem:$0x1E1C0] =	vst v63  }
0x60: {  	s0 =	simm.s32 @!p4 $0x5180;
	s14 =	sadd.s32 @!p4 s16, s23;
	s15 =	simm.s32 @!p4 $0x0  }
0x61: {  	[tilespmem:s0], [sflag:$0x8] =	stream.linear.gather @!p4 [hbm4b:s14+s15], $0x100, $0x38;
	[tilespmem:$0x1E1C0] =	vst v63  }
0x62: {  	s14 =	simm.s32 @!p3 $0x3  }
0x63: {  	_ =	swait.ge @!p3 [sflag:s14], $0x2800  }
0x64: {  	[sflag:s14] =	ssyncset.done @!p3 $0x0  }
0x65: {  	[sflag:s14] =	ssyncadd.s32 @!p3 $0xFFFFD800  }
0x66: {  	_ =	swait.ge @!p3 [sflag:s14], $0x2800  }
0x67: {  	[sflag:s14] =	ssyncset.done @!p3 $0x0  }
0x68: {  	[sflag:s14] =	ssyncadd.s32 @!p3 $0xFFFFD800;
	s14 =	simm.s32 @!p3 $0x4  }
0x69: {  	_ =	swait.ge @!p3 [sflag:s14], $0x100  }
0x6a: {  	s25 =	sshrl.u32 @!p3 s20, $0x3;
	[sflag:s14] =	ssyncset.done @!p3 $0x0  }
0x6b: {  	[sflag:s14] =	ssyncadd.s32 @!p3 $0xFFFFFF00;
	s14 =	sadd.s32 @!p3 s6, s25;
	s25 =	simm.s32 @!p3 $0x100  }
0x6c: {  	[tilespmem:s25], [sflag:$0x9] =	stream.linear.gather @!p3 [hbm4b:s14+s19], $0x50, $0x38;
	[tilespmem:$0x1E1C0] =	vst v63  }
0x6d: {  	s14 =	simm.s32 @!p3 $0x9  }
0x6e: {  	_ =	swait.ge @!p3 [sflag:s14], $0x50  }
0x6f: {  	[sflag:s14] =	ssyncset.done @!p3 $0x0  }
0x70: {  	[sflag:s14] =	ssyncadd.s32 @!p3 $0xFFFFFFB0;
	s14 =	simm.s32 @!p3 $0x180  }
0x71: {  	[tilespmem:s14], [sflag:$0x1] =	stream.indirect.gather @!p3 [hbm4b:s4+s18], $0x80, s19, s18, $0xb8;
	[tilespmem:$0x1E1C0] =	vst v63  }
0x72: {  	s14 =	simm.s32 @!p3 $0x80;
	s19 =	simm.s32 @!p3 $0x2980  }
0x73: {  	[tilespmem:s19], [sflag:$0x2] =	stream.indirect.gather @!p3 [spmem:s2], $0x80, s14, s18, $0xb8;
	[tilespmem:$0x1E1C0] =	vst v63  }
0x74: {  	s14 =	simm.s32 @!p4 $0x7  }
0x75: {  	_ =	swait.ge @!p4 [sflag:s14], $0x2800  }
0x76: {  	[sflag:s14] =	ssyncset.done @!p4 $0x0  }
0x77: {  	[sflag:s14] =	ssyncadd.s32 @!p4 $0xFFFFD800  }
0x78: {  	_ =	swait.ge @!p4 [sflag:s14], $0x2800  }
0x79: {  	[sflag:s14] =	ssyncset.done @!p4 $0x0  }
0x7a: {  	[sflag:s14] =	ssyncadd.s32 @!p4 $0xFFFFD800;
	s14 =	simm.s32 @!p4 $0x8  }
0x7b: {  	_ =	swait.ge @!p4 [sflag:s14], $0x100  }
0x7c: {  	[sflag:s14] =	ssyncset.done @!p4 $0x0  }
0x7d: {  	[sflag:s14] =	ssyncadd.s32 @!p4 $0xFFFFFF00;
	s14 =	simm.s32 @!p4 $0x5280  }
0x7e: {  	[tilespmem:s14], [sflag:$0x9] =	stream.linear.gather @!p4 [hbm4b:s22+s15], $0x50, $0x38;
	[tilespmem:$0x1E1C0] =	vst v63  }
0x7f: {  	s14 =	simm.s32 @!p4 $0x9  }
0x80: {  	_ =	swait.ge @!p4 [sflag:s14], $0x50  }
0x81: {  	[sflag:s14] =	ssyncset.done @!p4 $0x0  }
0x82: {  	s15 =	simm.s32 @!p4 $0x5300;
	[sflag:s14] =	ssyncadd.s32 @!p4 $0xFFFFFFB0;
	s14 =	simm.s32 @!p4 $0x50  }
0x83: {  	[tilespmem:s15], [sflag:$0x5] =	stream.indirect.gather @!p4 [hbm4b:s4+s14], $0x80, s0, s14, $0xb8;
	[tilespmem:$0x1E1C0] =	vst v63  }
0x84: {  	s16 =	sadd.s32 @!p3 $0x40, s16;
	s0 =	simm.s32 @!p4 $0x5200;
	s15 =	simm.s32 @!p4 $0x7B00  }
0x85: {  	[tilespmem:s15], [sflag:$0x6] =	stream.indirect.gather @!p4 [spmem:s2], $0x80, s0, s14, $0xb8;
	[tilespmem:$0x1E1C0] =	vst v63  }
0x86: {  	p4 =	sne.s32 @!p3 s16, $0xFC0  }
0x87: {  	p4 =	por p3, !p4  }
.Ltmp0:
0x88: {  	_ = 	snop;
	(pc) =	sbr.rel @!p4 .LBB2_2-.Ltmp0, $2  }
0x89: {  	_ =	sdelay $0x2  }
0x8a: {  	s17 =	sadd.s32 @!p3 $0x1, s17;
	s20 =	sadd.s32 @!p3 $0xA0, s20;
	s22 =	sadd.s32 @!p3 $0x14, s22  }
0x8b: {  	_ =	swait.ge [sflag:s8], $0x2800  }
0x8c: {  	[sflag:s8] =	ssyncset.done $0x0  }
0x8d: {  	[sflag:s8] =	ssyncadd.s32 $0xFFFFD800  }
0x8e: {  	_ =	swait.ge [sflag:s8], $0x2800  }
0x8f: {  	[sflag:s8] =	ssyncset.done $0x0  }
0x90: {  	[sflag:s8] =	ssyncadd.s32 $0xFFFFD800  }
0x91: {  	_ =	swait.ge [sflag:s10], $0x2800  }
0x92: {  	[sflag:s10] =	ssyncset.done $0x0  }
0x93: {  	[sflag:s10] =	ssyncadd.s32 $0xFFFFD800  }
0x94: {  	_ =	swait.ge [sflag:s10], $0x2800  }
0x95: {  	[sflag:s10] =	ssyncset.done $0x0  }
0x96: {  	[sflag:s10] =	ssyncadd.s32 $0xFFFFD800  }
0x97: {  	[bflag:$0x0] =	sbarrier.arrive $0xFFFF  }
0x98: {  	s0 =	rddreg [dreg:$0xd]  }
0x99: {  	[hbm:s0], [sflag:s9] =	dma.local [spmem:s13], $0x2700  }
0x9a: {  	_ =	swait.ge [sflag:s24], $0x2700  }
0x9b: {  	[sflag:s24] =	ssyncset.done $0x0  }
0x9c: {  	s0 =	sshrl.u32 @!p2 s11, $0x3;
	s13 =	rddreg [dreg:$0xe];
	[sflag:s24] =	ssyncadd.s32 $0xFFFFD900  }
0x9d: {  	[hbm:s13], [sflag:s9] =	dma.local @!p2 [spmem:s0], $0x100  }
0x9e: {  	s0 =	simm.s32 @!p2 $0x9  }
0x9f: {  	_ =	swait.ge @!p2 [sflag:s0], $0x100  }
0xa0: {  	s12 =	sadd.s32 $0x1, s12;
	s25 =	rddreg [dreg:$0xf]  }
0xa1: {  	p3 =	sne.s32 s12, s25  }
.Ltmp1:
0xa2: {  	_ = 	snop;
	(pc) =	sbr.rel @p3 .LBB2_1-.Ltmp1, $3  }
0xa3: {  	_ =	sdelay $0x1  }
0xa4: {  	[sflag:s0] =	ssyncset.done @!p2 $0x0  }
0xa5: {  	[sflag:s0] =	ssyncadd.s32 @!p2 $0xFFFFFF00  }
0xa6: {  	_ =	sfence.sel $0x180000  }
0xa7: {  	[bflag:$0x0] =	sbarrier.arrive $0xFFFF  }
0xa8: {  	_ =	strace $0x9000004D  }
0xa9: {  	s0 =	stileid.u32;
	[bflag:$0x2] =	sbarrier.arrive $0xFFFF  }
0xaa: {  	p0 =	sne.s32 s0, $0x0;
	s0 =	rddreg [dreg:$0x4]  }
0xab: {  	s0 =	sadd.s32 @!p0 $0x100000, s0  }
0xac: {  	[sflag:s0] =	ssyncadd.tile.s32 @!p0 $0x1;
	_ =	shalt  }
.Lfunc_end2:
_tile_overlayer_lowered:
.L_overlay_start_2:
0xad: {  	(tag) =	ssettag $0x2  }
0xae: {  	s0 =	rddreg [dreg:$0x0];
	s2 =	stileid.u32  }
0xaf: {  	s1 =	rddreg [dreg:$0x1];
	p0 =	sne.s32 s2, $0x0  }
0xb0: {  	s3 =	rddreg [dreg:$0x2];
	[bflag:$0x3] =	sbarrier.arrive $0xFFFF;
	s2 =	simm.s32 @!p0 $0x1C09  }
0xb1: {  	[timem:s3], [sflag:s2] =	dma.local @!p0 [hbm:s0], s1  }
0xb2: {  	s0 =	simm.s32 @!p0 $0x9  }
0xb3: {  	_ =	swait.ge @!p0 [sflag:s0], s1  }
0xb4: {  	s1 =	ssub.s32 @!p0 $0x0, s1;
	[sflag:s0] =	ssyncset.done @!p0 $0x0  }
0xb5: {  	[sflag:s0] =	ssyncadd.s32 @!p0 s1  }
0xb6: {  	[bflag:$0x3] =	sbarrier.arrive $0xFFFF  }
0xb7: {  	_ =	shalt  }

// kernel: kernel.9.cloned.1.call-start
scs
__scs_entry_jumppad:
0x0: {  	(pc) =	sbr.rel $0x88, $3  }
0x1: {  	(tag) =	ssettag $0x0;
	lr =	simm.s32 $0x1  }
0x2: {  	[smem:$0x3F96] =	sst lr;
	_ =	strace $0xD0000000  }
0x3: {  	_ = 	snop  }
0x4: {  	_ = 	snop  }
0x5: {  	_ = 	snop  }
0x6: {  	_ = 	snop  }
0x7: {  	_ = 	snop  }
__scs_overlays_trampoline_lowered:
0x8: {  	[smem:$0x3FA5] =	sst s0  }
0x9: {  	[smem:$0x3FA6] =	sst s1  }
0xa: {  	[smem:$0x3FA7] =	sst s2  }
0xb: {  	[smem:$0x3FA8] =	sst s3  }
0xc: {  	[smem:$0x3FA9] =	sst s4  }
0xd: {  	[smem:$0x3FAA] =	sst s5  }
0xe: {  	[smem:$0x3FAB] =	sst s6  }
0xf: {  	[smem:$0x3FAC] =	sst s7  }
0x10: {  	[smem:$0x3FAD] =	sst s8  }
0x11: {  	[smem:$0x3FAE] =	sst s9;
	s0 =	simm.s32 @!p0 $0x0  }
0x12: {  	s1 =	sld [smem:$0x3F94];
	s0 =	simm.s32 @p0 $0x1  }
0x13: {  	[smem:$0x3FAF] =	sst s0;
	s0 =	simm.s32 @!p1 $0x0  }
0x14: {  	s2 =	sld [smem:$0x3F93];
	s0 =	simm.s32 @p1 $0x1  }
0x15: {  	[smem:$0x3FB0] =	sst s0;
	s0 =	simm.s32 @!p2 $0x0  }
0x16: {  	s3 =	sld [smem:$0x3FDB];
	s0 =	simm.s32 @p2 $0x1  }
0x17: {  	s4 =	simm.s32 $0x1BF5;
	[smem:$0x3FB2] =	sst s0  }
0x18: {  	s0 =	sld [smem:$0x3F95];
	_ =	swait.ge [sflag:s4], $0x0  }
0x19: {  	s7 =	sld [smem:$0x3F96]  }
0x1a: {  	s8 =	sadd.s32 $0xFFFFE003, lr  }
0x1b: {  	s9 =	sadd.s32 $0xFFFFFEF7, lr;
	s5 =	simm.s32 $0xFFFFFFFF;
	p2 =	slt.u32 s8, $0xFFFFF086  }
0x1c: {  	p1 =	slt.u32 s9, $0xF7A;
	s5 =	simm.s32 @!p2 $0x0  }
0x1d: {  	s5 =	simm.s32 @p1 $0x1;
	p0 =	seq.s32 s7, s2  }
0x1e: {  	s7 =	smul.u32 @!p0 $0xF7A, s2;
	p2 =	seq.s32 @!p0 s5, $0x0  }
0x1f: {  	s9 =	smul.u32 $0xF7A, s1;
	s8 =	simm.s32 @!p0 $0x1BF5;
	p2 =	por !p2, p0  }
0x20: {  	[sflag:s8] =	ssyncset.s32 @!p0 $0xFFFFF086;
	s6 =	sadd.s32 @!p0 s3, s7;
	s7 =	simm.s32 @!p0 $0x108  }
0x21: {  	s3 =	sadd.s32 s3, s9;
	s6 =	sadd.s32 @!p0 $0x88, s6;
	s7 =	simm.s32 @p2 $0x1082  }
0x22: {  	[simem:s7], [sflag:s8] =	dma.local @!p0 [hbm:s6], $0xF7A  }
0x23: {  	s9 =	sor.u32 $0xD0000000, s2;
	s6 =	simm.s32 $0x108;
	_ =	swait.ge @!p0 [sflag:s8], $0x0  }
0x24: {  	s3 =	sadd.s32 $0x88, s3;
	s6 =	simm.s32 @!p1 $0x1082;
	[sflag:s4] =	ssyncset.s32 $0xFFFFF086  }
0x25: {  	[simem:s6], [sflag:s4] =	dma.local [hbm:s3], $0xF7A  }
0x26: {  	[smem:$0x3F96] =	sst s1;
	(tag) =	ssettag s2;
	_ =	strace s9  }
0x27: {  	s1 =	sld [smem:$0x3FA6]  }
0x28: {  	s2 =	sld [smem:$0x3FA7]  }
0x29: {  	s4 =	sld [smem:$0x3FA9]  }
0x2a: {  	p0 =	seq.s32 s5, $0x0;
	s5 =	sld [smem:$0x3FAA]  }
0x2b: {  	s6 =	sld [smem:$0x3FAB]  }
0x2c: {  	s7 =	sld [smem:$0x3FAC]  }
0x2d: {  	s3 =	simm.s32 $0x108;
	s8 =	sld [smem:$0x3FAD]  }
0x2e: {  	s3 =	simm.s32 @!p0 $0x1082;
	s9 =	sld [smem:$0x3FAE]  }
0x2f: {  	lr =	sadd.s32 s0, s3;
	s0 =	sld [smem:$0x3FA5]  }
0x30: {  	s3 =	sld [smem:$0x3FA8]  }
0x31: {  	[smem:$0x3FB1] =	sst s10  }
0x32: {  	s10 =	sld [smem:$0x3FAF];
	_ =	sdelay $0x3  }
0x33: {  	p0 =	seq.s32 s10, $0x1;
	s10 =	sld [smem:$0x3FB1];
	_ =	sdelay $0x3  }
0x34: {  	[smem:$0x3FB1] =	sst s10  }
0x35: {  	s10 =	sld [smem:$0x3FB0];
	_ =	sdelay $0x3  }
0x36: {  	p1 =	seq.s32 s10, $0x1;
	s10 =	sld [smem:$0x3FB1];
	_ =	sdelay $0x3  }
0x37: {  	[smem:$0x3FB1] =	sst s10  }
0x38: {  	s10 =	sld [smem:$0x3FB2]  }
0x39: {  	_ = 	snop;
	(pc) =	sbr.ind lr, $3  }
0x3a: {  	_ = 	snop  }
0x3b: {  	_ = 	snop  }
0x3c: {  	p2 =	seq.s32 s10, $0x1;
	s10 =	sld [smem:$0x3FB1]  }
0x3d: {  	_ =	shalt  }
0x3e: {  	_ =	shalt  }
0x3f: {  	_ =	shalt  }
0x40: {  	_ =	shalt  }
0x41: {  	_ =	shalt  }
0x42: {  	_ =	shalt  }
0x43: {  	_ =	shalt  }
0x44: {  	_ =	shalt  }
0x45: {  	_ =	shalt  }
0x46: {  	_ =	shalt  }
0x47: {  	_ =	shalt  }
0x48: {  	_ =	shalt  }
0x49: {  	_ =	shalt  }
0x4a: {  	_ =	shalt  }
0x4b: {  	_ =	shalt  }
0x4c: {  	_ =	shalt  }
0x4d: {  	_ =	shalt  }
0x4e: {  	_ =	shalt  }
0x4f: {  	_ =	shalt  }
0x50: {  	_ =	shalt  }
0x51: {  	_ =	shalt  }
0x52: {  	_ =	shalt  }
0x53: {  	_ =	shalt  }
0x54: {  	_ =	shalt  }
0x55: {  	_ =	shalt  }
0x56: {  	_ =	shalt  }
0x57: {  	_ =	shalt  }
0x58: {  	_ =	shalt  }
0x59: {  	_ =	shalt  }
0x5a: {  	_ =	shalt  }
0x5b: {  	_ =	shalt  }
0x5c: {  	_ =	shalt  }
0x5d: {  	_ =	shalt  }
0x5e: {  	_ =	shalt  }
0x5f: {  	_ =	shalt  }
0x60: {  	_ =	shalt  }
0x61: {  	_ =	shalt  }
0x62: {  	_ =	shalt  }
0x63: {  	_ =	shalt  }
0x64: {  	_ =	shalt  }
0x65: {  	_ =	shalt  }
0x66: {  	_ =	shalt  }
0x67: {  	_ =	shalt  }
0x68: {  	_ =	shalt  }
0x69: {  	_ =	shalt  }
0x6a: {  	_ =	shalt  }
0x6b: {  	_ =	shalt  }
0x6c: {  	_ =	shalt  }
0x6d: {  	_ =	shalt  }
0x6e: {  	_ =	shalt  }
0x6f: {  	_ =	shalt  }
0x70: {  	_ =	shalt  }
0x71: {  	_ =	shalt  }
0x72: {  	_ =	shalt  }
0x73: {  	_ =	shalt  }
0x74: {  	_ =	shalt  }
0x75: {  	_ =	shalt  }
0x76: {  	_ =	shalt  }
0x77: {  	_ =	shalt  }
0x78: {  	_ =	shalt  }
0x79: {  	_ =	shalt  }
0x7a: {  	_ =	shalt  }
0x7b: {  	_ =	shalt  }
0x7c: {  	_ =	shalt  }
0x7d: {  	_ =	shalt  }
0x7e: {  	_ =	shalt  }
0x7f: {  	_ =	shalt  }
0x80: {  	_ =	shalt  }
0x81: {  	_ =	shalt  }
0x82: {  	_ =	shalt  }
0x83: {  	_ =	shalt  }
0x84: {  	_ =	shalt  }
0x85: {  	_ =	shalt  }
0x86: {  	_ =	shalt  }
0x87: {  	_ =	shalt  }
.Lfunc_end0:
.L_simem_size_0:
called_computation_lowered:
.L_overlay_start_0:
0x88: {  	s2 =	sld [smem:$0x3FD9]  }
0x89: {  	s3 =	sld [smem:$0x3FFE];
	_ =	sdelay $0x1  }
0x8a: {  	s1 =	srdreg.scid  }
0x8b: {  	s0 =	sand.u32 $0x1, s1  }
0x8c: {  	s16 =	sshll.u32 s0, $0xA;
	s2 =	sadd.s32 s3, s2  }
0x8d: {  	s2 =	sadd.s32 s2, s16  }
0x8e: {  	[smem:$0x3FBD] =	sst s2  }
0x8f: {  	_ = 	snop  }
0x90: {  	(tm) =	ssettm $0x1  }
0x91: {  	s17 =	sld [smem:$0x3FFB];
	_ =	sdelay $0x3  }
0x92: {  	_ =	strace s17  }
0x93: {  	s2 =	sld [smem:$0x3FFC];
	_ =	sdelay $0x3  }
0x94: {  	_ =	strace s2  }
0x95: {  	s2 =	sld [smem:$0x3FFD];
	_ =	sdelay $0x3  }
0x96: {  	_ =	strace s2  }
0x97: {  	_ =	strace $0x8FFFFFFF  }
0x98: {  	s18 =	sld [smem:$0x3FDB];
	_ =	sdelay $0x1  }
0x99: {  	s19 =	simm.s32 $_scs_section_size  }
0x9a: {  	s4 =	simm.s32 $_size__tile_overlayer_lowered;
	s5 =	simm.s32 $_tile_overlayer_lowered  }
0x9b: {  	s22 =	simm.s32 $0x1BFF;
	s21 =	sshll.u32 s5, $0x1;
	s2 =	sadd.s32 s19, s18  }
0x9c: {  	s6 =	simm.s32 $0x0;
	s20 =	sshll.u32 s4, $0x1;
	s4 =	sadd.s32 s21, s2  }
0x9d: {  	[timem:s6], [sflag:s22] =	dma.local [hbm:s4], s20  }
0x9e: {  	_ =	swait.ge [sflag:s22], s20  }
0x9f: {  	s3 =	ssub.s32 $0x0, s20;
	[sflag:s22] =	ssyncset.done $0x0  }
0xa0: {  	[sflag:s22] =	ssyncadd.s32 s3;
	_ =	sdelay $0x1  }
0xa1: {  	s23 =	simm.s32 $0x1B8B  }
0xa2: {  	_ =	swait.ge [sflag:s23], $0x1  }
0xa3: {  	[sflag:s23] =	ssyncset.done $0x0  }
0xa4: {  	s25 =	simm.s32 $0x1B8E;
	s24 =	sld [smem:$0x3FFE];
	[sflag:s23] =	ssyncadd.s32 $0xFFFFFFFF  }
0xa5: {  	s26 =	simm.s32 $execute0_lowered;
	[smem:$0x3FD2] =	sst s25  }
0xa6: {  	s4 =	sshll.u32 s26, $0x1;
	_ =	strace $0x80000046;
	[dreg:$0x1] =	wrdreg $0xFFFFFFFF  }
0xa7: {  	s28 =	simm.s32 $_size_execute0_lowered;
	s2 =	sadd.s32 s2, s4;
	[dreg:$0x0] =	wrdreg $0x0  }
0xa8: {  	s4 =	sshll.u32 s28, $0x1;
	[dreg:$0x2] =	wrdreg s2  }
0xa9: {  	[dreg:$0x3] =	wrdreg s4  }
0xaa: {  	[dreg:$0x4] =	wrdreg $0xC0  }
0xab: {  	_ =	task [dreg:s6], $0x5FFFF  }
0xac: {  	[dreg:$0x1] =	wrdreg $0xFFFFFFFF  }
0xad: {  	[dreg:$0x0] =	wrdreg $0x60  }
0xae: {  	[dreg:$0x2] =	wrdreg s24  }
0xaf: {  	[dreg:$0x3] =	wrdreg $0x9  }
0xb0: {  	_ =	task.clear_ibuf [dreg:s6], $0x4FFFF;
	_ =	strace $0x90000046  }
0xb1: {  	s29 =	simm.s32 $0x9;
	_ =	strace $0x80000048  }
0xb2: {  	_ =	swait.ge [sflag:s29], $0x1  }
0xb3: {  	[sflag:s29] =	ssyncadd.s32 $0xFFFFFFFF  }
0xb4: {  	_ =	strace $0x90000048  }
0xb5: {  	_ =	sfence  }
0xb6: {  	s30 =	sld [smem:$0x0];
	_ =	sdelay $0x2  }
0xb7: {  	s31 =	sshll.u32 s1, $0xD;
	s1 =	sshrl.u32 s1, $0x2  }
0xb8: {  	s3 =	sand.u32 $0x4000, s31;
	s1 =	sadd.s32 s1, s30  }
0xb9: {  	s0 =	sor.u32 s3, s0;
	s1 =	sshll.u32 s1, $0x11  }
0xba: {  	s0 =	sor.u32 s1, s0  }
0xbb: {  	s0 =	sadd.s32 $0x8F2B, s0  }
0xbc: {  	[sflag:s0] =	ssyncadd.remote.s32 $0x1  }
0xbd: {  	_ =	sfence.sel $0xFFFF  }
0xbe: {  	[dreg:$0x0] =	wrdreg $0xFFFFFFFF;
	(pc) =	sbr.abs _section_cstart, $3  }
0xbf: {  	[dreg:$0x1] =	wrdreg $0xFFFFFFFF  }
0xc0: {  	_ =	task.clear_ibuf [dreg:s6], $0x2FFFF;
	_ =	strace $0x9FFFFFFF  }
0xc1: {  	(tm) =	ssettm $0x7FFFFFFF  }
tec
execute0_lowered:
.L_overlay_start_1:
0x0: {  	(tag) =	ssettag $0x1  }
0x1: {  	s1 =	srdreg.scid  }
0x2: {  	s0 =	stileid.u32;
	s5 =	rddreg [dreg:$0x0]  }
0x3: {  	s2 =	simm.s32 $0x0;
	s3 =	sand.u32 $0x1, s1;
	s4 =	smul.u32 $0x4E20, s0  }
0x4: {  	s1 =	rddreg [dreg:$0x1];
	s7 =	sshll.u32 s0, $0x1;
	s6 =	smul.u32 $0x2710, s3  }
0x5: {  	s9 =	simm.s32 $0x0;
	[smem:$0x7FF] =	sst s2;
	s28 =	sor.u32 s3, s7  }
0x6: {  	s29 =	ssub.s32 $0x2, s3;
	s4 =	sadd.s32 s6, s4;
	s6 =	smul.u32 $0x4E2, s28  }
0x7: {  	_ =	strace $0x80000047;
	s3 =	sadd.s32 $0xCC00, s5;
	s4 =	sshrl.u32 s4, $0x3  }
0x8: {  	s30 =	sshrl.u32 s29, $0x1;
	s8 =	sadd.s32 s4, s5;
	s5 =	sadd.s32 s6, s5  }
0x9: {  	s7 =	simm.s32 $0x200;
	s31 =	ssub.s32 s29, s30;
	s4 =	sadd.s32 $0xD200, s5  }
0xa: {  	v0 =	vimm.f32 $1.000000000e+00;
	s5 =	smax.u32 s31, $0x1;
	s6 =	sadd.s32 $0x2E00, s8;
	s8 =	simm.s32 $0x1  }
.LBB2_1:
0xb: {  	[tilespmem:s7], [sflag:$0x1] =	stream.linear.gather [hbm4b:s3+s2], $0x2780, $0x38;
	[tilespmem:$0x2980] =	vst v63  }
0xc: {  	_ =	swait.ge [sflag:s8], $0x2780  }
0xd: {  	[sflag:s8] =	ssyncset.done $0x0  }
0xe: {  	s10 =	simm.s32 $0x0;
	[sflag:s8] =	ssyncadd.s32 $0xFFFFD880  }
.LBB2_2:
0xf: {  	s11 =	sadd.s32 s10, s6  }
0x10: {  	[tilespmem:s2], [sflag:$0x1] =	stream.linear.gather [hbm4b:s11+s2], $0x190, $0x38;
	[tilespmem:$0x2980] =	vst v63  }
0x11: {  	_ =	swait.ge [sflag:s8], $0x190  }
0x12: {  	[sflag:s8] =	ssyncset.done $0x0  }
0x13: {  	[sflag:s8] =	ssyncadd.s32 $0xFFFFFE70  }
0x14: {  	v1 =	vld [tilespmem:$0x0];
	_ =	sdelay $0x7  }
0x15: {  	[tilespmem:v1+s7+$0x0] =	vst.idx.add.f32.msk $0xffff, v0  }
0x16: {  	v1 =	vld [tilespmem:$0x10];
	_ =	sdelay $0x7  }
0x17: {  	[tilespmem:v1+s7+$0x0] =	vst.idx.add.f32.msk $0xffff, v0  }
0x18: {  	v1 =	vld [tilespmem:$0x20];
	_ =	sdelay $0x7  }
0x19: {  	[tilespmem:v1+s7+$0x0] =	vst.idx.add.f32.msk $0xffff, v0  }
0x1a: {  	v1 =	vld [tilespmem:$0x30];
	_ =	sdelay $0x7  }
0x1b: {  	[tilespmem:v1+s7+$0x0] =	vst.idx.add.f32.msk $0xffff, v0  }
0x1c: {  	v1 =	vld [tilespmem:$0x40];
	_ =	sdelay $0x7  }
0x1d: {  	[tilespmem:v1+s7+$0x0] =	vst.idx.add.f32.msk $0xffff, v0  }
0x1e: {  	v1 =	vld [tilespmem:$0x50];
	_ =	sdelay $0x7  }
0x1f: {  	[tilespmem:v1+s7+$0x0] =	vst.idx.add.f32.msk $0xffff, v0  }
0x20: {  	v1 =	vld [tilespmem:$0x60];
	_ =	sdelay $0x7  }
0x21: {  	[tilespmem:v1+s7+$0x0] =	vst.idx.add.f32.msk $0xffff, v0  }
0x22: {  	v1 =	vld [tilespmem:$0x70];
	_ =	sdelay $0x7  }
0x23: {  	[tilespmem:v1+s7+$0x0] =	vst.idx.add.f32.msk $0xffff, v0  }
0x24: {  	v1 =	vld [tilespmem:$0x80];
	_ =	sdelay $0x7  }
0x25: {  	[tilespmem:v1+s7+$0x0] =	vst.idx.add.f32.msk $0xffff, v0  }
0x26: {  	v1 =	vld [tilespmem:$0x90];
	_ =	sdelay $0x7  }
0x27: {  	[tilespmem:v1+s7+$0x0] =	vst.idx.add.f32.msk $0xffff, v0  }
0x28: {  	v1 =	vld [tilespmem:$0xA0];
	_ =	sdelay $0x7  }
0x29: {  	[tilespmem:v1+s7+$0x0] =	vst.idx.add.f32.msk $0xffff, v0  }
0x2a: {  	v1 =	vld [tilespmem:$0xB0];
	_ =	sdelay $0x7  }
0x2b: {  	[tilespmem:v1+s7+$0x0] =	vst.idx.add.f32.msk $0xffff, v0  }
0x2c: {  	v1 =	vld [tilespmem:$0xC0];
	_ =	sdelay $0x7  }
0x2d: {  	[tilespmem:v1+s7+$0x0] =	vst.idx.add.f32.msk $0xffff, v0  }
0x2e: {  	v1 =	vld [tilespmem:$0xD0];
	_ =	sdelay $0x7  }
0x2f: {  	[tilespmem:v1+s7+$0x0] =	vst.idx.add.f32.msk $0xffff, v0  }
0x30: {  	v1 =	vld [tilespmem:$0xE0];
	_ =	sdelay $0x7  }
0x31: {  	[tilespmem:v1+s7+$0x0] =	vst.idx.add.f32.msk $0xffff, v0  }
0x32: {  	v1 =	vld [tilespmem:$0xF0];
	_ =	sdelay $0x7  }
0x33: {  	[tilespmem:v1+s7+$0x0] =	vst.idx.add.f32.msk $0xffff, v0  }
0x34: {  	v1 =	vld [tilespmem:$0x100];
	_ =	sdelay $0x7  }
0x35: {  	[tilespmem:v1+s7+$0x0] =	vst.idx.add.f32.msk $0xffff, v0  }
0x36: {  	v1 =	vld [tilespmem:$0x110];
	_ =	sdelay $0x7  }
0x37: {  	[tilespmem:v1+s7+$0x0] =	vst.idx.add.f32.msk $0xffff, v0  }
0x38: {  	v1 =	vld [tilespmem:$0x120];
	_ =	sdelay $0x7  }
0x39: {  	[tilespmem:v1+s7+$0x0] =	vst.idx.add.f32.msk $0xffff, v0  }
0x3a: {  	v1 =	vld [tilespmem:$0x130];
	_ =	sdelay $0x7  }
0x3b: {  	[tilespmem:v1+s7+$0x0] =	vst.idx.add.f32.msk $0xffff, v0  }
0x3c: {  	v1 =	vld [tilespmem:$0x140];
	_ =	sdelay $0x7  }
0x3d: {  	[tilespmem:v1+s7+$0x0] =	vst.idx.add.f32.msk $0xffff, v0  }
0x3e: {  	v1 =	vld [tilespmem:$0x150];
	_ =	sdelay $0x7  }
0x3f: {  	[tilespmem:v1+s7+$0x0] =	vst.idx.add.f32.msk $0xffff, v0  }
0x40: {  	v1 =	vld [tilespmem:$0x160];
	_ =	sdelay $0x7  }
0x41: {  	[tilespmem:v1+s7+$0x0] =	vst.idx.add.f32.msk $0xffff, v0  }
0x42: {  	v1 =	vld [tilespmem:$0x170];
	_ =	sdelay $0x7  }
0x43: {  	[tilespmem:v1+s7+$0x0] =	vst.idx.add.f32.msk $0xffff, v0  }
0x44: {  	v1 =	vld [tilespmem:$0x180];
	_ =	sdelay $0x2  }
0x45: {  	p0 =	sne.s32 s10, $0x4B0  }
.Ltmp0:
0x46: {  	_ = 	snop;
	(pc) =	sbr.rel @p0 .LBB2_2-.Ltmp0, $2  }
0x47: {  	_ =	sdelay $0x2  }
0x48: {  	s10 =	sadd.s32 $0x32, s10;
	[tilespmem:v1+s7+$0x0] =	vst.idx.add.f32.msk $0xffff, v0  }
0x49: {  	s9 =	sadd.s32 $0x1, s9  }
0x4a: {  	p0 =	sne.s32 s9, s5  }
.Ltmp1:
0x4b: {  	_ = 	snop;
	(pc) =	sbr.rel @p0 .LBB2_1-.Ltmp1, $4  }
0x4c: {  	[hbm4b:s4+s2] =	stream.linear.scatter [tilespmem:s7], [sflag:$0x1], $0x2710, $0x38;
	[tilespmem:$0x2980] =	vst v63  }
0x4d: {  	_ =	swait.ge [sflag:s8], $0x2710  }
0x4e: {  	[sflag:s8] =	ssyncset.done $0x0  }
0x4f: {  	[sflag:s8] =	ssyncadd.s32 $0xFFFFD8F0  }
0x50: {  	_ =	sfence.sel $0x180000  }
0x51: {  	[bflag:$0x0] =	sbarrier.arrive $0xFFFF  }
0x52: {  	p0 =	sne.s32 s0, $0x0;
	_ =	strace $0x90000047  }
0x53: {  	s0 =	sadd.s32 @!p0 $0x100000, s1;
	[bflag:$0x2] =	sbarrier.arrive $0xFFFF  }
0x54: {  	[sflag:s0] =	ssyncadd.tile.s32 @!p0 $0x1;
	_ =	shalt  }
.Lfunc_end2:
_tile_overlayer_lowered:
.L_overlay_start_2:
0x55: {  	(tag) =	ssettag $0x2  }
0x56: {  	s0 =	rddreg [dreg:$0x0];
	s2 =	stileid.u32  }
0x57: {  	s1 =	rddreg [dreg:$0x1];
	p0 =	sne.s32 s2, $0x0  }
0x58: {  	s3 =	rddreg [dreg:$0x2];
	[bflag:$0x3] =	sbarrier.arrive $0xFFFF;
	s2 =	simm.s32 @!p0 $0x1C01  }
0x59: {  	[timem:s3], [sflag:s2] =	dma.local @!p0 [hbm:s0], s1  }
0x5a: {  	s0 =	simm.s32 @!p0 $0x1  }
0x5b: {  	_ =	swait.ge @!p0 [sflag:s0], s1  }
0x5c: {  	s1 =	ssub.s32 @!p0 $0x0, s1;
	[sflag:s0] =	ssyncset.done @!p0 $0x0  }
0x5d: {  	[sflag:s0] =	ssyncadd.s32 @!p0 s1  }
0x5e: {  	[bflag:$0x3] =	sbarrier.arrive $0xFFFF  }
0x5f: {  	_ =	shalt  }

</sc_bundles>
